<compile_context>
chip_gen: v7x
topology: tpu7x:2x2x1
jax: 0.10.2.dev20260603
libtpu: 0.0.44.dev20260713+nightly
codegen_flags: <defaults>
</compile_context>

<pallas_src>
import math

import jax
import jax.numpy as jnp
from jax import lax
from jax.experimental import pallas as pl
from jax.experimental.pallas import tpu as pltpu
from jax.experimental.pallas import tpu_sc as plsc

_NUM_BUCKETS = 32
_NUM_HEADS = 16
_Q = 4096
_K = 4096
_D = 8192
_BQ = 32

_SC_CORES = 2
_SC_SUBCORES = 16
_SC_WORKERS = _SC_CORES * _SC_SUBCORES
_IDX_PER_WORKER = _D // _SC_WORKERS


def _bucket_kernel(shift_ref, out_ref):
    shift = shift_ref[0]
    t = jax.lax.broadcasted_iota(jnp.int32, (1, _D), 1)
    rel = t - (_Q - 1) + shift
    n = -rel
    half = _NUM_BUCKETS // 2
    neg = jnp.where(n < 0, half, 0)
    n = jnp.abs(n)
    max_exact = half // 2
    scale = (half - max_exact) / math.log(128 / max_exact)
    log_val = (jnp.log(n.astype(jnp.float32) / max_exact + 1e-10)
               * scale).astype(jnp.int32)
    bucket = jnp.where(n < max_exact, n, max_exact + log_val)
    out_ref[...] = jnp.clip(bucket, 0, half - 1) + neg


def _sc_lookup_kernel(table_hbm, idx_hbm, out_hbm, table_v, idx_v, rows_v):
    wid = lax.axis_index("s") * _SC_CORES + lax.axis_index("c")
    base = wid * _IDX_PER_WORKER
    pltpu.sync_copy(table_hbm, table_v)
    pltpu.sync_copy(idx_hbm.at[pl.ds(base, _IDX_PER_WORKER)], idx_v)

    for g in range(_IDX_PER_WORKER // 16):
        idx16 = idx_v[pl.ds(g * 16, 16)]
        row_base = idx16 * _NUM_HEADS
        for h in range(_NUM_HEADS):
            vals = plsc.load_gather(table_v, [row_base + h])
            rows_v[h, pl.ds(g * 16, 16)] = vals
    pltpu.sync_copy(rows_v, out_hbm.at[:, pl.ds(base, _IDX_PER_WORKER)])


_BAND = 91
_PATCH = 384
_PWIN = 640


def _expand_kernel(shift_ref, diag_ref, out_ref, wb_ref):
    i = pl.program_id(0)
    shift = shift_ref[0]
    base_thr = i * _BQ - _BAND - shift
    lb = jnp.clip((base_thr >> 7) << 7, 0, _K - _PATCH)
    lb = pl.multiple_of(lb, 128)

    start = _Q - (i + 1) * _BQ
    pos = start + lb
    pos_al = pl.multiple_of(jnp.clip((pos >> 7) << 7, 0, _D - _PWIN), 128)
    awin = diag_ref[:, pl.ds(pos_al, _PWIN)]
    wb_ref[...] = pltpu.roll(awin, pos_al - pos + _PWIN, axis=1)

    c_lo = jnp.broadcast_to(diag_ref[:, 0:1], (_NUM_HEADS, _K))
    c_hi = jnp.broadcast_to(diag_ref[:, _D - 1:_D], (_NUM_HEADS, _K))
    lane = jax.lax.broadcasted_iota(jnp.int32, (_NUM_HEADS, _K), 1)
    fill = jnp.where(lane <= base_thr, c_lo, c_hi)
    out_ref[...] = jnp.broadcast_to(fill[:, None, :], (_NUM_HEADS, _BQ, _K))
    for r in range(_BQ):
        off = _BQ - 1 - r
        out_ref[:, r, pl.ds(lb, _PATCH)] = wb_ref[:, off:off + _PATCH]


def kernel(query_len, key_len, relative_attention_bias):
    shift = jnp.asarray(key_len - query_len, jnp.int32).reshape(1)

    buckets = pl.pallas_call(
        _bucket_kernel,
        grid_spec=pltpu.PrefetchScalarGridSpec(
            num_scalar_prefetch=1,
            grid=(1,),
            in_specs=[],
            out_specs=pl.BlockSpec((1, _D), lambda i, s: (0, 0)),
        ),
        out_shape=jax.ShapeDtypeStruct((1, _D), jnp.int32),
    )(shift).reshape(_D)

    lookup = pl.kernel(
        _sc_lookup_kernel,
        out_type=jax.ShapeDtypeStruct((_NUM_HEADS, _D), jnp.float32),
        mesh=plsc.VectorSubcoreMesh(core_axis_name="c", subcore_axis_name="s"),
        scratch_types=[
            pltpu.VMEM((_NUM_BUCKETS * _NUM_HEADS,), jnp.float32),
            pltpu.VMEM((_IDX_PER_WORKER,), jnp.int32),
            pltpu.VMEM((_NUM_HEADS, _IDX_PER_WORKER), jnp.float32),
        ],
        compiler_params=pltpu.CompilerParams(needs_layout_passes=False),
    )
    diag = lookup(relative_attention_bias.reshape(-1), buckets)

    out = pl.pallas_call(
        _expand_kernel,
        grid_spec=pltpu.PrefetchScalarGridSpec(
            num_scalar_prefetch=1,
            grid=(_Q // _BQ,),
            in_specs=[pl.BlockSpec((_NUM_HEADS, _D), lambda i, s: (0, 0))],
            out_specs=pl.BlockSpec((_NUM_HEADS, _BQ, _K), lambda i, s: (0, i, 0)),
            scratch_shapes=[pltpu.VMEM((_NUM_HEADS, _PWIN), jnp.float32)],
        ),
        out_shape=jax.ShapeDtypeStruct((_NUM_HEADS, _Q, _K), jnp.float32),
        compiler_params=pltpu.CompilerParams(
            dimension_semantics=("arbitrary",),
        ),
    )(shift, diag)
    return out[None]

# --- scband reference (transcript-rebuilt; emitter-appended) ---
"""Pipeline reference for scband-relative-position-bias-1675037245616 (READ-ONLY COPY).

The authoritative reference and input builder live on the scoring server;
editing this copy changes nothing except your own understanding.
"""

import jax, jax.numpy as jnp
import numpy as np
import math

NUM_BUCKETS = 32
MAX_DISTANCE = 128
NUM_HEADS = 16
QUERY_LEN = 4096
KEY_LEN = 4096


def setup_inputs(seed: int = 0) -> dict:
    key = jax.random.key(seed)
    table = jax.random.normal(key, (NUM_BUCKETS, NUM_HEADS), dtype=jnp.float32) * 0.02
    return {
        "query_len": QUERY_LEN,
        "key_len": KEY_LEN,
        "relative_attention_bias": table,
    }


def _compute_bucket(relative_position, num_buckets=NUM_BUCKETS, max_distance=MAX_DISTANCE):
    n = -relative_position
    half_buckets = num_buckets // 2
    ret = (n < 0).astype(jnp.int64) * half_buckets
    n = jnp.abs(n)
    max_exact = half_buckets // 2
    is_small = n < max_exact
    scale = (half_buckets - max_exact) / math.log(max_distance / max_exact)
    log_val = (jnp.log(n.astype(jnp.float32) / max_exact + 1e-10) * scale).astype(jnp.int64)
    bucket = jnp.where(is_small, n, max_exact + log_val)
    bucket = jnp.clip(bucket, 0, half_buckets - 1)
    ret = ret + bucket
    return ret


def reference(query_len, key_len, relative_attention_bias):
    query_pos = jnp.arange(QUERY_LEN, dtype=jnp.int64) + (query_len - QUERY_LEN)
    key_pos = jnp.arange(KEY_LEN, dtype=jnp.int64) + (key_len - KEY_LEN)
    relative_position = key_pos[None, :] - query_pos[:, None]
    buckets = _compute_bucket(relative_position)
    bias = jnp.take(relative_attention_bias, buckets, axis=0)  # [Q, K, H]
    bias = jnp.transpose(bias, (2, 0, 1))[None, ...]  # [1, H, Q, K]
    return bias

if __name__ == "__main__":
    import jax
    _d = setup_inputs()
    print(jax.jit(kernel)(*tuple(_d.values())))

</pallas_src>

<mosaic_0001>
#map = affine_map<(d0, d1) -> (0)>
#map1 = affine_map<(d0, d1) -> (0, 0)>
module attributes {stable_mosaic.version = 14 : i64} {
  func.func @_sc_lookup_kernel(%arg0: i32, %arg1: i32, %arg2: memref<512xf32, #tpu.memory_space<hbm>>, %arg3: memref<8192xi32, #tpu.memory_space<hbm>>, %arg4: memref<16x8192xf32, #tpu.memory_space<hbm>>, %arg5: memref<512xf32, #tpu.memory_space<vmem>>, %arg6: memref<256xi32, #tpu.memory_space<vmem>>, %arg7: memref<16x256xf32, #tpu.memory_space<vmem>>) attributes {dimension_semantics = [#tpu.dimension_semantics<core_parallel>, #tpu.dimension_semantics<subcore_parallel>], iteration_bounds = array<i64: 2, 16>, scalar_prefetch = 0 : i64, scratch_operands = 3 : i64, tpu.core_type = #tpu.core_type<sc_vector_subcore>, window_params = [{transform_indices = #map}, {transform_indices = #map}, {transform_indices = #map1}]} {
    %mul3A = arith.constant 2 : i32
    %mul3A_0 = arith.muli %arg1, %mul3A : i32
    %add3A = arith.addi %mul3A_0, %arg0 : i32
    %mul3A_1 = arith.constant 256 : i32
    %mul3A_2 = arith.muli %add3A, %mul3A_1 : i32
    "tpu.region"() ({
      %run_scoped3A = tpu.sem_alloc : memref<!tpu.dma_semaphore, #tpu.memory_space<semaphore_mem>>
      tpu.enqueue_dma source(%arg2 : memref<512xf32, #tpu.memory_space<hbm>>) target(%arg5 : memref<512xf32, #tpu.memory_space<vmem>>) target_semaphore(%run_scoped3A : memref<!tpu.dma_semaphore, #tpu.memory_space<semaphore_mem>>)
      tpu.wait_dma2 semaphore(%run_scoped3A : memref<!tpu.dma_semaphore, #tpu.memory_space<semaphore_mem>>) src(%arg2 : memref<512xf32, #tpu.memory_space<hbm>>) dst(%arg5 : memref<512xf32, #tpu.memory_space<vmem>>)
      tpu.yield
    }) : () -> ()
    "tpu.region"() ({
      %run_scoped3A = tpu.sem_alloc : memref<!tpu.dma_semaphore, #tpu.memory_space<semaphore_mem>>
      %dma_start3A = tpu.memref_slice %arg3[%mul3A_2] : memref<8192xi32, #tpu.memory_space<hbm>> -> memref<256xi32, #tpu.memory_space<hbm>>
      %dma_start3A_2128 = tpu.memref_slice %arg3[%mul3A_2] : memref<8192xi32, #tpu.memory_space<hbm>> -> memref<256xi32, #tpu.memory_space<hbm>>
      tpu.enqueue_dma source(%dma_start3A_2128 : memref<256xi32, #tpu.memory_space<hbm>>) target(%arg6 : memref<256xi32, #tpu.memory_space<vmem>>) target_semaphore(%run_scoped3A : memref<!tpu.dma_semaphore, #tpu.memory_space<semaphore_mem>>)
      %dma_wait3A = tpu.memref_slice %arg3[%mul3A_2] : memref<8192xi32, #tpu.memory_space<hbm>> -> memref<256xi32, #tpu.memory_space<hbm>>
      %dma_wait3A_2129 = tpu.memref_slice %arg3[%mul3A_2] : memref<8192xi32, #tpu.memory_space<hbm>> -> memref<256xi32, #tpu.memory_space<hbm>>
      tpu.wait_dma2 semaphore(%run_scoped3A : memref<!tpu.dma_semaphore, #tpu.memory_space<semaphore_mem>>) src(%dma_wait3A_2129 : memref<256xi32, #tpu.memory_space<hbm>>) dst(%arg6 : memref<256xi32, #tpu.memory_space<vmem>>)
      tpu.yield
    }) : () -> ()
    %get3A = arith.constant 0 : index
    %get3A_3 = tpu.vector_load %arg6[%get3A] {strides = array<i32>} : memref<256xi32, #tpu.memory_space<vmem>>, vector<16xi32>,
    %mul3A_4 = arith.constant 16 : i32
    %mul3A_5 = vector.broadcast %mul3A_4 : i32 to vector<16xi32>
    %mul3A_6 = arith.muli %get3A_3, %mul3A_5 : vector<16xi32>
    %add3A_7 = arith.constant 0 : i32
    %add3A_8 = vector.broadcast %add3A_7 : i32 to vector<16xi32>
    %add3A_9 = arith.addi %mul3A_6, %add3A_8 : vector<16xi32>
    %gather3A = tpu.vector_load_idx %arg5[%add3A_9] : memref<512xf32, #tpu.memory_space<vmem>>[vector<16xi32>], vector<16xf32>,
    %swap3A = arith.constant 0 : i32
    %swap3A_10 = arith.index_cast %swap3A : i32 to index
    %swap3A_11 = arith.constant 0 : index
    %swap3A_12 = tpu.vector_load %arg7[%swap3A_10, %swap3A_11] {strides = array<i32>} : memref<16x256xf32, #tpu.memory_space<vmem>>, vector<16xf32>,
    tpu.vector_store %arg7[%swap3A_10, %swap3A_11], %gather3A {strides = array<i32>} : memref<16x256xf32, #tpu.memory_space<vmem>>, vector<16xf32>,
    %add3A_13 = arith.constant 1 : i32
    %add3A_14 = vector.broadcast %add3A_13 : i32 to vector<16xi32>
    %add3A_15 = arith.addi %mul3A_6, %add3A_14 : vector<16xi32>
    %gather3A_16 = tpu.vector_load_idx %arg5[%add3A_15] : memref<512xf32, #tpu.memory_space<vmem>>[vector<16xi32>], vector<16xf32>,
    %swap3A_17 = arith.constant 1 : i32
    %swap3A_18 = arith.index_cast %swap3A_17 : i32 to index
    %swap3A_19 = arith.constant 0 : index
    %swap3A_20 = tpu.vector_load %arg7[%swap3A_18, %swap3A_19] {strides = array<i32>} : memref<16x256xf32, #tpu.memory_space<vmem>>, vector<16xf32>,
    tpu.vector_store %arg7[%swap3A_18, %swap3A_19], %gather3A_16 {strides = array<i32>} : memref<16x256xf32, #tpu.memory_space<vmem>>, vector<16xf32>,
    %add3A_21 = arith.constant 2 : i32
    %add3A_22 = vector.broadcast %add3A_21 : i32 to vector<16xi32>
    %add3A_23 = arith.addi %mul3A_6, %add3A_22 : vector<16xi32>
    %gather3A_24 = tpu.vector_load_idx %arg5[%add3A_23] : memref<512xf32, #tpu.memory_space<vmem>>[vector<16xi32>], vector<16xf32>,
    %swap3A_25 = arith.constant 2 : i32
    %swap3A_26 = arith.index_cast %swap3A_25 : i32 to index
    %swap3A_27 = arith.constant 0 : index
    %swap3A_28 = tpu.vector_load %arg7[%swap3A_26, %swap3A_27] {strides = array<i32>} : memref<16x256xf32, #tpu.memory_space<vmem>>, vector<16xf32>,
    tpu.vector_store %arg7[%swap3A_26, %swap3A_27], %gather3A_24 {strides = array<i32>} : memref<16x256xf32, #tpu.memory_space<vmem>>, vector<16xf32>,
    %add3A_29 = arith.constant 3 : i32
    %add3A_30 = vector.broadcast %add3A_29 : i32 to vector<16xi32>
    %add3A_31 = arith.addi %mul3A_6, %add3A_30 : vector<16xi32>
    %gather3A_32 = tpu.vector_load_idx %arg5[%add3A_31] : memref<512xf32, #tpu.memory_space<vmem>>[vector<16xi32>], vector<16xf32>,
    %swap3A_33 = arith.constant 3 : i32
    %swap3A_34 = arith.index_cast %swap3A_33 : i32 to index
    %swap3A_35 = arith.constant 0 : index
    %swap3A_36 = tpu.vector_load %arg7[%swap3A_34, %swap3A_35] {strides = array<i32>} : memref<16x256xf32, #tpu.memory_space<vmem>>, vector<16xf32>,
    tpu.vector_store %arg7[%swap3A_34, %swap3A_35], %gather3A_32 {strides = array<i32>} : memref<16x256xf32, #tpu.memory_space<vmem>>, vector<16xf32>,
    %add3A_37 = arith.constant 4 : i32
    %add3A_38 = vector.broadcast %add3A_37 : i32 to vector<16xi32>
    %add3A_39 = arith.addi %mul3A_6, %add3A_38 : vector<16xi32>
    %gather3A_40 = tpu.vector_load_idx %arg5[%add3A_39] : memref<512xf32, #tpu.memory_space<vmem>>[vector<16xi32>], vector<16xf32>,
    %swap3A_41 = arith.constant 4 : i32
    %swap3A_42 = arith.index_cast %swap3A_41 : i32 to index
    %swap3A_43 = arith.constant 0 : index
    %swap3A_44 = tpu.vector_load %arg7[%swap3A_42, %swap3A_43] {strides = array<i32>} : memref<16x256xf32, #tpu.memory_space<vmem>>, vector<16xf32>,
    tpu.vector_store %arg7[%swap3A_42, %swap3A_43], %gather3A_40 {strides = array<i32>} : memref<16x256xf32, #tpu.memory_space<vmem>>, vector<16xf32>,
    %add3A_45 = arith.constant 5 : i32
    %add3A_46 = vector.broadcast %add3A_45 : i32 to vector<16xi32>
    %add3A_47 = arith.addi %mul3A_6, %add3A_46 : vector<16xi32>
    %gather3A_48 = tpu.vector_load_idx %arg5[%add3A_47] : memref<512xf32, #tpu.memory_space<vmem>>[vector<16xi32>], vector<16xf32>,
    %swap3A_49 = arith.constant 5 : i32
    %swap3A_50 = arith.index_cast %swap3A_49 : i32 to index
    %swap3A_51 = arith.constant 0 : index
    %swap3A_52 = tpu.vector_load %arg7[%swap3A_50, %swap3A_51] {strides = array<i32>} : memref<16x256xf32, #tpu.memory_space<vmem>>, vector<16xf32>,
    tpu.vector_store %arg7[%swap3A_50, %swap3A_51], %gather3A_48 {strides = array<i32>} : memref<16x256xf32, #tpu.memory_space<vmem>>, vector<16xf32>,
    %add3A_53 = arith.constant 6 : i32
    %add3A_54 = vector.broadcast %add3A_53 : i32 to vector<16xi32>
    %add3A_55 = arith.addi %mul3A_6, %add3A_54 : vector<16xi32>
    %gather3A_56 = tpu.vector_load_idx %arg5[%add3A_55] : memref<512xf32, #tpu.memory_space<vmem>>[vector<16xi32>], vector<16xf32>,
    %swap3A_57 = arith.constant 6 : i32
    %swap3A_58 = arith.index_cast %swap3A_57 : i32 to index
    %swap3A_59 = arith.constant 0 : index
    %swap3A_60 = tpu.vector_load %arg7[%swap3A_58, %swap3A_59] {strides = array<i32>} : memref<16x256xf32, #tpu.memory_space<vmem>>, vector<16xf32>,
    tpu.vector_store %arg7[%swap3A_58, %swap3A_59], %gather3A_56 {strides = array<i32>} : memref<16x256xf32, #tpu.memory_space<vmem>>, vector<16xf32>,
    %add3A_61 = arith.constant 7 : i32
    %add3A_62 = vector.broadcast %add3A_61 : i32 to vector<16xi32>
    %add3A_63 = arith.addi %mul3A_6, %add3A_62 : vector<16xi32>
    %gather3A_64 = tpu.vector_load_idx %arg5[%add3A_63] : memref<512xf32, #tpu.memory_space<vmem>>[vector<16xi32>], vector<16xf32>,
    %swap3A_65 = arith.constant 7 : i32
    %swap3A_66 = arith.index_cast %swap3A_65 : i32 to index
    %swap3A_67 = arith.constant 0 : index
    %swap3A_68 = tpu.vector_load %arg7[%swap3A_66, %swap3A_67] {strides = array<i32>} : memref<16x256xf32, #tpu.memory_space<vmem>>, vector<16xf32>,
    tpu.vector_store %arg7[%swap3A_66, %swap3A_67], %gather3A_64 {strides = array<i32>} : memref<16x256xf32, #tpu.memory_space<vmem>>, vector<16xf32>,
    %add3A_69 = arith.constant 8 : i32
    %add3A_70 = vector.broadcast %add3A_69 : i32 to vector<16xi32>
    %add3A_71 = arith.addi %mul3A_6, %add3A_70 : vector<16xi32>
    %gather3A_72 = tpu.vector_load_idx %arg5[%add3A_71] : memref<512xf32, #tpu.memory_space<vmem>>[vector<16xi32>], vector<16xf32>,
    %swap3A_73 = arith.constant 8 : i32
    %swap3A_74 = arith.index_cast %swap3A_73 : i32 to index
    %swap3A_75 = arith.constant 0 : index
    %swap3A_76 = tpu.vector_load %arg7[%swap3A_74, %swap3A_75] {strides = array<i32>} : memref<16x256xf32, #tpu.memory_space<vmem>>, vector<16xf32>,
    tpu.vector_store %arg7[%swap3A_74, %swap3A_75], %gather3A_72 {strides = array<i32>} : memref<16x256xf32, #tpu.memory_space<vmem>>, vector<16xf32>,
    %add3A_77 = arith.constant 9 : i32
    %add3A_78 = vector.broadcast %add3A_77 : i32 to vector<16xi32>
    %add3A_79 = arith.addi %mul3A_6, %add3A_78 : vector<16xi32>
    %gather3A_80 = tpu.vector_load_idx %arg5[%add3A_79] : memref<512xf32, #tpu.memory_space<vmem>>[vector<16xi32>], vector<16xf32>,
    %swap3A_81 = arith.constant 9 : i32
    %swap3A_82 = arith.index_cast %swap3A_81 : i32 to index
    %swap3A_83 = arith.constant 0 : index
    %swap3A_84 = tpu.vector_load %arg7[%swap3A_82, %swap3A_83] {strides = array<i32>} : memref<16x256xf32, #tpu.memory_space<vmem>>, vector<16xf32>,
    tpu.vector_store %arg7[%swap3A_82, %swap3A_83], %gather3A_80 {strides = array<i32>} : memref<16x256xf32, #tpu.memory_space<vmem>>, vector<16xf32>,
    %add3A_85 = arith.constant 10 : i32
    %add3A_86 = vector.broadcast %add3A_85 : i32 to vector<16xi32>
    %add3A_87 = arith.addi %mul3A_6, %add3A_86 : vector<16xi32>
    %gather3A_88 = tpu.vector_load_idx %arg5[%add3A_87] : memref<512xf32, #tpu.memory_space<vmem>>[vector<16xi32>], vector<16xf32>,
    %swap3A_89 = arith.constant 10 : i32
    %swap3A_90 = arith.index_cast %swap3A_89 : i32 to index
    %swap3A_91 = arith.constant 0 : index
    %swap3A_92 = tpu.vector_load %arg7[%swap3A_90, %swap3A_91] {strides = array<i32>} : memref<16x256xf32, #tpu.memory_space<vmem>>, vector<16xf32>,
    tpu.vector_store %arg7[%swap3A_90, %swap3A_91], %gather3A_88 {strides = array<i32>} : memref<16x256xf32, #tpu.memory_space<vmem>>, vector<16xf32>,
    %add3A_93 = arith.constant 11 : i32
    %add3A_94 = vector.broadcast %add3A_93 : i32 to vector<16xi32>
    %add3A_95 = arith.addi %mul3A_6, %add3A_94 : vector<16xi32>
    %gather3A_96 = tpu.vector_load_idx %arg5[%add3A_95] : memref<512xf32, #tpu.memory_space<vmem>>[vector<16xi32>], vector<16xf32>,
    %swap3A_97 = arith.constant 11 : i32
    %swap3A_98 = arith.index_cast %swap3A_97 : i32 to index
    %swap3A_99 = arith.constant 0 : index
    %swap3A_100 = tpu.vector_load %arg7[%swap3A_98, %swap3A_99] {strides = array<i32>} : memref<16x256xf32, #tpu.memory_space<vmem>>, vector<16xf32>,
    tpu.vector_store %arg7[%swap3A_98, %swap3A_99], %gather3A_96 {strides = array<i32>} : memref<16x256xf32, #tpu.memory_space<vmem>>, vector<16xf32>,
    %add3A_101 = arith.constant 12 : i32
    %add3A_102 = vector.broadcast %add3A_101 : i32 to vector<16xi32>
    %add3A_103 = arith.addi %mul3A_6, %add3A_102 : vector<16xi32>
    %gather3A_104 = tpu.vector_load_idx %arg5[%add3A_103] : memref<512xf32, #tpu.memory_space<vmem>>[vector<16xi32>], vector<16xf32>,
    %swap3A_105 = arith.constant 12 : i32
    %swap3A_106 = arith.index_cast %swap3A_105 : i32 to index
    %swap3A_107 = arith.constant 0 : index
    %swap3A_108 = tpu.vector_load %arg7[%swap3A_106, %swap3A_107] {strides = array<i32>} : memref<16x256xf32, #tpu.memory_space<vmem>>, vector<16xf32>,
    tpu.vector_store %arg7[%swap3A_106, %swap3A_107], %gather3A_104 {strides = array<i32>} : memref<16x256xf32, #tpu.memory_space<vmem>>, vector<16xf32>,
    %add3A_109 = arith.constant 13 : i32
    %add3A_110 = vector.broadcast %add3A_109 : i32 to vector<16xi32>
    %add3A_111 = arith.addi %mul3A_6, %add3A_110 : vector<16xi32>
    %gather3A_112 = tpu.vector_load_idx %arg5[%add3A_111] : memref<512xf32, #tpu.memory_space<vmem>>[vector<16xi32>], vector<16xf32>,
    %swap3A_113 = arith.constant 13 : i32
    %swap3A_114 = arith.index_cast %swap3A_113 : i32 to index
    %swap3A_115 = arith.constant 0 : index
    %swap3A_116 = tpu.vector_load %arg7[%swap3A_114, %swap3A_115] {strides = array<i32>} : memref<16x256xf32, #tpu.memory_space<vmem>>, vector<16xf32>,
    tpu.vector_store %arg7[%swap3A_114, %swap3A_115], %gather3A_112 {strides = array<i32>} : memref<16x256xf32, #tpu.memory_space<vmem>>, vector<16xf32>,
    %add3A_117 = arith.constant 14 : i32
    %add3A_118 = vector.broadcast %add3A_117 : i32 to vector<16xi32>
    %add3A_119 = arith.addi %mul3A_6, %add3A_118 : vector<16xi32>
    %gather3A_120 = tpu.vector_load_idx %arg5[%add3A_119] : memref<512xf32, #tpu.memory_space<vmem>>[vector<16xi32>], vector<16xf32>,
    %swap3A_121 = arith.constant 14 : i32
    %swap3A_122 = arith.index_cast %swap3A_121 : i32 to index
    %swap3A_123 = arith.constant 0 : index
    %swap3A_124 = tpu.vector_load %arg7[%swap3A_122, %swap3A_123] {strides = array<i32>} : memref<16x256xf32, #tpu.memory_space<vmem>>, vector<16xf32>,
    tpu.vector_store %arg7[%swap3A_122, %swap3A_123], %gather3A_120 {strides = array<i32>} : memref<16x256xf32, #tpu.memory_space<vmem>>, vector<16xf32>,
    %add3A_125 = arith.constant 15 : i32
    %add3A_126 = vector.broadcast %add3A_125 : i32 to vector<16xi32>
    %add3A_127 = arith.addi %mul3A_6, %add3A_126 : vector<16xi32>
    %gather3A_128 = tpu.vector_load_idx %arg5[%add3A_127] : memref<512xf32, #tpu.memory_space<vmem>>[vector<16xi32>], vector<16xf32>,
    %swap3A_129 = arith.constant 15 : i32
    %swap3A_130 = arith.index_cast %swap3A_129 : i32 to index
    %swap3A_131 = arith.constant 0 : index
    %swap3A_132 = tpu.vector_load %arg7[%swap3A_130, %swap3A_131] {strides = array<i32>} : memref<16x256xf32, #tpu.memory_space<vmem>>, vector<16xf32>,
    tpu.vector_store %arg7[%swap3A_130, %swap3A_131], %gather3A_128 {strides = array<i32>} : memref<16x256xf32, #tpu.memory_space<vmem>>, vector<16xf32>,
    %get3A_133 = arith.constant 16 : index
    %get3A_134 = tpu.vector_load %arg6[%get3A_133] {strides = array<i32>} : memref<256xi32, #tpu.memory_space<vmem>>, vector<16xi32>,
    %mul3A_135 = arith.constant 16 : i32
    %mul3A_136 = vector.broadcast %mul3A_135 : i32 to vector<16xi32>
    %mul3A_137 = arith.muli %get3A_134, %mul3A_136 : vector<16xi32>
    %add3A_138 = arith.constant 0 : i32
    %add3A_139 = vector.broadcast %add3A_138 : i32 to vector<16xi32>
    %add3A_140 = arith.addi %mul3A_137, %add3A_139 : vector<16xi32>
    %gather3A_141 = tpu.vector_load_idx %arg5[%add3A_140] : memref<512xf32, #tpu.memory_space<vmem>>[vector<16xi32>], vector<16xf32>,
    %swap3A_142 = arith.constant 0 : i32
    %swap3A_143 = arith.index_cast %swap3A_142 : i32 to index
    %swap3A_144 = arith.constant 16 : index
    %swap3A_145 = tpu.vector_load %arg7[%swap3A_143, %swap3A_144] {strides = array<i32>} : memref<16x256xf32, #tpu.memory_space<vmem>>, vector<16xf32>,
    tpu.vector_store %arg7[%swap3A_143, %swap3A_144], %gather3A_141 {strides = array<i32>} : memref<16x256xf32, #tpu.memory_space<vmem>>, vector<16xf32>,
    %add3A_146 = arith.constant 1 : i32
    %add3A_147 = vector.broadcast %add3A_146 : i32 to vector<16xi32>
    %add3A_148 = arith.addi %mul3A_137, %add3A_147 : vector<16xi32>
    %gather3A_149 = tpu.vector_load_idx %arg5[%add3A_148] : memref<512xf32, #tpu.memory_space<vmem>>[vector<16xi32>], vector<16xf32>,
    %swap3A_150 = arith.constant 1 : i32
    %swap3A_151 = arith.index_cast %swap3A_150 : i32 to index
    %swap3A_152 = arith.constant 16 : index
    %swap3A_153 = tpu.vector_load %arg7[%swap3A_151, %swap3A_152] {strides = array<i32>} : memref<16x256xf32, #tpu.memory_space<vmem>>, vector<16xf32>,
    tpu.vector_store %arg7[%swap3A_151, %swap3A_152], %gather3A_149 {strides = array<i32>} : memref<16x256xf32, #tpu.memory_space<vmem>>, vector<16xf32>,
    %add3A_154 = arith.constant 2 : i32
    %add3A_155 = vector.broadcast %add3A_154 : i32 to vector<16xi32>
    %add3A_156 = arith.addi %mul3A_137, %add3A_155 : vector<16xi32>
    %gather3A_157 = tpu.vector_load_idx %arg5[%add3A_156] : memref<512xf32, #tpu.memory_space<vmem>>[vector<16xi32>], vector<16xf32>,
    %swap3A_158 = arith.constant 2 : i32
    %swap3A_159 = arith.index_cast %swap3A_158 : i32 to index
    %swap3A_160 = arith.constant 16 : index
    %swap3A_161 = tpu.vector_load %arg7[%swap3A_159, %swap3A_160] {strides = array<i32>} : memref<16x256xf32, #tpu.memory_space<vmem>>, vector<16xf32>,
    tpu.vector_store %arg7[%swap3A_159, %swap3A_160], %gather3A_157 {strides = array<i32>} : memref<16x256xf32, #tpu.memory_space<vmem>>, vector<16xf32>,
    %add3A_162 = arith.constant 3 : i32
    %add3A_163 = vector.broadcast %add3A_162 : i32 to vector<16xi32>
    %add3A_164 = arith.addi %mul3A_137, %add3A_163 : vector<16xi32>
    %gather3A_165 = tpu.vector_load_idx %arg5[%add3A_164] : memref<512xf32, #tpu.memory_space<vmem>>[vector<16xi32>], vector<16xf32>,
    %swap3A_166 = arith.constant 3 : i32
    %swap3A_167 = arith.index_cast %swap3A_166 : i32 to index
    %swap3A_168 = arith.constant 16 : index
    %swap3A_169 = tpu.vector_load %arg7[%swap3A_167, %swap3A_168] {strides = array<i32>} : memref<16x256xf32, #tpu.memory_space<vmem>>, vector<16xf32>,
    tpu.vector_store %arg7[%swap3A_167, %swap3A_168], %gather3A_165 {strides = array<i32>} : memref<16x256xf32, #tpu.memory_space<vmem>>, vector<16xf32>,
    %add3A_170 = arith.constant 4 : i32
    %add3A_171 = vector.broadcast %add3A_170 : i32 to vector<16xi32>
    %add3A_172 = arith.addi %mul3A_137, %add3A_171 : vector<16xi32>
    %gather3A_173 = tpu.vector_load_idx %arg5[%add3A_172] : memref<512xf32, #tpu.memory_space<vmem>>[vector<16xi32>], vector<16xf32>,
    %swap3A_174 = arith.constant 4 : i32
    %swap3A_175 = arith.index_cast %swap3A_174 : i32 to index
    %swap3A_176 = arith.constant 16 : index
    %swap3A_177 = tpu.vector_load %arg7[%swap3A_175, %swap3A_176] {strides = array<i32>} : memref<16x256xf32, #tpu.memory_space<vmem>>, vector<16xf32>,
    tpu.vector_store %arg7[%swap3A_175, %swap3A_176], %gather3A_173 {strides = array<i32>} : memref<16x256xf32, #tpu.memory_space<vmem>>, vector<16xf32>,
    %add3A_178 = arith.constant 5 : i32
    %add3A_179 = vector.broadcast %add3A_178 : i32 to vector<16xi32>
    %add3A_180 = arith.addi %mul3A_137, %add3A_179 : vector<16xi32>
    %gather3A_181 = tpu.vector_load_idx %arg5[%add3A_180] : memref<512xf32, #tpu.memory_space<vmem>>[vector<16xi32>], vector<16xf32>,
    %swap3A_182 = arith.constant 5 : i32
    %swap3A_183 = arith.index_cast %swap3A_182 : i32 to index
    %swap3A_184 = arith.constant 16 : index
    %swap3A_185 = tpu.vector_load %arg7[%swap3A_183, %swap3A_184] {strides = array<i32>} : memref<16x256xf32, #tpu.memory_space<vmem>>, vector<16xf32>,
    tpu.vector_store %arg7[%swap3A_183, %swap3A_184], %gather3A_181 {strides = array<i32>} : memref<16x256xf32, #tpu.memory_space<vmem>>, vector<16xf32>,
    %add3A_186 = arith.constant 6 : i32
    %add3A_187 = vector.broadcast %add3A_186 : i32 to vector<16xi32>
    %add3A_188 = arith.addi %mul3A_137, %add3A_187 : vector<16xi32>
    %gather3A_189 = tpu.vector_load_idx %arg5[%add3A_188] : memref<512xf32, #tpu.memory_space<vmem>>[vector<16xi32>], vector<16xf32>,
    %swap3A_190 = arith.constant 6 : i32
    %swap3A_191 = arith.index_cast %swap3A_190 : i32 to index
    %swap3A_192 = arith.constant 16 : index
    %swap3A_193 = tpu.vector_load %arg7[%swap3A_191, %swap3A_192] {strides = array<i32>} : memref<16x256xf32, #tpu.memory_space<vmem>>, vector<16xf32>,
    tpu.vector_store %arg7[%swap3A_191, %swap3A_192], %gather3A_189 {strides = array<i32>} : memref<16x256xf32, #tpu.memory_space<vmem>>, vector<16xf32>,
    %add3A_194 = arith.constant 7 : i32
    %add3A_195 = vector.broadcast %add3A_194 : i32 to vector<16xi32>
    %add3A_196 = arith.addi %mul3A_137, %add3A_195 : vector<16xi32>
    %gather3A_197 = tpu.vector_load_idx %arg5[%add3A_196] : memref<512xf32, #tpu.memory_space<vmem>>[vector<16xi32>], vector<16xf32>,
    %swap3A_198 = arith.constant 7 : i32
    %swap3A_199 = arith.index_cast %swap3A_198 : i32 to index
    %swap3A_200 = arith.constant 16 : index
    %swap3A_201 = tpu.vector_load %arg7[%swap3A_199, %swap3A_200] {strides = array<i32>} : memref<16x256xf32, #tpu.memory_space<vmem>>, vector<16xf32>,
    tpu.vector_store %arg7[%swap3A_199, %swap3A_200], %gather3A_197 {strides = array<i32>} : memref<16x256xf32, #tpu.memory_space<vmem>>, vector<16xf32>,
    %add3A_202 = arith.constant 8 : i32
    %add3A_203 = vector.broadcast %add3A_202 : i32 to vector<16xi32>
    %add3A_204 = arith.addi %mul3A_137, %add3A_203 : vector<16xi32>
    %gather3A_205 = tpu.vector_load_idx %arg5[%add3A_204] : memref<512xf32, #tpu.memory_space<vmem>>[vector<16xi32>], vector<16xf32>,
    %swap3A_206 = arith.constant 8 : i32
    %swap3A_207 = arith.index_cast %swap3A_206 : i32 to index
    %swap3A_208 = arith.constant 16 : index
    %swap3A_209 = tpu.vector_load %arg7[%swap3A_207, %swap3A_208] {strides = array<i32>} : memref<16x256xf32, #tpu.memory_space<vmem>>, vector<16xf32>,
    tpu.vector_store %arg7[%swap3A_207, %swap3A_208], %gather3A_205 {strides = array<i32>} : memref<16x256xf32, #tpu.memory_space<vmem>>, vector<16xf32>,
    %add3A_210 = arith.constant 9 : i32
    %add3A_211 = vector.broadcast %add3A_210 : i32 to vector<16xi32>
    %add3A_212 = arith.addi %mul3A_137, %add3A_211 : vector<16xi32>
    %gather3A_213 = tpu.vector_load_idx %arg5[%add3A_212] : memref<512xf32, #tpu.memory_space<vmem>>[vector<16xi32>], vector<16xf32>,
    %swap3A_214 = arith.constant 9 : i32
    %swap3A_215 = arith.index_cast %swap3A_214 : i32 to index
    %swap3A_216 = arith.constant 16 : index
    %swap3A_217 = tpu.vector_load %arg7[%swap3A_215, %swap3A_216] {strides = array<i32>} : memref<16x256xf32, #tpu.memory_space<vmem>>, vector<16xf32>,
    tpu.vector_store %arg7[%swap3A_215, %swap3A_216], %gather3A_213 {strides = array<i32>} : memref<16x256xf32, #tpu.memory_space<vmem>>, vector<16xf32>,
    %add3A_218 = arith.constant 10 : i32
    %add3A_219 = vector.broadcast %add3A_218 : i32 to vector<16xi32>
    %add3A_220 = arith.addi %mul3A_137, %add3A_219 : vector<16xi32>
    %gather3A_221 = tpu.vector_load_idx %arg5[%add3A_220] : memref<512xf32, #tpu.memory_space<vmem>>[vector<16xi32>], vector<16xf32>,
    %swap3A_222 = arith.constant 10 : i32
    %swap3A_223 = arith.index_cast %swap3A_222 : i32 to index
    %swap3A_224 = arith.constant 16 : index
    %swap3A_225 = tpu.vector_load %arg7[%swap3A_223, %swap3A_224] {strides = array<i32>} : memref<16x256xf32, #tpu.memory_space<vmem>>, vector<16xf32>,
    tpu.vector_store %arg7[%swap3A_223, %swap3A_224], %gather3A_221 {strides = array<i32>} : memref<16x256xf32, #tpu.memory_space<vmem>>, vector<16xf32>,
    %add3A_226 = arith.constant 11 : i32
    %add3A_227 = vector.broadcast %add3A_226 : i32 to vector<16xi32>
    %add3A_228 = arith.addi %mul3A_137, %add3A_227 : vector<16xi32>
    %gather3A_229 = tpu.vector_load_idx %arg5[%add3A_228] : memref<512xf32, #tpu.memory_space<vmem>>[vector<16xi32>], vector<16xf32>,
    %swap3A_230 = arith.constant 11 : i32
    %swap3A_231 = arith.index_cast %swap3A_230 : i32 to index
    %swap3A_232 = arith.constant 16 : index
    %swap3A_233 = tpu.vector_load %arg7[%swap3A_231, %swap3A_232] {strides = array<i32>} : memref<16x256xf32, #tpu.memory_space<vmem>>, vector<16xf32>,
    tpu.vector_store %arg7[%swap3A_231, %swap3A_232], %gather3A_229 {strides = array<i32>} : memref<16x256xf32, #tpu.memory_space<vmem>>, vector<16xf32>,
    %add3A_234 = arith.constant 12 : i32
    %add3A_235 = vector.broadcast %add3A_234 : i32 to vector<16xi32>
    %add3A_236 = arith.addi %mul3A_137, %add3A_235 : vector<16xi32>
    %gather3A_237 = tpu.vector_load_idx %arg5[%add3A_236] : memref<512xf32, #tpu.memory_space<vmem>>[vector<16xi32>], vector<16xf32>,
    %swap3A_238 = arith.constant 12 : i32
    %swap3A_239 = arith.index_cast %swap3A_238 : i32 to index
    %swap3A_240 = arith.constant 16 : index
    %swap3A_241 = tpu.vector_load %arg7[%swap3A_239, %swap3A_240] {strides = array<i32>} : memref<16x256xf32, #tpu.memory_space<vmem>>, vector<16xf32>,
    tpu.vector_store %arg7[%swap3A_239, %swap3A_240], %gather3A_237 {strides = array<i32>} : memref<16x256xf32, #tpu.memory_space<vmem>>, vector<16xf32>,
    %add3A_242 = arith.constant 13 : i32
    %add3A_243 = vector.broadcast %add3A_242 : i32 to vector<16xi32>
    %add3A_244 = arith.addi %mul3A_137, %add3A_243 : vector<16xi32>
    %gather3A_245 = tpu.vector_load_idx %arg5[%add3A_244] : memref<512xf32, #tpu.memory_space<vmem>>[vector<16xi32>], vector<16xf32>,
    %swap3A_246 = arith.constant 13 : i32
    %swap3A_247 = arith.index_cast %swap3A_246 : i32 to index
    %swap3A_248 = arith.constant 16 : index
    %swap3A_249 = tpu.vector_load %arg7[%swap3A_247, %swap3A_248] {strides = array<i32>} : memref<16x256xf32, #tpu.memory_space<vmem>>, vector<16xf32>,
    tpu.vector_store %arg7[%swap3A_247, %swap3A_248], %gather3A_245 {strides = array<i32>} : memref<16x256xf32, #tpu.memory_space<vmem>>, vector<16xf32>,
    %add3A_250 = arith.constant 14 : i32
    %add3A_251 = vector.broadcast %add3A_250 : i32 to vector<16xi32>
    %add3A_252 = arith.addi %mul3A_137, %add3A_251 : vector<16xi32>
    %gather3A_253 = tpu.vector_load_idx %arg5[%add3A_252] : memref<512xf32, #tpu.memory_space<vmem>>[vector<16xi32>], vector<16xf32>,
    %swap3A_254 = arith.constant 14 : i32
    %swap3A_255 = arith.index_cast %swap3A_254 : i32 to index
    %swap3A_256 = arith.constant 16 : index
    %swap3A_257 = tpu.vector_load %arg7[%swap3A_255, %swap3A_256] {strides = array<i32>} : memref<16x256xf32, #tpu.memory_space<vmem>>, vector<16xf32>,
    tpu.vector_store %arg7[%swap3A_255, %swap3A_256], %gather3A_253 {strides = array<i32>} : memref<16x256xf32, #tpu.memory_space<vmem>>, vector<16xf32>,
    %add3A_258 = arith.constant 15 : i32
    %add3A_259 = vector.broadcast %add3A_258 : i32 to vector<16xi32>
    %add3A_260 = arith.addi %mul3A_137, %add3A_259 : vector<16xi32>
    %gather3A_261 = tpu.vector_load_idx %arg5[%add3A_260] : memref<512xf32, #tpu.memory_space<vmem>>[vector<16xi32>], vector<16xf32>,
    %swap3A_262 = arith.constant 15 : i32
    %swap3A_263 = arith.index_cast %swap3A_262 : i32 to index
    %swap3A_264 = arith.constant 16 : index
    %swap3A_265 = tpu.vector_load %arg7[%swap3A_263, %swap3A_264] {strides = array<i32>} : memref<16x256xf32, #tpu.memory_space<vmem>>, vector<16xf32>,
    tpu.vector_store %arg7[%swap3A_263, %swap3A_264], %gather3A_261 {strides = array<i32>} : memref<16x256xf32, #tpu.memory_space<vmem>>, vector<16xf32>,
    %get3A_266 = arith.constant 32 : index
    %get3A_267 = tpu.vector_load %arg6[%get3A_266] {strides = array<i32>} : memref<256xi32, #tpu.memory_space<vmem>>, vector<16xi32>,
    %mul3A_268 = arith.constant 16 : i32
    %mul3A_269 = vector.broadcast %mul3A_268 : i32 to vector<16xi32>
    %mul3A_270 = arith.muli %get3A_267, %mul3A_269 : vector<16xi32>
    %add3A_271 = arith.constant 0 : i32
    %add3A_272 = vector.broadcast %add3A_271 : i32 to vector<16xi32>
    %add3A_273 = arith.addi %mul3A_270, %add3A_272 : vector<16xi32>
    %gather3A_274 = tpu.vector_load_idx %arg5[%add3A_273] : memref<512xf32, #tpu.memory_space<vmem>>[vector<16xi32>], vector<16xf32>,
    %swap3A_275 = arith.constant 0 : i32
    %swap3A_276 = arith.index_cast %swap3A_275 : i32 to index
    %swap3A_277 = arith.constant 32 : index
    %swap3A_278 = tpu.vector_load %arg7[%swap3A_276, %swap3A_277] {strides = array<i32>} : memref<16x256xf32, #tpu.memory_space<vmem>>, vector<16xf32>,
    tpu.vector_store %arg7[%swap3A_276, %swap3A_277], %gather3A_274 {strides = array<i32>} : memref<16x256xf32, #tpu.memory_space<vmem>>, vector<16xf32>,
    %add3A_279 = arith.constant 1 : i32
    %add3A_280 = vector.broadcast %add3A_279 : i32 to vector<16xi32>
    %add3A_281 = arith.addi %mul3A_270, %add3A_280 : vector<16xi32>
    %gather3A_282 = tpu.vector_load_idx %arg5[%add3A_281] : memref<512xf32, #tpu.memory_space<vmem>>[vector<16xi32>], vector<16xf32>,
    %swap3A_283 = arith.constant 1 : i32
    %swap3A_284 = arith.index_cast %swap3A_283 : i32 to index
    %swap3A_285 = arith.constant 32 : index
    %swap3A_286 = tpu.vector_load %arg7[%swap3A_284, %swap3A_285] {strides = array<i32>} : memref<16x256xf32, #tpu.memory_space<vmem>>, vector<16xf32>,
    tpu.vector_store %arg7[%swap3A_284, %swap3A_285], %gather3A_282 {strides = array<i32>} : memref<16x256xf32, #tpu.memory_space<vmem>>, vector<16xf32>,
    %add3A_287 = arith.constant 2 : i32
    %add3A_288 = vector.broadcast %add3A_287 : i32 to vector<16xi32>
    %add3A_289 = arith.addi %mul3A_270, %add3A_288 : vector<16xi32>
    %gather3A_290 = tpu.vector_load_idx %arg5[%add3A_289] : memref<512xf32, #tpu.memory_space<vmem>>[vector<16xi32>], vector<16xf32>,
    %swap3A_291 = arith.constant 2 : i32
    %swap3A_292 = arith.index_cast %swap3A_291 : i32 to index
    %swap3A_293 = arith.constant 32 : index
    %swap3A_294 = tpu.vector_load %arg7[%swap3A_292, %swap3A_293] {strides = array<i32>} : memref<16x256xf32, #tpu.memory_space<vmem>>, vector<16xf32>,
    tpu.vector_store %arg7[%swap3A_292, %swap3A_293], %gather3A_290 {strides = array<i32>} : memref<16x256xf32, #tpu.memory_space<vmem>>, vector<16xf32>,
    %add3A_295 = arith.constant 3 : i32
    %add3A_296 = vector.broadcast %add3A_295 : i32 to vector<16xi32>
    %add3A_297 = arith.addi %mul3A_270, %add3A_296 : vector<16xi32>
    %gather3A_298 = tpu.vector_load_idx %arg5[%add3A_297] : memref<512xf32, #tpu.memory_space<vmem>>[vector<16xi32>], vector<16xf32>,
    %swap3A_299 = arith.constant 3 : i32
    %swap3A_300 = arith.index_cast %swap3A_299 : i32 to index
    %swap3A_301 = arith.constant 32 : index
    %swap3A_302 = tpu.vector_load %arg7[%swap3A_300, %swap3A_301] {strides = array<i32>} : memref<16x256xf32, #tpu.memory_space<vmem>>, vector<16xf32>,
    tpu.vector_store %arg7[%swap3A_300, %swap3A_301], %gather3A_298 {strides = array<i32>} : memref<16x256xf32, #tpu.memory_space<vmem>>, vector<16xf32>,
    %add3A_303 = arith.constant 4 : i32
    %add3A_304 = vector.broadcast %add3A_303 : i32 to vector<16xi32>
    %add3A_305 = arith.addi %mul3A_270, %add3A_304 : vector<16xi32>
    %gather3A_306 = tpu.vector_load_idx %arg5[%add3A_305] : memref<512xf32, #tpu.memory_space<vmem>>[vector<16xi32>], vector<16xf32>,
    %swap3A_307 = arith.constant 4 : i32
    %swap3A_308 = arith.index_cast %swap3A_307 : i32 to index
    %swap3A_309 = arith.constant 32 : index
    %swap3A_310 = tpu.vector_load %arg7[%swap3A_308, %swap3A_309] {strides = array<i32>} : memref<16x256xf32, #tpu.memory_space<vmem>>, vector<16xf32>,
    tpu.vector_store %arg7[%swap3A_308, %swap3A_309], %gather3A_306 {strides = array<i32>} : memref<16x256xf32, #tpu.memory_space<vmem>>, vector<16xf32>,
    %add3A_311 = arith.constant 5 : i32
    %add3A_312 = vector.broadcast %add3A_311 : i32 to vector<16xi32>
    %add3A_313 = arith.addi %mul3A_270, %add3A_312 : vector<16xi32>
    %gather3A_314 = tpu.vector_load_idx %arg5[%add3A_313] : memref<512xf32, #tpu.memory_space<vmem>>[vector<16xi32>], vector<16xf32>,
    %swap3A_315 = arith.constant 5 : i32
    %swap3A_316 = arith.index_cast %swap3A_315 : i32 to index
    %swap3A_317 = arith.constant 32 : index
    %swap3A_318 = tpu.vector_load %arg7[%swap3A_316, %swap3A_317] {strides = array<i32>} : memref<16x256xf32, #tpu.memory_space<vmem>>, vector<16xf32>,
    tpu.vector_store %arg7[%swap3A_316, %swap3A_317], %gather3A_314 {strides = array<i32>} : memref<16x256xf32, #tpu.memory_space<vmem>>, vector<16xf32>,
    %add3A_319 = arith.constant 6 : i32
    %add3A_320 = vector.broadcast %add3A_319 : i32 to vector<16xi32>
    %add3A_321 = arith.addi %mul3A_270, %add3A_320 : vector<16xi32>
    %gather3A_322 = tpu.vector_load_idx %arg5[%add3A_321] : memref<512xf32, #tpu.memory_space<vmem>>[vector<16xi32>], vector<16xf32>,
    %swap3A_323 = arith.constant 6 : i32
    %swap3A_324 = arith.index_cast %swap3A_323 : i32 to index
    %swap3A_325 = arith.constant 32 : index
    %swap3A_326 = tpu.vector_load %arg7[%swap3A_324, %swap3A_325] {strides = array<i32>} : memref<16x256xf32, #tpu.memory_space<vmem>>, vector<16xf32>,
    tpu.vector_store %arg7[%swap3A_324, %swap3A_325], %gather3A_322 {strides = array<i32>} : memref<16x256xf32, #tpu.memory_space<vmem>>, vector<16xf32>,
    %add3A_327 = arith.constant 7 : i32
    %add3A_328 = vector.broadcast %add3A_327 : i32 to vector<16xi32>
    %add3A_329 = arith.addi %mul3A_270, %add3A_328 : vector<16xi32>
    %gather3A_330 = tpu.vector_load_idx %arg5[%add3A_329] : memref<512xf32, #tpu.memory_space<vmem>>[vector<16xi32>], vector<16xf32>,
    %swap3A_331 = arith.constant 7 : i32
    %swap3A_332 = arith.index_cast %swap3A_331 : i32 to index
    %swap3A_333 = arith.constant 32 : index
    %swap3A_334 = tpu.vector_load %arg7[%swap3A_332, %swap3A_333] {strides = array<i32>} : memref<16x256xf32, #tpu.memory_space<vmem>>, vector<16xf32>,
    tpu.vector_store %arg7[%swap3A_332, %swap3A_333], %gather3A_330 {strides = array<i32>} : memref<16x256xf32, #tpu.memory_space<vmem>>, vector<16xf32>,
    %add3A_335 = arith.constant 8 : i32
    %add3A_336 = vector.broadcast %add3A_335 : i32 to vector<16xi32>
    %add3A_337 = arith.addi %mul3A_270, %add3A_336 : vector<16xi32>
    %gather3A_338 = tpu.vector_load_idx %arg5[%add3A_337] : memref<512xf32, #tpu.memory_space<vmem>>[vector<16xi32>], vector<16xf32>,
    %swap3A_339 = arith.constant 8 : i32
    %swap3A_340 = arith.index_cast %swap3A_339 : i32 to index
    %swap3A_341 = arith.constant 32 : index
    %swap3A_342 = tpu.vector_load %arg7[%swap3A_340, %swap3A_341] {strides = array<i32>} : memref<16x256xf32, #tpu.memory_space<vmem>>, vector<16xf32>,
    tpu.vector_store %arg7[%swap3A_340, %swap3A_341], %gather3A_338 {strides = array<i32>} : memref<16x256xf32, #tpu.memory_space<vmem>>, vector<16xf32>,
    %add3A_343 = arith.constant 9 : i32
    %add3A_344 = vector.broadcast %add3A_343 : i32 to vector<16xi32>
    %add3A_345 = arith.addi %mul3A_270, %add3A_344 : vector<16xi32>
    %gather3A_346 = tpu.vector_load_idx %arg5[%add3A_345] : memref<512xf32, #tpu.memory_space<vmem>>[vector<16xi32>], vector<16xf32>,
    %swap3A_347 = arith.constant 9 : i32
    %swap3A_348 = arith.index_cast %swap3A_347 : i32 to index
    %swap3A_349 = arith.constant 32 : index
    %swap3A_350 = tpu.vector_load %arg7[%swap3A_348, %swap3A_349] {strides = array<i32>} : memref<16x256xf32, #tpu.memory_space<vmem>>, vector<16xf32>,
    tpu.vector_store %arg7[%swap3A_348, %swap3A_349], %gather3A_346 {strides = array<i32>} : memref<16x256xf32, #tpu.memory_space<vmem>>, vector<16xf32>,
    %add3A_351 = arith.constant 10 : i32
    %add3A_352 = vector.broadcast %add3A_351 : i32 to vector<16xi32>
    %add3A_353 = arith.addi %mul3A_270, %add3A_352 : vector<16xi32>
    %gather3A_354 = tpu.vector_load_idx %arg5[%add3A_353] : memref<512xf32, #tpu.memory_space<vmem>>[vector<16xi32>], vector<16xf32>,
    %swap3A_355 = arith.constant 10 : i32
    %swap3A_356 = arith.index_cast %swap3A_355 : i32 to index
    %swap3A_357 = arith.constant 32 : index
    %swap3A_358 = tpu.vector_load %arg7[%swap3A_356, %swap3A_357] {strides = array<i32>} : memref<16x256xf32, #tpu.memory_space<vmem>>, vector<16xf32>,
    tpu.vector_store %arg7[%swap3A_356, %swap3A_357], %gather3A_354 {strides = array<i32>} : memref<16x256xf32, #tpu.memory_space<vmem>>, vector<16xf32>,
    %add3A_359 = arith.constant 11 : i32
    %add3A_360 = vector.broadcast %add3A_359 : i32 to vector<16xi32>
    %add3A_361 = arith.addi %mul3A_270, %add3A_360 : vector<16xi32>
    %gather3A_362 = tpu.vector_load_idx %arg5[%add3A_361] : memref<512xf32, #tpu.memory_space<vmem>>[vector<16xi32>], vector<16xf32>,
    %swap3A_363 = arith.constant 11 : i32
    %swap3A_364 = arith.index_cast %swap3A_363 : i32 to index
    %swap3A_365 = arith.constant 32 : index
    %swap3A_366 = tpu.vector_load %arg7[%swap3A_364, %swap3A_365] {strides = array<i32>} : memref<16x256xf32, #tpu.memory_space<vmem>>, vector<16xf32>,
    tpu.vector_store %arg7[%swap3A_364, %swap3A_365], %gather3A_362 {strides = array<i32>} : memref<16x256xf32, #tpu.memory_space<vmem>>, vector<16xf32>,
    %add3A_367 = arith.constant 12 : i32
    %add3A_368 = vector.broadcast %add3A_367 : i32 to vector<16xi32>
    %add3A_369 = arith.addi %mul3A_270, %add3A_368 : vector<16xi32>
    %gather3A_370 = tpu.vector_load_idx %arg5[%add3A_369] : memref<512xf32, #tpu.memory_space<vmem>>[vector<16xi32>], vector<16xf32>,
    %swap3A_371 = arith.constant 12 : i32
    %swap3A_372 = arith.index_cast %swap3A_371 : i32 to index
    %swap3A_373 = arith.constant 32 : index
    %swap3A_374 = tpu.vector_load %arg7[%swap3A_372, %swap3A_373] {strides = array<i32>} : memref<16x256xf32, #tpu.memory_space<vmem>>, vector<16xf32>,
    tpu.vector_store %arg7[%swap3A_372, %swap3A_373], %gather3A_370 {strides = array<i32>} : memref<16x256xf32, #tpu.memory_space<vmem>>, vector<16xf32>,
    %add3A_375 = arith.constant 13 : i32
    %add3A_376 = vector.broadcast %add3A_375 : i32 to vector<16xi32>
    %add3A_377 = arith.addi %mul3A_270, %add3A_376 : vector<16xi32>
    %gather3A_378 = tpu.vector_load_idx %arg5[%add3A_377] : memref<512xf32, #tpu.memory_space<vmem>>[vector<16xi32>], vector<16xf32>,
    %swap3A_379 = arith.constant 13 : i32
    %swap3A_380 = arith.index_cast %swap3A_379 : i32 to index
    %swap3A_381 = arith.constant 32 : index
    %swap3A_382 = tpu.vector_load %arg7[%swap3A_380, %swap3A_381] {strides = array<i32>} : memref<16x256xf32, #tpu.memory_space<vmem>>, vector<16xf32>,
    tpu.vector_store %arg7[%swap3A_380, %swap3A_381], %gather3A_378 {strides = array<i32>} : memref<16x256xf32, #tpu.memory_space<vmem>>, vector<16xf32>,
    %add3A_383 = arith.constant 14 : i32
    %add3A_384 = vector.broadcast %add3A_383 : i32 to vector<16xi32>
    %add3A_385 = arith.addi %mul3A_270, %add3A_384 : vector<16xi32>
    %gather3A_386 = tpu.vector_load_idx %arg5[%add3A_385] : memref<512xf32, #tpu.memory_space<vmem>>[vector<16xi32>], vector<16xf32>,
    %swap3A_387 = arith.constant 14 : i32
    %swap3A_388 = arith.index_cast %swap3A_387 : i32 to index
    %swap3A_389 = arith.constant 32 : index
    %swap3A_390 = tpu.vector_load %arg7[%swap3A_388, %swap3A_389] {strides = array<i32>} : memref<16x256xf32, #tpu.memory_space<vmem>>, vector<16xf32>,
    tpu.vector_store %arg7[%swap3A_388, %swap3A_389], %gather3A_386 {strides = array<i32>} : memref<16x256xf32, #tpu.memory_space<vmem>>, vector<16xf32>,
    %add3A_391 = arith.constant 15 : i32
    %add3A_392 = vector.broadcast %add3A_391 : i32 to vector<16xi32>
    %add3A_393 = arith.addi %mul3A_270, %add3A_392 : vector<16xi32>
    %gather3A_394 = tpu.vector_load_idx %arg5[%add3A_393] : memref<512xf32, #tpu.memory_space<vmem>>[vector<16xi32>], vector<16xf32>,
    %swap3A_395 = arith.constant 15 : i32
    %swap3A_396 = arith.index_cast %swap3A_395 : i32 to index
    %swap3A_397 = arith.constant 32 : index
    %swap3A_398 = tpu.vector_load %arg7[%swap3A_396, %swap3A_397] {strides = array<i32>} : memref<16x256xf32, #tpu.memory_space<vmem>>, vector<16xf32>,
    tpu.vector_store %arg7[%swap3A_396, %swap3A_397], %gather3A_394 {strides = array<i32>} : memref<16x256xf32, #tpu.memory_space<vmem>>, vector<16xf32>,
    %get3A_399 = arith.constant 48 : index
    %get3A_400 = tpu.vector_load %arg6[%get3A_399] {strides = array<i32>} : memref<256xi32, #tpu.memory_space<vmem>>, vector<16xi32>,
    %mul3A_401 = arith.constant 16 : i32
    %mul3A_402 = vector.broadcast %mul3A_401 : i32 to vector<16xi32>
    %mul3A_403 = arith.muli %get3A_400, %mul3A_402 : vector<16xi32>
    %add3A_404 = arith.constant 0 : i32
    %add3A_405 = vector.broadcast %add3A_404 : i32 to vector<16xi32>
    %add3A_406 = arith.addi %mul3A_403, %add3A_405 : vector<16xi32>
    %gather3A_407 = tpu.vector_load_idx %arg5[%add3A_406] : memref<512xf32, #tpu.memory_space<vmem>>[vector<16xi32>], vector<16xf32>,
    %swap3A_408 = arith.constant 0 : i32
    %swap3A_409 = arith.index_cast %swap3A_408 : i32 to index
    %swap3A_410 = arith.constant 48 : index
    %swap3A_411 = tpu.vector_load %arg7[%swap3A_409, %swap3A_410] {strides = array<i32>} : memref<16x256xf32, #tpu.memory_space<vmem>>, vector<16xf32>,
    tpu.vector_store %arg7[%swap3A_409, %swap3A_410], %gather3A_407 {strides = array<i32>} : memref<16x256xf32, #tpu.memory_space<vmem>>, vector<16xf32>,
    %add3A_412 = arith.constant 1 : i32
    %add3A_413 = vector.broadcast %add3A_412 : i32 to vector<16xi32>
    %add3A_414 = arith.addi %mul3A_403, %add3A_413 : vector<16xi32>
    %gather3A_415 = tpu.vector_load_idx %arg5[%add3A_414] : memref<512xf32, #tpu.memory_space<vmem>>[vector<16xi32>], vector<16xf32>,
    %swap3A_416 = arith.constant 1 : i32
    %swap3A_417 = arith.index_cast %swap3A_416 : i32 to index
    %swap3A_418 = arith.constant 48 : index
    %swap3A_419 = tpu.vector_load %arg7[%swap3A_417, %swap3A_418] {strides = array<i32>} : memref<16x256xf32, #tpu.memory_space<vmem>>, vector<16xf32>,
    tpu.vector_store %arg7[%swap3A_417, %swap3A_418], %gather3A_415 {strides = array<i32>} : memref<16x256xf32, #tpu.memory_space<vmem>>, vector<16xf32>,
    %add3A_420 = arith.constant 2 : i32
    %add3A_421 = vector.broadcast %add3A_420 : i32 to vector<16xi32>
    %add3A_422 = arith.addi %mul3A_403, %add3A_421 : vector<16xi32>
    %gather3A_423 = tpu.vector_load_idx %arg5[%add3A_422] : memref<512xf32, #tpu.memory_space<vmem>>[vector<16xi32>], vector<16xf32>,
    %swap3A_424 = arith.constant 2 : i32
    %swap3A_425 = arith.index_cast %swap3A_424 : i32 to index
    %swap3A_426 = arith.constant 48 : index
    %swap3A_427 = tpu.vector_load %arg7[%swap3A_425, %swap3A_426] {strides = array<i32>} : memref<16x256xf32, #tpu.memory_space<vmem>>, vector<16xf32>,
    tpu.vector_store %arg7[%swap3A_425, %swap3A_426], %gather3A_423 {strides = array<i32>} : memref<16x256xf32, #tpu.memory_space<vmem>>, vector<16xf32>,
    %add3A_428 = arith.constant 3 : i32
    %add3A_429 = vector.broadcast %add3A_428 : i32 to vector<16xi32>
    %add3A_430 = arith.addi %mul3A_403, %add3A_429 : vector<16xi32>
    %gather3A_431 = tpu.vector_load_idx %arg5[%add3A_430] : memref<512xf32, #tpu.memory_space<vmem>>[vector<16xi32>], vector<16xf32>,
    %swap3A_432 = arith.constant 3 : i32
    %swap3A_433 = arith.index_cast %swap3A_432 : i32 to index
    %swap3A_434 = arith.constant 48 : index
    %swap3A_435 = tpu.vector_load %arg7[%swap3A_433, %swap3A_434] {strides = array<i32>} : memref<16x256xf32, #tpu.memory_space<vmem>>, vector<16xf32>,
    tpu.vector_store %arg7[%swap3A_433, %swap3A_434], %gather3A_431 {strides = array<i32>} : memref<16x256xf32, #tpu.memory_space<vmem>>, vector<16xf32>,
    %add3A_436 = arith.constant 4 : i32
    %add3A_437 = vector.broadcast %add3A_436 : i32 to vector<16xi32>
    %add3A_438 = arith.addi %mul3A_403, %add3A_437 : vector<16xi32>
    %gather3A_439 = tpu.vector_load_idx %arg5[%add3A_438] : memref<512xf32, #tpu.memory_space<vmem>>[vector<16xi32>], vector<16xf32>,
    %swap3A_440 = arith.constant 4 : i32
    %swap3A_441 = arith.index_cast %swap3A_440 : i32 to index
    %swap3A_442 = arith.constant 48 : index
    %swap3A_443 = tpu.vector_load %arg7[%swap3A_441, %swap3A_442] {strides = array<i32>} : memref<16x256xf32, #tpu.memory_space<vmem>>, vector<16xf32>,
    tpu.vector_store %arg7[%swap3A_441, %swap3A_442], %gather3A_439 {strides = array<i32>} : memref<16x256xf32, #tpu.memory_space<vmem>>, vector<16xf32>,
    %add3A_444 = arith.constant 5 : i32
    %add3A_445 = vector.broadcast %add3A_444 : i32 to vector<16xi32>
    %add3A_446 = arith.addi %mul3A_403, %add3A_445 : vector<16xi32>
    %gather3A_447 = tpu.vector_load_idx %arg5[%add3A_446] : memref<512xf32, #tpu.memory_space<vmem>>[vector<16xi32>], vector<16xf32>,
    %swap3A_448 = arith.constant 5 : i32
    %swap3A_449 = arith.index_cast %swap3A_448 : i32 to index
    %swap3A_450 = arith.constant 48 : index
    %swap3A_451 = tpu.vector_load %arg7[%swap3A_449, %swap3A_450] {strides = array<i32>} : memref<16x256xf32, #tpu.memory_space<vmem>>, vector<16xf32>,
    tpu.vector_store %arg7[%swap3A_449, %swap3A_450], %gather3A_447 {strides = array<i32>} : memref<16x256xf32, #tpu.memory_space<vmem>>, vector<16xf32>,
    %add3A_452 = arith.constant 6 : i32
    %add3A_453 = vector.broadcast %add3A_452 : i32 to vector<16xi32>
    %add3A_454 = arith.addi %mul3A_403, %add3A_453 : vector<16xi32>
    %gather3A_455 = tpu.vector_load_idx %arg5[%add3A_454] : memref<512xf32, #tpu.memory_space<vmem>>[vector<16xi32>], vector<16xf32>,
    %swap3A_456 = arith.constant 6 : i32
    %swap3A_457 = arith.index_cast %swap3A_456 : i32 to index
    %swap3A_458 = arith.constant 48 : index
    %swap3A_459 = tpu.vector_load %arg7[%swap3A_457, %swap3A_458] {strides = array<i32>} : memref<16x256xf32, #tpu.memory_space<vmem>>, vector<16xf32>,
    tpu.vector_store %arg7[%swap3A_457, %swap3A_458], %gather3A_455 {strides = array<i32>} : memref<16x256xf32, #tpu.memory_space<vmem>>, vector<16xf32>,
    %add3A_460 = arith.constant 7 : i32
    %add3A_461 = vector.broadcast %add3A_460 : i32 to vector<16xi32>
    %add3A_462 = arith.addi %mul3A_403, %add3A_461 : vector<16xi32>
    %gather3A_463 = tpu.vector_load_idx %arg5[%add3A_462] : memref<512xf32, #tpu.memory_space<vmem>>[vector<16xi32>], vector<16xf32>,
    %swap3A_464 = arith.constant 7 : i32
    %swap3A_465 = arith.index_cast %swap3A_464 : i32 to index
    %swap3A_466 = arith.constant 48 : index
    %swap3A_467 = tpu.vector_load %arg7[%swap3A_465, %swap3A_466] {strides = array<i32>} : memref<16x256xf32, #tpu.memory_space<vmem>>, vector<16xf32>,
    tpu.vector_store %arg7[%swap3A_465, %swap3A_466], %gather3A_463 {strides = array<i32>} : memref<16x256xf32, #tpu.memory_space<vmem>>, vector<16xf32>,
    %add3A_468 = arith.constant 8 : i32
    %add3A_469 = vector.broadcast %add3A_468 : i32 to vector<16xi32>
    %add3A_470 = arith.addi %mul3A_403, %add3A_469 : vector<16xi32>
    %gather3A_471 = tpu.vector_load_idx %arg5[%add3A_470] : memref<512xf32, #tpu.memory_space<vmem>>[vector<16xi32>], vector<16xf32>,
    %swap3A_472 = arith.constant 8 : i32
    %swap3A_473 = arith.index_cast %swap3A_472 : i32 to index
    %swap3A_474 = arith.constant 48 : index
    %swap3A_475 = tpu.vector_load %arg7[%swap3A_473, %swap3A_474] {strides = array<i32>} : memref<16x256xf32, #tpu.memory_space<vmem>>, vector<16xf32>,
    tpu.vector_store %arg7[%swap3A_473, %swap3A_474], %gather3A_471 {strides = array<i32>} : memref<16x256xf32, #tpu.memory_space<vmem>>, vector<16xf32>,
    %add3A_476 = arith.constant 9 : i32
    %add3A_477 = vector.broadcast %add3A_476 : i32 to vector<16xi32>
    %add3A_478 = arith.addi %mul3A_403, %add3A_477 : vector<16xi32>
    %gather3A_479 = tpu.vector_load_idx %arg5[%add3A_478] : memref<512xf32, #tpu.memory_space<vmem>>[vector<16xi32>], vector<16xf32>,
    %swap3A_480 = arith.constant 9 : i32
    %swap3A_481 = arith.index_cast %swap3A_480 : i32 to index
    %swap3A_482 = arith.constant 48 : index
    %swap3A_483 = tpu.vector_load %arg7[%swap3A_481, %swap3A_482] {strides = array<i32>} : memref<16x256xf32, #tpu.memory_space<vmem>>, vector<16xf32>,
    tpu.vector_store %arg7[%swap3A_481, %swap3A_482], %gather3A_479 {strides = array<i32>} : memref<16x256xf32, #tpu.memory_space<vmem>>, vector<16xf32>,
    %add3A_484 = arith.constant 10 : i32
    %add3A_485 = vector.broadcast %add3A_484 : i32 to vector<16xi32>
    %add3A_486 = arith.addi %mul3A_403, %add3A_485 : vector<16xi32>
    %gather3A_487 = tpu.vector_load_idx %arg5[%add3A_486] : memref<512xf32, #tpu.memory_space<vmem>>[vector<16xi32>], vector<16xf32>,
    %swap3A_488 = arith.constant 10 : i32
    %swap3A_489 = arith.index_cast %swap3A_488 : i32 to index
    %swap3A_490 = arith.constant 48 : index
    %swap3A_491 = tpu.vector_load %arg7[%swap3A_489, %swap3A_490] {strides = array<i32>} : memref<16x256xf32, #tpu.memory_space<vmem>>, vector<16xf32>,
    tpu.vector_store %arg7[%swap3A_489, %swap3A_490], %gather3A_487 {strides = array<i32>} : memref<16x256xf32, #tpu.memory_space<vmem>>, vector<16xf32>,
    %add3A_492 = arith.constant 11 : i32
    %add3A_493 = vector.broadcast %add3A_492 : i32 to vector<16xi32>
    %add3A_494 = arith.addi %mul3A_403, %add3A_493 : vector<16xi32>
    %gather3A_495 = tpu.vector_load_idx %arg5[%add3A_494] : memref<512xf32, #tpu.memory_space<vmem>>[vector<16xi32>], vector<16xf32>,
    %swap3A_496 = arith.constant 11 : i32
    %swap3A_497 = arith.index_cast %swap3A_496 : i32 to index
    %swap3A_498 = arith.constant 48 : index
    %swap3A_499 = tpu.vector_load %arg7[%swap3A_497, %swap3A_498] {strides = array<i32>} : memref<16x256xf32, #tpu.memory_space<vmem>>, vector<16xf32>,
    tpu.vector_store %arg7[%swap3A_497, %swap3A_498], %gather3A_495 {strides = array<i32>} : memref<16x256xf32, #tpu.memory_space<vmem>>, vector<16xf32>,
    %add3A_500 = arith.constant 12 : i32
    %add3A_501 = vector.broadcast %add3A_500 : i32 to vector<16xi32>
    %add3A_502 = arith.addi %mul3A_403, %add3A_501 : vector<16xi32>
    %gather3A_503 = tpu.vector_load_idx %arg5[%add3A_502] : memref<512xf32, #tpu.memory_space<vmem>>[vector<16xi32>], vector<16xf32>,
    %swap3A_504 = arith.constant 12 : i32
    %swap3A_505 = arith.index_cast %swap3A_504 : i32 to index
    %swap3A_506 = arith.constant 48 : index
    %swap3A_507 = tpu.vector_load %arg7[%swap3A_505, %swap3A_506] {strides = array<i32>} : memref<16x256xf32, #tpu.memory_space<vmem>>, vector<16xf32>,
    tpu.vector_store %arg7[%swap3A_505, %swap3A_506], %gather3A_503 {strides = array<i32>} : memref<16x256xf32, #tpu.memory_space<vmem>>, vector<16xf32>,
    %add3A_508 = arith.constant 13 : i32
    %add3A_509 = vector.broadcast %add3A_508 : i32 to vector<16xi32>
    %add3A_510 = arith.addi %mul3A_403, %add3A_509 : vector<16xi32>
    %gather3A_511 = tpu.vector_load_idx %arg5[%add3A_510] : memref<512xf32, #tpu.memory_space<vmem>>[vector<16xi32>], vector<16xf32>,
    %swap3A_512 = arith.constant 13 : i32
    %swap3A_513 = arith.index_cast %swap3A_512 : i32 to index
    %swap3A_514 = arith.constant 48 : index
    %swap3A_515 = tpu.vector_load %arg7[%swap3A_513, %swap3A_514] {strides = array<i32>} : memref<16x256xf32, #tpu.memory_space<vmem>>, vector<16xf32>,
    tpu.vector_store %arg7[%swap3A_513, %swap3A_514], %gather3A_511 {strides = array<i32>} : memref<16x256xf32, #tpu.memory_space<vmem>>, vector<16xf32>,
    %add3A_516 = arith.constant 14 : i32
    %add3A_517 = vector.broadcast %add3A_516 : i32 to vector<16xi32>
    %add3A_518 = arith.addi %mul3A_403, %add3A_517 : vector<16xi32>
    %gather3A_519 = tpu.vector_load_idx %arg5[%add3A_518] : memref<512xf32, #tpu.memory_space<vmem>>[vector<16xi32>], vector<16xf32>,
    %swap3A_520 = arith.constant 14 : i32
    %swap3A_521 = arith.index_cast %swap3A_520 : i32 to index
    %swap3A_522 = arith.constant 48 : index
    %swap3A_523 = tpu.vector_load %arg7[%swap3A_521, %swap3A_522] {strides = array<i32>} : memref<16x256xf32, #tpu.memory_space<vmem>>, vector<16xf32>,
    tpu.vector_store %arg7[%swap3A_521, %swap3A_522], %gather3A_519 {strides = array<i32>} : memref<16x256xf32, #tpu.memory_space<vmem>>, vector<16xf32>,
    %add3A_524 = arith.constant 15 : i32
    %add3A_525 = vector.broadcast %add3A_524 : i32 to vector<16xi32>
    %add3A_526 = arith.addi %mul3A_403, %add3A_525 : vector<16xi32>
    %gather3A_527 = tpu.vector_load_idx %arg5[%add3A_526] : memref<512xf32, #tpu.memory_space<vmem>>[vector<16xi32>], vector<16xf32>,
    %swap3A_528 = arith.constant 15 : i32
    %swap3A_529 = arith.index_cast %swap3A_528 : i32 to index
    %swap3A_530 = arith.constant 48 : index
    %swap3A_531 = tpu.vector_load %arg7[%swap3A_529, %swap3A_530] {strides = array<i32>} : memref<16x256xf32, #tpu.memory_space<vmem>>, vector<16xf32>,
    tpu.vector_store %arg7[%swap3A_529, %swap3A_530], %gather3A_527 {strides = array<i32>} : memref<16x256xf32, #tpu.memory_space<vmem>>, vector<16xf32>,
    %get3A_532 = arith.constant 64 : index
    %get3A_533 = tpu.vector_load %arg6[%get3A_532] {strides = array<i32>} : memref<256xi32, #tpu.memory_space<vmem>>, vector<16xi32>,
    %mul3A_534 = arith.constant 16 : i32
    %mul3A_535 = vector.broadcast %mul3A_534 : i32 to vector<16xi32>
    %mul3A_536 = arith.muli %get3A_533, %mul3A_535 : vector<16xi32>
    %add3A_537 = arith.constant 0 : i32
    %add3A_538 = vector.broadcast %add3A_537 : i32 to vector<16xi32>
    %add3A_539 = arith.addi %mul3A_536, %add3A_538 : vector<16xi32>
    %gather3A_540 = tpu.vector_load_idx %arg5[%add3A_539] : memref<512xf32, #tpu.memory_space<vmem>>[vector<16xi32>], vector<16xf32>,
    %swap3A_541 = arith.constant 0 : i32
    %swap3A_542 = arith.index_cast %swap3A_541 : i32 to index
    %swap3A_543 = arith.constant 64 : index
    %swap3A_544 = tpu.vector_load %arg7[%swap3A_542, %swap3A_543] {strides = array<i32>} : memref<16x256xf32, #tpu.memory_space<vmem>>, vector<16xf32>,
    tpu.vector_store %arg7[%swap3A_542, %swap3A_543], %gather3A_540 {strides = array<i32>} : memref<16x256xf32, #tpu.memory_space<vmem>>, vector<16xf32>,
    %add3A_545 = arith.constant 1 : i32
    %add3A_546 = vector.broadcast %add3A_545 : i32 to vector<16xi32>
    %add3A_547 = arith.addi %mul3A_536, %add3A_546 : vector<16xi32>
    %gather3A_548 = tpu.vector_load_idx %arg5[%add3A_547] : memref<512xf32, #tpu.memory_space<vmem>>[vector<16xi32>], vector<16xf32>,
    %swap3A_549 = arith.constant 1 : i32
    %swap3A_550 = arith.index_cast %swap3A_549 : i32 to index
    %swap3A_551 = arith.constant 64 : index
    %swap3A_552 = tpu.vector_load %arg7[%swap3A_550, %swap3A_551] {strides = array<i32>} : memref<16x256xf32, #tpu.memory_space<vmem>>, vector<16xf32>,
    tpu.vector_store %arg7[%swap3A_550, %swap3A_551], %gather3A_548 {strides = array<i32>} : memref<16x256xf32, #tpu.memory_space<vmem>>, vector<16xf32>,
    %add3A_553 = arith.constant 2 : i32
    %add3A_554 = vector.broadcast %add3A_553 : i32 to vector<16xi32>
    %add3A_555 = arith.addi %mul3A_536, %add3A_554 : vector<16xi32>
    %gather3A_556 = tpu.vector_load_idx %arg5[%add3A_555] : memref<512xf32, #tpu.memory_space<vmem>>[vector<16xi32>], vector<16xf32>,
    %swap3A_557 = arith.constant 2 : i32
    %swap3A_558 = arith.index_cast %swap3A_557 : i32 to index
    %swap3A_559 = arith.constant 64 : index
    %swap3A_560 = tpu.vector_load %arg7[%swap3A_558, %swap3A_559] {strides = array<i32>} : memref<16x256xf32, #tpu.memory_space<vmem>>, vector<16xf32>,
    tpu.vector_store %arg7[%swap3A_558, %swap3A_559], %gather3A_556 {strides = array<i32>} : memref<16x256xf32, #tpu.memory_space<vmem>>, vector<16xf32>,
    %add3A_561 = arith.constant 3 : i32
    %add3A_562 = vector.broadcast %add3A_561 : i32 to vector<16xi32>
    %add3A_563 = arith.addi %mul3A_536, %add3A_562 : vector<16xi32>
    %gather3A_564 = tpu.vector_load_idx %arg5[%add3A_563] : memref<512xf32, #tpu.memory_space<vmem>>[vector<16xi32>], vector<16xf32>,
    %swap3A_565 = arith.constant 3 : i32
    %swap3A_566 = arith.index_cast %swap3A_565 : i32 to index
    %swap3A_567 = arith.constant 64 : index
    %swap3A_568 = tpu.vector_load %arg7[%swap3A_566, %swap3A_567] {strides = array<i32>} : memref<16x256xf32, #tpu.memory_space<vmem>>, vector<16xf32>,
    tpu.vector_store %arg7[%swap3A_566, %swap3A_567], %gather3A_564 {strides = array<i32>} : memref<16x256xf32, #tpu.memory_space<vmem>>, vector<16xf32>,
    %add3A_569 = arith.constant 4 : i32
    %add3A_570 = vector.broadcast %add3A_569 : i32 to vector<16xi32>
    %add3A_571 = arith.addi %mul3A_536, %add3A_570 : vector<16xi32>
    %gather3A_572 = tpu.vector_load_idx %arg5[%add3A_571] : memref<512xf32, #tpu.memory_space<vmem>>[vector<16xi32>], vector<16xf32>,
    %swap3A_573 = arith.constant 4 : i32
    %swap3A_574 = arith.index_cast %swap3A_573 : i32 to index
    %swap3A_575 = arith.constant 64 : index
    %swap3A_576 = tpu.vector_load %arg7[%swap3A_574, %swap3A_575] {strides = array<i32>} : memref<16x256xf32, #tpu.memory_space<vmem>>, vector<16xf32>,
    tpu.vector_store %arg7[%swap3A_574, %swap3A_575], %gather3A_572 {strides = array<i32>} : memref<16x256xf32, #tpu.memory_space<vmem>>, vector<16xf32>,
    %add3A_577 = arith.constant 5 : i32
    %add3A_578 = vector.broadcast %add3A_577 : i32 to vector<16xi32>
    %add3A_579 = arith.addi %mul3A_536, %add3A_578 : vector<16xi32>
    %gather3A_580 = tpu.vector_load_idx %arg5[%add3A_579] : memref<512xf32, #tpu.memory_space<vmem>>[vector<16xi32>], vector<16xf32>,
    %swap3A_581 = arith.constant 5 : i32
    %swap3A_582 = arith.index_cast %swap3A_581 : i32 to index
    %swap3A_583 = arith.constant 64 : index
    %swap3A_584 = tpu.vector_load %arg7[%swap3A_582, %swap3A_583] {strides = array<i32>} : memref<16x256xf32, #tpu.memory_space<vmem>>, vector<16xf32>,
    tpu.vector_store %arg7[%swap3A_582, %swap3A_583], %gather3A_580 {strides = array<i32>} : memref<16x256xf32, #tpu.memory_space<vmem>>, vector<16xf32>,
    %add3A_585 = arith.constant 6 : i32
    %add3A_586 = vector.broadcast %add3A_585 : i32 to vector<16xi32>
    %add3A_587 = arith.addi %mul3A_536, %add3A_586 : vector<16xi32>
    %gather3A_588 = tpu.vector_load_idx %arg5[%add3A_587] : memref<512xf32, #tpu.memory_space<vmem>>[vector<16xi32>], vector<16xf32>,
    %swap3A_589 = arith.constant 6 : i32
    %swap3A_590 = arith.index_cast %swap3A_589 : i32 to index
    %swap3A_591 = arith.constant 64 : index
    %swap3A_592 = tpu.vector_load %arg7[%swap3A_590, %swap3A_591] {strides = array<i32>} : memref<16x256xf32, #tpu.memory_space<vmem>>, vector<16xf32>,
    tpu.vector_store %arg7[%swap3A_590, %swap3A_591], %gather3A_588 {strides = array<i32>} : memref<16x256xf32, #tpu.memory_space<vmem>>, vector<16xf32>,
    %add3A_593 = arith.constant 7 : i32
    %add3A_594 = vector.broadcast %add3A_593 : i32 to vector<16xi32>
    %add3A_595 = arith.addi %mul3A_536, %add3A_594 : vector<16xi32>
    %gather3A_596 = tpu.vector_load_idx %arg5[%add3A_595] : memref<512xf32, #tpu.memory_space<vmem>>[vector<16xi32>], vector<16xf32>,
    %swap3A_597 = arith.constant 7 : i32
    %swap3A_598 = arith.index_cast %swap3A_597 : i32 to index
    %swap3A_599 = arith.constant 64 : index
    %swap3A_600 = tpu.vector_load %arg7[%swap3A_598, %swap3A_599] {strides = array<i32>} : memref<16x256xf32, #tpu.memory_space<vmem>>, vector<16xf32>,
    tpu.vector_store %arg7[%swap3A_598, %swap3A_599], %gather3A_596 {strides = array<i32>} : memref<16x256xf32, #tpu.memory_space<vmem>>, vector<16xf32>,
    %add3A_601 = arith.constant 8 : i32
    %add3A_602 = vector.broadcast %add3A_601 : i32 to vector<16xi32>
    %add3A_603 = arith.addi %mul3A_536, %add3A_602 : vector<16xi32>
    %gather3A_604 = tpu.vector_load_idx %arg5[%add3A_603] : memref<512xf32, #tpu.memory_space<vmem>>[vector<16xi32>], vector<16xf32>,
    %swap3A_605 = arith.constant 8 : i32
    %swap3A_606 = arith.index_cast %swap3A_605 : i32 to index
    %swap3A_607 = arith.constant 64 : index
    %swap3A_608 = tpu.vector_load %arg7[%swap3A_606, %swap3A_607] {strides = array<i32>} : memref<16x256xf32, #tpu.memory_space<vmem>>, vector<16xf32>,
    tpu.vector_store %arg7[%swap3A_606, %swap3A_607], %gather3A_604 {strides = array<i32>} : memref<16x256xf32, #tpu.memory_space<vmem>>, vector<16xf32>,
    %add3A_609 = arith.constant 9 : i32
    %add3A_610 = vector.broadcast %add3A_609 : i32 to vector<16xi32>
    %add3A_611 = arith.addi %mul3A_536, %add3A_610 : vector<16xi32>
    %gather3A_612 = tpu.vector_load_idx %arg5[%add3A_611] : memref<512xf32, #tpu.memory_space<vmem>>[vector<16xi32>], vector<16xf32>,
    %swap3A_613 = arith.constant 9 : i32
    %swap3A_614 = arith.index_cast %swap3A_613 : i32 to index
    %swap3A_615 = arith.constant 64 : index
    %swap3A_616 = tpu.vector_load %arg7[%swap3A_614, %swap3A_615] {strides = array<i32>} : memref<16x256xf32, #tpu.memory_space<vmem>>, vector<16xf32>,
    tpu.vector_store %arg7[%swap3A_614, %swap3A_615], %gather3A_612 {strides = array<i32>} : memref<16x256xf32, #tpu.memory_space<vmem>>, vector<16xf32>,
    %add3A_617 = arith.constant 10 : i32
    %add3A_618 = vector.broadcast %add3A_617 : i32 to vector<16xi32>
    %add3A_619 = arith.addi %mul3A_536, %add3A_618 : vector<16xi32>
    %gather3A_620 = tpu.vector_load_idx %arg5[%add3A_619] : memref<512xf32, #tpu.memory_space<vmem>>[vector<16xi32>], vector<16xf32>,
    %swap3A_621 = arith.constant 10 : i32
    %swap3A_622 = arith.index_cast %swap3A_621 : i32 to index
    %swap3A_623 = arith.constant 64 : index
    %swap3A_624 = tpu.vector_load %arg7[%swap3A_622, %swap3A_623] {strides = array<i32>} : memref<16x256xf32, #tpu.memory_space<vmem>>, vector<16xf32>,
    tpu.vector_store %arg7[%swap3A_622, %swap3A_623], %gather3A_620 {strides = array<i32>} : memref<16x256xf32, #tpu.memory_space<vmem>>, vector<16xf32>,
    %add3A_625 = arith.constant 11 : i32
    %add3A_626 = vector.broadcast %add3A_625 : i32 to vector<16xi32>
    %add3A_627 = arith.addi %mul3A_536, %add3A_626 : vector<16xi32>
    %gather3A_628 = tpu.vector_load_idx %arg5[%add3A_627] : memref<512xf32, #tpu.memory_space<vmem>>[vector<16xi32>], vector<16xf32>,
    %swap3A_629 = arith.constant 11 : i32
    %swap3A_630 = arith.index_cast %swap3A_629 : i32 to index
    %swap3A_631 = arith.constant 64 : index
    %swap3A_632 = tpu.vector_load %arg7[%swap3A_630, %swap3A_631] {strides = array<i32>} : memref<16x256xf32, #tpu.memory_space<vmem>>, vector<16xf32>,
    tpu.vector_store %arg7[%swap3A_630, %swap3A_631], %gather3A_628 {strides = array<i32>} : memref<16x256xf32, #tpu.memory_space<vmem>>, vector<16xf32>,
    %add3A_633 = arith.constant 12 : i32
    %add3A_634 = vector.broadcast %add3A_633 : i32 to vector<16xi32>
    %add3A_635 = arith.addi %mul3A_536, %add3A_634 : vector<16xi32>
    %gather3A_636 = tpu.vector_load_idx %arg5[%add3A_635] : memref<512xf32, #tpu.memory_space<vmem>>[vector<16xi32>], vector<16xf32>,
    %swap3A_637 = arith.constant 12 : i32
    %swap3A_638 = arith.index_cast %swap3A_637 : i32 to index
    %swap3A_639 = arith.constant 64 : index
    %swap3A_640 = tpu.vector_load %arg7[%swap3A_638, %swap3A_639] {strides = array<i32>} : memref<16x256xf32, #tpu.memory_space<vmem>>, vector<16xf32>,
    tpu.vector_store %arg7[%swap3A_638, %swap3A_639], %gather3A_636 {strides = array<i32>} : memref<16x256xf32, #tpu.memory_space<vmem>>, vector<16xf32>,
    %add3A_641 = arith.constant 13 : i32
    %add3A_642 = vector.broadcast %add3A_641 : i32 to vector<16xi32>
    %add3A_643 = arith.addi %mul3A_536, %add3A_642 : vector<16xi32>
    %gather3A_644 = tpu.vector_load_idx %arg5[%add3A_643] : memref<512xf32, #tpu.memory_space<vmem>>[vector<16xi32>], vector<16xf32>,
    %swap3A_645 = arith.constant 13 : i32
    %swap3A_646 = arith.index_cast %swap3A_645 : i32 to index
    %swap3A_647 = arith.constant 64 : index
    %swap3A_648 = tpu.vector_load %arg7[%swap3A_646, %swap3A_647] {strides = array<i32>} : memref<16x256xf32, #tpu.memory_space<vmem>>, vector<16xf32>,
    tpu.vector_store %arg7[%swap3A_646, %swap3A_647], %gather3A_644 {strides = array<i32>} : memref<16x256xf32, #tpu.memory_space<vmem>>, vector<16xf32>,
    %add3A_649 = arith.constant 14 : i32
    %add3A_650 = vector.broadcast %add3A_649 : i32 to vector<16xi32>
    %add3A_651 = arith.addi %mul3A_536, %add3A_650 : vector<16xi32>
    %gather3A_652 = tpu.vector_load_idx %arg5[%add3A_651] : memref<512xf32, #tpu.memory_space<vmem>>[vector<16xi32>], vector<16xf32>,
    %swap3A_653 = arith.constant 14 : i32
    %swap3A_654 = arith.index_cast %swap3A_653 : i32 to index
    %swap3A_655 = arith.constant 64 : index
    %swap3A_656 = tpu.vector_load %arg7[%swap3A_654, %swap3A_655] {strides = array<i32>} : memref<16x256xf32, #tpu.memory_space<vmem>>, vector<16xf32>,
    tpu.vector_store %arg7[%swap3A_654, %swap3A_655], %gather3A_652 {strides = array<i32>} : memref<16x256xf32, #tpu.memory_space<vmem>>, vector<16xf32>,
    %add3A_657 = arith.constant 15 : i32
    %add3A_658 = vector.broadcast %add3A_657 : i32 to vector<16xi32>
    %add3A_659 = arith.addi %mul3A_536, %add3A_658 : vector<16xi32>
    %gather3A_660 = tpu.vector_load_idx %arg5[%add3A_659] : memref<512xf32, #tpu.memory_space<vmem>>[vector<16xi32>], vector<16xf32>,
    %swap3A_661 = arith.constant 15 : i32
    %swap3A_662 = arith.index_cast %swap3A_661 : i32 to index
    %swap3A_663 = arith.constant 64 : index
    %swap3A_664 = tpu.vector_load %arg7[%swap3A_662, %swap3A_663] {strides = array<i32>} : memref<16x256xf32, #tpu.memory_space<vmem>>, vector<16xf32>,
    tpu.vector_store %arg7[%swap3A_662, %swap3A_663], %gather3A_660 {strides = array<i32>} : memref<16x256xf32, #tpu.memory_space<vmem>>, vector<16xf32>,
    %get3A_665 = arith.constant 80 : index
    %get3A_666 = tpu.vector_load %arg6[%get3A_665] {strides = array<i32>} : memref<256xi32, #tpu.memory_space<vmem>>, vector<16xi32>,
    %mul3A_667 = arith.constant 16 : i32
    %mul3A_668 = vector.broadcast %mul3A_667 : i32 to vector<16xi32>
    %mul3A_669 = arith.muli %get3A_666, %mul3A_668 : vector<16xi32>
    %add3A_670 = arith.constant 0 : i32
    %add3A_671 = vector.broadcast %add3A_670 : i32 to vector<16xi32>
    %add3A_672 = arith.addi %mul3A_669, %add3A_671 : vector<16xi32>
    %gather3A_673 = tpu.vector_load_idx %arg5[%add3A_672] : memref<512xf32, #tpu.memory_space<vmem>>[vector<16xi32>], vector<16xf32>,
    %swap3A_674 = arith.constant 0 : i32
    %swap3A_675 = arith.index_cast %swap3A_674 : i32 to index
    %swap3A_676 = arith.constant 80 : index
    %swap3A_677 = tpu.vector_load %arg7[%swap3A_675, %swap3A_676] {strides = array<i32>} : memref<16x256xf32, #tpu.memory_space<vmem>>, vector<16xf32>,
    tpu.vector_store %arg7[%swap3A_675, %swap3A_676], %gather3A_673 {strides = array<i32>} : memref<16x256xf32, #tpu.memory_space<vmem>>, vector<16xf32>,
    %add3A_678 = arith.constant 1 : i32
    %add3A_679 = vector.broadcast %add3A_678 : i32 to vector<16xi32>
    %add3A_680 = arith.addi %mul3A_669, %add3A_679 : vector<16xi32>
    %gather3A_681 = tpu.vector_load_idx %arg5[%add3A_680] : memref<512xf32, #tpu.memory_space<vmem>>[vector<16xi32>], vector<16xf32>,
    %swap3A_682 = arith.constant 1 : i32
    %swap3A_683 = arith.index_cast %swap3A_682 : i32 to index
    %swap3A_684 = arith.constant 80 : index
    %swap3A_685 = tpu.vector_load %arg7[%swap3A_683, %swap3A_684] {strides = array<i32>} : memref<16x256xf32, #tpu.memory_space<vmem>>, vector<16xf32>,
    tpu.vector_store %arg7[%swap3A_683, %swap3A_684], %gather3A_681 {strides = array<i32>} : memref<16x256xf32, #tpu.memory_space<vmem>>, vector<16xf32>,
    %add3A_686 = arith.constant 2 : i32
    %add3A_687 = vector.broadcast %add3A_686 : i32 to vector<16xi32>
    %add3A_688 = arith.addi %mul3A_669, %add3A_687 : vector<16xi32>
    %gather3A_689 = tpu.vector_load_idx %arg5[%add3A_688] : memref<512xf32, #tpu.memory_space<vmem>>[vector<16xi32>], vector<16xf32>,
    %swap3A_690 = arith.constant 2 : i32
    %swap3A_691 = arith.index_cast %swap3A_690 : i32 to index
    %swap3A_692 = arith.constant 80 : index
    %swap3A_693 = tpu.vector_load %arg7[%swap3A_691, %swap3A_692] {strides = array<i32>} : memref<16x256xf32, #tpu.memory_space<vmem>>, vector<16xf32>,
    tpu.vector_store %arg7[%swap3A_691, %swap3A_692], %gather3A_689 {strides = array<i32>} : memref<16x256xf32, #tpu.memory_space<vmem>>, vector<16xf32>,
    %add3A_694 = arith.constant 3 : i32
    %add3A_695 = vector.broadcast %add3A_694 : i32 to vector<16xi32>
    %add3A_696 = arith.addi %mul3A_669, %add3A_695 : vector<16xi32>
    %gather3A_697 = tpu.vector_load_idx %arg5[%add3A_696] : memref<512xf32, #tpu.memory_space<vmem>>[vector<16xi32>], vector<16xf32>,
    %swap3A_698 = arith.constant 3 : i32
    %swap3A_699 = arith.index_cast %swap3A_698 : i32 to index
    %swap3A_700 = arith.constant 80 : index
    %swap3A_701 = tpu.vector_load %arg7[%swap3A_699, %swap3A_700] {strides = array<i32>} : memref<16x256xf32, #tpu.memory_space<vmem>>, vector<16xf32>,
    tpu.vector_store %arg7[%swap3A_699, %swap3A_700], %gather3A_697 {strides = array<i32>} : memref<16x256xf32, #tpu.memory_space<vmem>>, vector<16xf32>,
    %add3A_702 = arith.constant 4 : i32
    %add3A_703 = vector.broadcast %add3A_702 : i32 to vector<16xi32>
    %add3A_704 = arith.addi %mul3A_669, %add3A_703 : vector<16xi32>
    %gather3A_705 = tpu.vector_load_idx %arg5[%add3A_704] : memref<512xf32, #tpu.memory_space<vmem>>[vector<16xi32>], vector<16xf32>,
    %swap3A_706 = arith.constant 4 : i32
    %swap3A_707 = arith.index_cast %swap3A_706 : i32 to index
    %swap3A_708 = arith.constant 80 : index
    %swap3A_709 = tpu.vector_load %arg7[%swap3A_707, %swap3A_708] {strides = array<i32>} : memref<16x256xf32, #tpu.memory_space<vmem>>, vector<16xf32>,
    tpu.vector_store %arg7[%swap3A_707, %swap3A_708], %gather3A_705 {strides = array<i32>} : memref<16x256xf32, #tpu.memory_space<vmem>>, vector<16xf32>,
    %add3A_710 = arith.constant 5 : i32
    %add3A_711 = vector.broadcast %add3A_710 : i32 to vector<16xi32>
    %add3A_712 = arith.addi %mul3A_669, %add3A_711 : vector<16xi32>
    %gather3A_713 = tpu.vector_load_idx %arg5[%add3A_712] : memref<512xf32, #tpu.memory_space<vmem>>[vector<16xi32>], vector<16xf32>,
    %swap3A_714 = arith.constant 5 : i32
    %swap3A_715 = arith.index_cast %swap3A_714 : i32 to index
    %swap3A_716 = arith.constant 80 : index
    %swap3A_717 = tpu.vector_load %arg7[%swap3A_715, %swap3A_716] {strides = array<i32>} : memref<16x256xf32, #tpu.memory_space<vmem>>, vector<16xf32>,
    tpu.vector_store %arg7[%swap3A_715, %swap3A_716], %gather3A_713 {strides = array<i32>} : memref<16x256xf32, #tpu.memory_space<vmem>>, vector<16xf32>,
    %add3A_718 = arith.constant 6 : i32
    %add3A_719 = vector.broadcast %add3A_718 : i32 to vector<16xi32>
    %add3A_720 = arith.addi %mul3A_669, %add3A_719 : vector<16xi32>
    %gather3A_721 = tpu.vector_load_idx %arg5[%add3A_720] : memref<512xf32, #tpu.memory_space<vmem>>[vector<16xi32>], vector<16xf32>,
    %swap3A_722 = arith.constant 6 : i32
    %swap3A_723 = arith.index_cast %swap3A_722 : i32 to index
    %swap3A_724 = arith.constant 80 : index
    %swap3A_725 = tpu.vector_load %arg7[%swap3A_723, %swap3A_724] {strides = array<i32>} : memref<16x256xf32, #tpu.memory_space<vmem>>, vector<16xf32>,
    tpu.vector_store %arg7[%swap3A_723, %swap3A_724], %gather3A_721 {strides = array<i32>} : memref<16x256xf32, #tpu.memory_space<vmem>>, vector<16xf32>,
    %add3A_726 = arith.constant 7 : i32
    %add3A_727 = vector.broadcast %add3A_726 : i32 to vector<16xi32>
    %add3A_728 = arith.addi %mul3A_669, %add3A_727 : vector<16xi32>
    %gather3A_729 = tpu.vector_load_idx %arg5[%add3A_728] : memref<512xf32, #tpu.memory_space<vmem>>[vector<16xi32>], vector<16xf32>,
    %swap3A_730 = arith.constant 7 : i32
    %swap3A_731 = arith.index_cast %swap3A_730 : i32 to index
    %swap3A_732 = arith.constant 80 : index
    %swap3A_733 = tpu.vector_load %arg7[%swap3A_731, %swap3A_732] {strides = array<i32>} : memref<16x256xf32, #tpu.memory_space<vmem>>, vector<16xf32>,
    tpu.vector_store %arg7[%swap3A_731, %swap3A_732], %gather3A_729 {strides = array<i32>} : memref<16x256xf32, #tpu.memory_space<vmem>>, vector<16xf32>,
    %add3A_734 = arith.constant 8 : i32
    %add3A_735 = vector.broadcast %add3A_734 : i32 to vector<16xi32>
    %add3A_736 = arith.addi %mul3A_669, %add3A_735 : vector<16xi32>
    %gather3A_737 = tpu.vector_load_idx %arg5[%add3A_736] : memref<512xf32, #tpu.memory_space<vmem>>[vector<16xi32>], vector<16xf32>,
    %swap3A_738 = arith.constant 8 : i32
    %swap3A_739 = arith.index_cast %swap3A_738 : i32 to index
    %swap3A_740 = arith.constant 80 : index
    %swap3A_741 = tpu.vector_load %arg7[%swap3A_739, %swap3A_740] {strides = array<i32>} : memref<16x256xf32, #tpu.memory_space<vmem>>, vector<16xf32>,
    tpu.vector_store %arg7[%swap3A_739, %swap3A_740], %gather3A_737 {strides = array<i32>} : memref<16x256xf32, #tpu.memory_space<vmem>>, vector<16xf32>,
    %add3A_742 = arith.constant 9 : i32
    %add3A_743 = vector.broadcast %add3A_742 : i32 to vector<16xi32>
    %add3A_744 = arith.addi %mul3A_669, %add3A_743 : vector<16xi32>
    %gather3A_745 = tpu.vector_load_idx %arg5[%add3A_744] : memref<512xf32, #tpu.memory_space<vmem>>[vector<16xi32>], vector<16xf32>,
    %swap3A_746 = arith.constant 9 : i32
    %swap3A_747 = arith.index_cast %swap3A_746 : i32 to index
    %swap3A_748 = arith.constant 80 : index
    %swap3A_749 = tpu.vector_load %arg7[%swap3A_747, %swap3A_748] {strides = array<i32>} : memref<16x256xf32, #tpu.memory_space<vmem>>, vector<16xf32>,
    tpu.vector_store %arg7[%swap3A_747, %swap3A_748], %gather3A_745 {strides = array<i32>} : memref<16x256xf32, #tpu.memory_space<vmem>>, vector<16xf32>,
    %add3A_750 = arith.constant 10 : i32
    %add3A_751 = vector.broadcast %add3A_750 : i32 to vector<16xi32>
    %add3A_752 = arith.addi %mul3A_669, %add3A_751 : vector<16xi32>
    %gather3A_753 = tpu.vector_load_idx %arg5[%add3A_752] : memref<512xf32, #tpu.memory_space<vmem>>[vector<16xi32>], vector<16xf32>,
    %swap3A_754 = arith.constant 10 : i32
    %swap3A_755 = arith.index_cast %swap3A_754 : i32 to index
    %swap3A_756 = arith.constant 80 : index
    %swap3A_757 = tpu.vector_load %arg7[%swap3A_755, %swap3A_756] {strides = array<i32>} : memref<16x256xf32, #tpu.memory_space<vmem>>, vector<16xf32>,
    tpu.vector_store %arg7[%swap3A_755, %swap3A_756], %gather3A_753 {strides = array<i32>} : memref<16x256xf32, #tpu.memory_space<vmem>>, vector<16xf32>,
    %add3A_758 = arith.constant 11 : i32
    %add3A_759 = vector.broadcast %add3A_758 : i32 to vector<16xi32>
    %add3A_760 = arith.addi %mul3A_669, %add3A_759 : vector<16xi32>
    %gather3A_761 = tpu.vector_load_idx %arg5[%add3A_760] : memref<512xf32, #tpu.memory_space<vmem>>[vector<16xi32>], vector<16xf32>,
    %swap3A_762 = arith.constant 11 : i32
    %swap3A_763 = arith.index_cast %swap3A_762 : i32 to index
    %swap3A_764 = arith.constant 80 : index
    %swap3A_765 = tpu.vector_load %arg7[%swap3A_763, %swap3A_764] {strides = array<i32>} : memref<16x256xf32, #tpu.memory_space<vmem>>, vector<16xf32>,
    tpu.vector_store %arg7[%swap3A_763, %swap3A_764], %gather3A_761 {strides = array<i32>} : memref<16x256xf32, #tpu.memory_space<vmem>>, vector<16xf32>,
    %add3A_766 = arith.constant 12 : i32
    %add3A_767 = vector.broadcast %add3A_766 : i32 to vector<16xi32>
    %add3A_768 = arith.addi %mul3A_669, %add3A_767 : vector<16xi32>
    %gather3A_769 = tpu.vector_load_idx %arg5[%add3A_768] : memref<512xf32, #tpu.memory_space<vmem>>[vector<16xi32>], vector<16xf32>,
    %swap3A_770 = arith.constant 12 : i32
    %swap3A_771 = arith.index_cast %swap3A_770 : i32 to index
    %swap3A_772 = arith.constant 80 : index
    %swap3A_773 = tpu.vector_load %arg7[%swap3A_771, %swap3A_772] {strides = array<i32>} : memref<16x256xf32, #tpu.memory_space<vmem>>, vector<16xf32>,
    tpu.vector_store %arg7[%swap3A_771, %swap3A_772], %gather3A_769 {strides = array<i32>} : memref<16x256xf32, #tpu.memory_space<vmem>>, vector<16xf32>,
    %add3A_774 = arith.constant 13 : i32
    %add3A_775 = vector.broadcast %add3A_774 : i32 to vector<16xi32>
    %add3A_776 = arith.addi %mul3A_669, %add3A_775 : vector<16xi32>
    %gather3A_777 = tpu.vector_load_idx %arg5[%add3A_776] : memref<512xf32, #tpu.memory_space<vmem>>[vector<16xi32>], vector<16xf32>,
    %swap3A_778 = arith.constant 13 : i32
    %swap3A_779 = arith.index_cast %swap3A_778 : i32 to index
    %swap3A_780 = arith.constant 80 : index
    %swap3A_781 = tpu.vector_load %arg7[%swap3A_779, %swap3A_780] {strides = array<i32>} : memref<16x256xf32, #tpu.memory_space<vmem>>, vector<16xf32>,
    tpu.vector_store %arg7[%swap3A_779, %swap3A_780], %gather3A_777 {strides = array<i32>} : memref<16x256xf32, #tpu.memory_space<vmem>>, vector<16xf32>,
    %add3A_782 = arith.constant 14 : i32
    %add3A_783 = vector.broadcast %add3A_782 : i32 to vector<16xi32>
    %add3A_784 = arith.addi %mul3A_669, %add3A_783 : vector<16xi32>
    %gather3A_785 = tpu.vector_load_idx %arg5[%add3A_784] : memref<512xf32, #tpu.memory_space<vmem>>[vector<16xi32>], vector<16xf32>,
    %swap3A_786 = arith.constant 14 : i32
    %swap3A_787 = arith.index_cast %swap3A_786 : i32 to index
    %swap3A_788 = arith.constant 80 : index
    %swap3A_789 = tpu.vector_load %arg7[%swap3A_787, %swap3A_788] {strides = array<i32>} : memref<16x256xf32, #tpu.memory_space<vmem>>, vector<16xf32>,
    tpu.vector_store %arg7[%swap3A_787, %swap3A_788], %gather3A_785 {strides = array<i32>} : memref<16x256xf32, #tpu.memory_space<vmem>>, vector<16xf32>,
    %add3A_790 = arith.constant 15 : i32
    %add3A_791 = vector.broadcast %add3A_790 : i32 to vector<16xi32>
    %add3A_792 = arith.addi %mul3A_669, %add3A_791 : vector<16xi32>
    %gather3A_793 = tpu.vector_load_idx %arg5[%add3A_792] : memref<512xf32, #tpu.memory_space<vmem>>[vector<16xi32>], vector<16xf32>,
    %swap3A_794 = arith.constant 15 : i32
    %swap3A_795 = arith.index_cast %swap3A_794 : i32 to index
    %swap3A_796 = arith.constant 80 : index
    %swap3A_797 = tpu.vector_load %arg7[%swap3A_795, %swap3A_796] {strides = array<i32>} : memref<16x256xf32, #tpu.memory_space<vmem>>, vector<16xf32>,
    tpu.vector_store %arg7[%swap3A_795, %swap3A_796], %gather3A_793 {strides = array<i32>} : memref<16x256xf32, #tpu.memory_space<vmem>>, vector<16xf32>,
    %get3A_798 = arith.constant 96 : index
    %get3A_799 = tpu.vector_load %arg6[%get3A_798] {strides = array<i32>} : memref<256xi32, #tpu.memory_space<vmem>>, vector<16xi32>,
    %mul3A_800 = arith.constant 16 : i32
    %mul3A_801 = vector.broadcast %mul3A_800 : i32 to vector<16xi32>
    %mul3A_802 = arith.muli %get3A_799, %mul3A_801 : vector<16xi32>
    %add3A_803 = arith.constant 0 : i32
    %add3A_804 = vector.broadcast %add3A_803 : i32 to vector<16xi32>
    %add3A_805 = arith.addi %mul3A_802, %add3A_804 : vector<16xi32>
    %gather3A_806 = tpu.vector_load_idx %arg5[%add3A_805] : memref<512xf32, #tpu.memory_space<vmem>>[vector<16xi32>], vector<16xf32>,
    %swap3A_807 = arith.constant 0 : i32
    %swap3A_808 = arith.index_cast %swap3A_807 : i32 to index
    %swap3A_809 = arith.constant 96 : index
    %swap3A_810 = tpu.vector_load %arg7[%swap3A_808, %swap3A_809] {strides = array<i32>} : memref<16x256xf32, #tpu.memory_space<vmem>>, vector<16xf32>,
    tpu.vector_store %arg7[%swap3A_808, %swap3A_809], %gather3A_806 {strides = array<i32>} : memref<16x256xf32, #tpu.memory_space<vmem>>, vector<16xf32>,
    %add3A_811 = arith.constant 1 : i32
    %add3A_812 = vector.broadcast %add3A_811 : i32 to vector<16xi32>
    %add3A_813 = arith.addi %mul3A_802, %add3A_812 : vector<16xi32>
    %gather3A_814 = tpu.vector_load_idx %arg5[%add3A_813] : memref<512xf32, #tpu.memory_space<vmem>>[vector<16xi32>], vector<16xf32>,
    %swap3A_815 = arith.constant 1 : i32
    %swap3A_816 = arith.index_cast %swap3A_815 : i32 to index
    %swap3A_817 = arith.constant 96 : index
    %swap3A_818 = tpu.vector_load %arg7[%swap3A_816, %swap3A_817] {strides = array<i32>} : memref<16x256xf32, #tpu.memory_space<vmem>>, vector<16xf32>,
    tpu.vector_store %arg7[%swap3A_816, %swap3A_817], %gather3A_814 {strides = array<i32>} : memref<16x256xf32, #tpu.memory_space<vmem>>, vector<16xf32>,
    %add3A_819 = arith.constant 2 : i32
    %add3A_820 = vector.broadcast %add3A_819 : i32 to vector<16xi32>
    %add3A_821 = arith.addi %mul3A_802, %add3A_820 : vector<16xi32>
    %gather3A_822 = tpu.vector_load_idx %arg5[%add3A_821] : memref<512xf32, #tpu.memory_space<vmem>>[vector<16xi32>], vector<16xf32>,
    %swap3A_823 = arith.constant 2 : i32
    %swap3A_824 = arith.index_cast %swap3A_823 : i32 to index
    %swap3A_825 = arith.constant 96 : index
    %swap3A_826 = tpu.vector_load %arg7[%swap3A_824, %swap3A_825] {strides = array<i32>} : memref<16x256xf32, #tpu.memory_space<vmem>>, vector<16xf32>,
    tpu.vector_store %arg7[%swap3A_824, %swap3A_825], %gather3A_822 {strides = array<i32>} : memref<16x256xf32, #tpu.memory_space<vmem>>, vector<16xf32>,
    %add3A_827 = arith.constant 3 : i32
    %add3A_828 = vector.broadcast %add3A_827 : i32 to vector<16xi32>
    %add3A_829 = arith.addi %mul3A_802, %add3A_828 : vector<16xi32>
    %gather3A_830 = tpu.vector_load_idx %arg5[%add3A_829] : memref<512xf32, #tpu.memory_space<vmem>>[vector<16xi32>], vector<16xf32>,
    %swap3A_831 = arith.constant 3 : i32
    %swap3A_832 = arith.index_cast %swap3A_831 : i32 to index
    %swap3A_833 = arith.constant 96 : index
    %swap3A_834 = tpu.vector_load %arg7[%swap3A_832, %swap3A_833] {strides = array<i32>} : memref<16x256xf32, #tpu.memory_space<vmem>>, vector<16xf32>,
    tpu.vector_store %arg7[%swap3A_832, %swap3A_833], %gather3A_830 {strides = array<i32>} : memref<16x256xf32, #tpu.memory_space<vmem>>, vector<16xf32>,
    %add3A_835 = arith.constant 4 : i32
    %add3A_836 = vector.broadcast %add3A_835 : i32 to vector<16xi32>
    %add3A_837 = arith.addi %mul3A_802, %add3A_836 : vector<16xi32>
    %gather3A_838 = tpu.vector_load_idx %arg5[%add3A_837] : memref<512xf32, #tpu.memory_space<vmem>>[vector<16xi32>], vector<16xf32>,
    %swap3A_839 = arith.constant 4 : i32
    %swap3A_840 = arith.index_cast %swap3A_839 : i32 to index
    %swap3A_841 = arith.constant 96 : index
    %swap3A_842 = tpu.vector_load %arg7[%swap3A_840, %swap3A_841] {strides = array<i32>} : memref<16x256xf32, #tpu.memory_space<vmem>>, vector<16xf32>,
    tpu.vector_store %arg7[%swap3A_840, %swap3A_841], %gather3A_838 {strides = array<i32>} : memref<16x256xf32, #tpu.memory_space<vmem>>, vector<16xf32>,
    %add3A_843 = arith.constant 5 : i32
    %add3A_844 = vector.broadcast %add3A_843 : i32 to vector<16xi32>
    %add3A_845 = arith.addi %mul3A_802, %add3A_844 : vector<16xi32>
    %gather3A_846 = tpu.vector_load_idx %arg5[%add3A_845] : memref<512xf32, #tpu.memory_space<vmem>>[vector<16xi32>], vector<16xf32>,
    %swap3A_847 = arith.constant 5 : i32
    %swap3A_848 = arith.index_cast %swap3A_847 : i32 to index
    %swap3A_849 = arith.constant 96 : index
    %swap3A_850 = tpu.vector_load %arg7[%swap3A_848, %swap3A_849] {strides = array<i32>} : memref<16x256xf32, #tpu.memory_space<vmem>>, vector<16xf32>,
    tpu.vector_store %arg7[%swap3A_848, %swap3A_849], %gather3A_846 {strides = array<i32>} : memref<16x256xf32, #tpu.memory_space<vmem>>, vector<16xf32>,
    %add3A_851 = arith.constant 6 : i32
    %add3A_852 = vector.broadcast %add3A_851 : i32 to vector<16xi32>
    %add3A_853 = arith.addi %mul3A_802, %add3A_852 : vector<16xi32>
    %gather3A_854 = tpu.vector_load_idx %arg5[%add3A_853] : memref<512xf32, #tpu.memory_space<vmem>>[vector<16xi32>], vector<16xf32>,
    %swap3A_855 = arith.constant 6 : i32
    %swap3A_856 = arith.index_cast %swap3A_855 : i32 to index
    %swap3A_857 = arith.constant 96 : index
    %swap3A_858 = tpu.vector_load %arg7[%swap3A_856, %swap3A_857] {strides = array<i32>} : memref<16x256xf32, #tpu.memory_space<vmem>>, vector<16xf32>,
    tpu.vector_store %arg7[%swap3A_856, %swap3A_857], %gather3A_854 {strides = array<i32>} : memref<16x256xf32, #tpu.memory_space<vmem>>, vector<16xf32>,
    %add3A_859 = arith.constant 7 : i32
    %add3A_860 = vector.broadcast %add3A_859 : i32 to vector<16xi32>
    %add3A_861 = arith.addi %mul3A_802, %add3A_860 : vector<16xi32>
    %gather3A_862 = tpu.vector_load_idx %arg5[%add3A_861] : memref<512xf32, #tpu.memory_space<vmem>>[vector<16xi32>], vector<16xf32>,
    %swap3A_863 = arith.constant 7 : i32
    %swap3A_864 = arith.index_cast %swap3A_863 : i32 to index
    %swap3A_865 = arith.constant 96 : index
    %swap3A_866 = tpu.vector_load %arg7[%swap3A_864, %swap3A_865] {strides = array<i32>} : memref<16x256xf32, #tpu.memory_space<vmem>>, vector<16xf32>,
    tpu.vector_store %arg7[%swap3A_864, %swap3A_865], %gather3A_862 {strides = array<i32>} : memref<16x256xf32, #tpu.memory_space<vmem>>, vector<16xf32>,
    %add3A_867 = arith.constant 8 : i32
    %add3A_868 = vector.broadcast %add3A_867 : i32 to vector<16xi32>
    %add3A_869 = arith.addi %mul3A_802, %add3A_868 : vector<16xi32>
    %gather3A_870 = tpu.vector_load_idx %arg5[%add3A_869] : memref<512xf32, #tpu.memory_space<vmem>>[vector<16xi32>], vector<16xf32>,
    %swap3A_871 = arith.constant 8 : i32
    %swap3A_872 = arith.index_cast %swap3A_871 : i32 to index
    %swap3A_873 = arith.constant 96 : index
    %swap3A_874 = tpu.vector_load %arg7[%swap3A_872, %swap3A_873] {strides = array<i32>} : memref<16x256xf32, #tpu.memory_space<vmem>>, vector<16xf32>,
    tpu.vector_store %arg7[%swap3A_872, %swap3A_873], %gather3A_870 {strides = array<i32>} : memref<16x256xf32, #tpu.memory_space<vmem>>, vector<16xf32>,
    %add3A_875 = arith.constant 9 : i32
    %add3A_876 = vector.broadcast %add3A_875 : i32 to vector<16xi32>
    %add3A_877 = arith.addi %mul3A_802, %add3A_876 : vector<16xi32>
    %gather3A_878 = tpu.vector_load_idx %arg5[%add3A_877] : memref<512xf32, #tpu.memory_space<vmem>>[vector<16xi32>], vector<16xf32>,
    %swap3A_879 = arith.constant 9 : i32
    %swap3A_880 = arith.index_cast %swap3A_879 : i32 to index
    %swap3A_881 = arith.constant 96 : index
    %swap3A_882 = tpu.vector_load %arg7[%swap3A_880, %swap3A_881] {strides = array<i32>} : memref<16x256xf32, #tpu.memory_space<vmem>>, vector<16xf32>,
    tpu.vector_store %arg7[%swap3A_880, %swap3A_881], %gather3A_878 {strides = array<i32>} : memref<16x256xf32, #tpu.memory_space<vmem>>, vector<16xf32>,
    %add3A_883 = arith.constant 10 : i32
    %add3A_884 = vector.broadcast %add3A_883 : i32 to vector<16xi32>
    %add3A_885 = arith.addi %mul3A_802, %add3A_884 : vector<16xi32>
    %gather3A_886 = tpu.vector_load_idx %arg5[%add3A_885] : memref<512xf32, #tpu.memory_space<vmem>>[vector<16xi32>], vector<16xf32>,
    %swap3A_887 = arith.constant 10 : i32
    %swap3A_888 = arith.index_cast %swap3A_887 : i32 to index
    %swap3A_889 = arith.constant 96 : index
    %swap3A_890 = tpu.vector_load %arg7[%swap3A_888, %swap3A_889] {strides = array<i32>} : memref<16x256xf32, #tpu.memory_space<vmem>>, vector<16xf32>,
    tpu.vector_store %arg7[%swap3A_888, %swap3A_889], %gather3A_886 {strides = array<i32>} : memref<16x256xf32, #tpu.memory_space<vmem>>, vector<16xf32>,
    %add3A_891 = arith.constant 11 : i32
    %add3A_892 = vector.broadcast %add3A_891 : i32 to vector<16xi32>
    %add3A_893 = arith.addi %mul3A_802, %add3A_892 : vector<16xi32>
    %gather3A_894 = tpu.vector_load_idx %arg5[%add3A_893] : memref<512xf32, #tpu.memory_space<vmem>>[vector<16xi32>], vector<16xf32>,
    %swap3A_895 = arith.constant 11 : i32
    %swap3A_896 = arith.index_cast %swap3A_895 : i32 to index
    %swap3A_897 = arith.constant 96 : index
    %swap3A_898 = tpu.vector_load %arg7[%swap3A_896, %swap3A_897] {strides = array<i32>} : memref<16x256xf32, #tpu.memory_space<vmem>>, vector<16xf32>,
    tpu.vector_store %arg7[%swap3A_896, %swap3A_897], %gather3A_894 {strides = array<i32>} : memref<16x256xf32, #tpu.memory_space<vmem>>, vector<16xf32>,
    %add3A_899 = arith.constant 12 : i32
    %add3A_900 = vector.broadcast %add3A_899 : i32 to vector<16xi32>
    %add3A_901 = arith.addi %mul3A_802, %add3A_900 : vector<16xi32>
    %gather3A_902 = tpu.vector_load_idx %arg5[%add3A_901] : memref<512xf32, #tpu.memory_space<vmem>>[vector<16xi32>], vector<16xf32>,
    %swap3A_903 = arith.constant 12 : i32
    %swap3A_904 = arith.index_cast %swap3A_903 : i32 to index
    %swap3A_905 = arith.constant 96 : index
    %swap3A_906 = tpu.vector_load %arg7[%swap3A_904, %swap3A_905] {strides = array<i32>} : memref<16x256xf32, #tpu.memory_space<vmem>>, vector<16xf32>,
    tpu.vector_store %arg7[%swap3A_904, %swap3A_905], %gather3A_902 {strides = array<i32>} : memref<16x256xf32, #tpu.memory_space<vmem>>, vector<16xf32>,
    %add3A_907 = arith.constant 13 : i32
    %add3A_908 = vector.broadcast %add3A_907 : i32 to vector<16xi32>
    %add3A_909 = arith.addi %mul3A_802, %add3A_908 : vector<16xi32>
    %gather3A_910 = tpu.vector_load_idx %arg5[%add3A_909] : memref<512xf32, #tpu.memory_space<vmem>>[vector<16xi32>], vector<16xf32>,
    %swap3A_911 = arith.constant 13 : i32
    %swap3A_912 = arith.index_cast %swap3A_911 : i32 to index
    %swap3A_913 = arith.constant 96 : index
    %swap3A_914 = tpu.vector_load %arg7[%swap3A_912, %swap3A_913] {strides = array<i32>} : memref<16x256xf32, #tpu.memory_space<vmem>>, vector<16xf32>,
    tpu.vector_store %arg7[%swap3A_912, %swap3A_913], %gather3A_910 {strides = array<i32>} : memref<16x256xf32, #tpu.memory_space<vmem>>, vector<16xf32>,
    %add3A_915 = arith.constant 14 : i32
    %add3A_916 = vector.broadcast %add3A_915 : i32 to vector<16xi32>
    %add3A_917 = arith.addi %mul3A_802, %add3A_916 : vector<16xi32>
    %gather3A_918 = tpu.vector_load_idx %arg5[%add3A_917] : memref<512xf32, #tpu.memory_space<vmem>>[vector<16xi32>], vector<16xf32>,
    %swap3A_919 = arith.constant 14 : i32
    %swap3A_920 = arith.index_cast %swap3A_919 : i32 to index
    %swap3A_921 = arith.constant 96 : index
    %swap3A_922 = tpu.vector_load %arg7[%swap3A_920, %swap3A_921] {strides = array<i32>} : memref<16x256xf32, #tpu.memory_space<vmem>>, vector<16xf32>,
    tpu.vector_store %arg7[%swap3A_920, %swap3A_921], %gather3A_918 {strides = array<i32>} : memref<16x256xf32, #tpu.memory_space<vmem>>, vector<16xf32>,
    %add3A_923 = arith.constant 15 : i32
    %add3A_924 = vector.broadcast %add3A_923 : i32 to vector<16xi32>
    %add3A_925 = arith.addi %mul3A_802, %add3A_924 : vector<16xi32>
    %gather3A_926 = tpu.vector_load_idx %arg5[%add3A_925] : memref<512xf32, #tpu.memory_space<vmem>>[vector<16xi32>], vector<16xf32>,
    %swap3A_927 = arith.constant 15 : i32
    %swap3A_928 = arith.index_cast %swap3A_927 : i32 to index
    %swap3A_929 = arith.constant 96 : index
    %swap3A_930 = tpu.vector_load %arg7[%swap3A_928, %swap3A_929] {strides = array<i32>} : memref<16x256xf32, #tpu.memory_space<vmem>>, vector<16xf32>,
    tpu.vector_store %arg7[%swap3A_928, %swap3A_929], %gather3A_926 {strides = array<i32>} : memref<16x256xf32, #tpu.memory_space<vmem>>, vector<16xf32>,
    %get3A_931 = arith.constant 112 : index
    %get3A_932 = tpu.vector_load %arg6[%get3A_931] {strides = array<i32>} : memref<256xi32, #tpu.memory_space<vmem>>, vector<16xi32>,
    %mul3A_933 = arith.constant 16 : i32
    %mul3A_934 = vector.broadcast %mul3A_933 : i32 to vector<16xi32>
    %mul3A_935 = arith.muli %get3A_932, %mul3A_934 : vector<16xi32>
    %add3A_936 = arith.constant 0 : i32
    %add3A_937 = vector.broadcast %add3A_936 : i32 to vector<16xi32>
    %add3A_938 = arith.addi %mul3A_935, %add3A_937 : vector<16xi32>
    %gather3A_939 = tpu.vector_load_idx %arg5[%add3A_938] : memref<512xf32, #tpu.memory_space<vmem>>[vector<16xi32>], vector<16xf32>,
    %swap3A_940 = arith.constant 0 : i32
    %swap3A_941 = arith.index_cast %swap3A_940 : i32 to index
    %swap3A_942 = arith.constant 112 : index
    %swap3A_943 = tpu.vector_load %arg7[%swap3A_941, %swap3A_942] {strides = array<i32>} : memref<16x256xf32, #tpu.memory_space<vmem>>, vector<16xf32>,
    tpu.vector_store %arg7[%swap3A_941, %swap3A_942], %gather3A_939 {strides = array<i32>} : memref<16x256xf32, #tpu.memory_space<vmem>>, vector<16xf32>,
    %add3A_944 = arith.constant 1 : i32
    %add3A_945 = vector.broadcast %add3A_944 : i32 to vector<16xi32>
    %add3A_946 = arith.addi %mul3A_935, %add3A_945 : vector<16xi32>
    %gather3A_947 = tpu.vector_load_idx %arg5[%add3A_946] : memref<512xf32, #tpu.memory_space<vmem>>[vector<16xi32>], vector<16xf32>,
    %swap3A_948 = arith.constant 1 : i32
    %swap3A_949 = arith.index_cast %swap3A_948 : i32 to index
    %swap3A_950 = arith.constant 112 : index
    %swap3A_951 = tpu.vector_load %arg7[%swap3A_949, %swap3A_950] {strides = array<i32>} : memref<16x256xf32, #tpu.memory_space<vmem>>, vector<16xf32>,
    tpu.vector_store %arg7[%swap3A_949, %swap3A_950], %gather3A_947 {strides = array<i32>} : memref<16x256xf32, #tpu.memory_space<vmem>>, vector<16xf32>,
    %add3A_952 = arith.constant 2 : i32
    %add3A_953 = vector.broadcast %add3A_952 : i32 to vector<16xi32>
    %add3A_954 = arith.addi %mul3A_935, %add3A_953 : vector<16xi32>
    %gather3A_955 = tpu.vector_load_idx %arg5[%add3A_954] : memref<512xf32, #tpu.memory_space<vmem>>[vector<16xi32>], vector<16xf32>,
    %swap3A_956 = arith.constant 2 : i32
    %swap3A_957 = arith.index_cast %swap3A_956 : i32 to index
    %swap3A_958 = arith.constant 112 : index
    %swap3A_959 = tpu.vector_load %arg7[%swap3A_957, %swap3A_958] {strides = array<i32>} : memref<16x256xf32, #tpu.memory_space<vmem>>, vector<16xf32>,
    tpu.vector_store %arg7[%swap3A_957, %swap3A_958], %gather3A_955 {strides = array<i32>} : memref<16x256xf32, #tpu.memory_space<vmem>>, vector<16xf32>,
    %add3A_960 = arith.constant 3 : i32
    %add3A_961 = vector.broadcast %add3A_960 : i32 to vector<16xi32>
    %add3A_962 = arith.addi %mul3A_935, %add3A_961 : vector<16xi32>
    %gather3A_963 = tpu.vector_load_idx %arg5[%add3A_962] : memref<512xf32, #tpu.memory_space<vmem>>[vector<16xi32>], vector<16xf32>,
    %swap3A_964 = arith.constant 3 : i32
    %swap3A_965 = arith.index_cast %swap3A_964 : i32 to index
    %swap3A_966 = arith.constant 112 : index
    %swap3A_967 = tpu.vector_load %arg7[%swap3A_965, %swap3A_966] {strides = array<i32>} : memref<16x256xf32, #tpu.memory_space<vmem>>, vector<16xf32>,
    tpu.vector_store %arg7[%swap3A_965, %swap3A_966], %gather3A_963 {strides = array<i32>} : memref<16x256xf32, #tpu.memory_space<vmem>>, vector<16xf32>,
    %add3A_968 = arith.constant 4 : i32
    %add3A_969 = vector.broadcast %add3A_968 : i32 to vector<16xi32>
    %add3A_970 = arith.addi %mul3A_935, %add3A_969 : vector<16xi32>
    %gather3A_971 = tpu.vector_load_idx %arg5[%add3A_970] : memref<512xf32, #tpu.memory_space<vmem>>[vector<16xi32>], vector<16xf32>,
    %swap3A_972 = arith.constant 4 : i32
    %swap3A_973 = arith.index_cast %swap3A_972 : i32 to index
    %swap3A_974 = arith.constant 112 : index
    %swap3A_975 = tpu.vector_load %arg7[%swap3A_973, %swap3A_974] {strides = array<i32>} : memref<16x256xf32, #tpu.memory_space<vmem>>, vector<16xf32>,
    tpu.vector_store %arg7[%swap3A_973, %swap3A_974], %gather3A_971 {strides = array<i32>} : memref<16x256xf32, #tpu.memory_space<vmem>>, vector<16xf32>,
    %add3A_976 = arith.constant 5 : i32
    %add3A_977 = vector.broadcast %add3A_976 : i32 to vector<16xi32>
    %add3A_978 = arith.addi %mul3A_935, %add3A_977 : vector<16xi32>
    %gather3A_979 = tpu.vector_load_idx %arg5[%add3A_978] : memref<512xf32, #tpu.memory_space<vmem>>[vector<16xi32>], vector<16xf32>,
    %swap3A_980 = arith.constant 5 : i32
    %swap3A_981 = arith.index_cast %swap3A_980 : i32 to index
    %swap3A_982 = arith.constant 112 : index
    %swap3A_983 = tpu.vector_load %arg7[%swap3A_981, %swap3A_982] {strides = array<i32>} : memref<16x256xf32, #tpu.memory_space<vmem>>, vector<16xf32>,
    tpu.vector_store %arg7[%swap3A_981, %swap3A_982], %gather3A_979 {strides = array<i32>} : memref<16x256xf32, #tpu.memory_space<vmem>>, vector<16xf32>,
    %add3A_984 = arith.constant 6 : i32
    %add3A_985 = vector.broadcast %add3A_984 : i32 to vector<16xi32>
    %add3A_986 = arith.addi %mul3A_935, %add3A_985 : vector<16xi32>
    %gather3A_987 = tpu.vector_load_idx %arg5[%add3A_986] : memref<512xf32, #tpu.memory_space<vmem>>[vector<16xi32>], vector<16xf32>,
    %swap3A_988 = arith.constant 6 : i32
    %swap3A_989 = arith.index_cast %swap3A_988 : i32 to index
    %swap3A_990 = arith.constant 112 : index
    %swap3A_991 = tpu.vector_load %arg7[%swap3A_989, %swap3A_990] {strides = array<i32>} : memref<16x256xf32, #tpu.memory_space<vmem>>, vector<16xf32>,
    tpu.vector_store %arg7[%swap3A_989, %swap3A_990], %gather3A_987 {strides = array<i32>} : memref<16x256xf32, #tpu.memory_space<vmem>>, vector<16xf32>,
    %add3A_992 = arith.constant 7 : i32
    %add3A_993 = vector.broadcast %add3A_992 : i32 to vector<16xi32>
    %add3A_994 = arith.addi %mul3A_935, %add3A_993 : vector<16xi32>
    %gather3A_995 = tpu.vector_load_idx %arg5[%add3A_994] : memref<512xf32, #tpu.memory_space<vmem>>[vector<16xi32>], vector<16xf32>,
    %swap3A_996 = arith.constant 7 : i32
    %swap3A_997 = arith.index_cast %swap3A_996 : i32 to index
    %swap3A_998 = arith.constant 112 : index
    %swap3A_999 = tpu.vector_load %arg7[%swap3A_997, %swap3A_998] {strides = array<i32>} : memref<16x256xf32, #tpu.memory_space<vmem>>, vector<16xf32>,
    tpu.vector_store %arg7[%swap3A_997, %swap3A_998], %gather3A_995 {strides = array<i32>} : memref<16x256xf32, #tpu.memory_space<vmem>>, vector<16xf32>,
    %add3A_1000 = arith.constant 8 : i32
    %add3A_1001 = vector.broadcast %add3A_1000 : i32 to vector<16xi32>
    %add3A_1002 = arith.addi %mul3A_935, %add3A_1001 : vector<16xi32>
    %gather3A_1003 = tpu.vector_load_idx %arg5[%add3A_1002] : memref<512xf32, #tpu.memory_space<vmem>>[vector<16xi32>], vector<16xf32>,
    %swap3A_1004 = arith.constant 8 : i32
    %swap3A_1005 = arith.index_cast %swap3A_1004 : i32 to index
    %swap3A_1006 = arith.constant 112 : index
    %swap3A_1007 = tpu.vector_load %arg7[%swap3A_1005, %swap3A_1006] {strides = array<i32>} : memref<16x256xf32, #tpu.memory_space<vmem>>, vector<16xf32>,
    tpu.vector_store %arg7[%swap3A_1005, %swap3A_1006], %gather3A_1003 {strides = array<i32>} : memref<16x256xf32, #tpu.memory_space<vmem>>, vector<16xf32>,
    %add3A_1008 = arith.constant 9 : i32
    %add3A_1009 = vector.broadcast %add3A_1008 : i32 to vector<16xi32>
    %add3A_1010 = arith.addi %mul3A_935, %add3A_1009 : vector<16xi32>
    %gather3A_1011 = tpu.vector_load_idx %arg5[%add3A_1010] : memref<512xf32, #tpu.memory_space<vmem>>[vector<16xi32>], vector<16xf32>,
    %swap3A_1012 = arith.constant 9 : i32
    %swap3A_1013 = arith.index_cast %swap3A_1012 : i32 to index
    %swap3A_1014 = arith.constant 112 : index
    %swap3A_1015 = tpu.vector_load %arg7[%swap3A_1013, %swap3A_1014] {strides = array<i32>} : memref<16x256xf32, #tpu.memory_space<vmem>>, vector<16xf32>,
    tpu.vector_store %arg7[%swap3A_1013, %swap3A_1014], %gather3A_1011 {strides = array<i32>} : memref<16x256xf32, #tpu.memory_space<vmem>>, vector<16xf32>,
    %add3A_1016 = arith.constant 10 : i32
    %add3A_1017 = vector.broadcast %add3A_1016 : i32 to vector<16xi32>
    %add3A_1018 = arith.addi %mul3A_935, %add3A_1017 : vector<16xi32>
    %gather3A_1019 = tpu.vector_load_idx %arg5[%add3A_1018] : memref<512xf32, #tpu.memory_space<vmem>>[vector<16xi32>], vector<16xf32>,
    %swap3A_1020 = arith.constant 10 : i32
    %swap3A_1021 = arith.index_cast %swap3A_1020 : i32 to index
    %swap3A_1022 = arith.constant 112 : index
    %swap3A_1023 = tpu.vector_load %arg7[%swap3A_1021, %swap3A_1022] {strides = array<i32>} : memref<16x256xf32, #tpu.memory_space<vmem>>, vector<16xf32>,
    tpu.vector_store %arg7[%swap3A_1021, %swap3A_1022], %gather3A_1019 {strides = array<i32>} : memref<16x256xf32, #tpu.memory_space<vmem>>, vector<16xf32>,
    %add3A_1024 = arith.constant 11 : i32
    %add3A_1025 = vector.broadcast %add3A_1024 : i32 to vector<16xi32>
    %add3A_1026 = arith.addi %mul3A_935, %add3A_1025 : vector<16xi32>
    %gather3A_1027 = tpu.vector_load_idx %arg5[%add3A_1026] : memref<512xf32, #tpu.memory_space<vmem>>[vector<16xi32>], vector<16xf32>,
    %swap3A_1028 = arith.constant 11 : i32
    %swap3A_1029 = arith.index_cast %swap3A_1028 : i32 to index
    %swap3A_1030 = arith.constant 112 : index
    %swap3A_1031 = tpu.vector_load %arg7[%swap3A_1029, %swap3A_1030] {strides = array<i32>} : memref<16x256xf32, #tpu.memory_space<vmem>>, vector<16xf32>,
    tpu.vector_store %arg7[%swap3A_1029, %swap3A_1030], %gather3A_1027 {strides = array<i32>} : memref<16x256xf32, #tpu.memory_space<vmem>>, vector<16xf32>,
    %add3A_1032 = arith.constant 12 : i32
    %add3A_1033 = vector.broadcast %add3A_1032 : i32 to vector<16xi32>
    %add3A_1034 = arith.addi %mul3A_935, %add3A_1033 : vector<16xi32>
    %gather3A_1035 = tpu.vector_load_idx %arg5[%add3A_1034] : memref<512xf32, #tpu.memory_space<vmem>>[vector<16xi32>], vector<16xf32>,
    %swap3A_1036 = arith.constant 12 : i32
    %swap3A_1037 = arith.index_cast %swap3A_1036 : i32 to index
    %swap3A_1038 = arith.constant 112 : index
    %swap3A_1039 = tpu.vector_load %arg7[%swap3A_1037, %swap3A_1038] {strides = array<i32>} : memref<16x256xf32, #tpu.memory_space<vmem>>, vector<16xf32>,
    tpu.vector_store %arg7[%swap3A_1037, %swap3A_1038], %gather3A_1035 {strides = array<i32>} : memref<16x256xf32, #tpu.memory_space<vmem>>, vector<16xf32>,
    %add3A_1040 = arith.constant 13 : i32
    %add3A_1041 = vector.broadcast %add3A_1040 : i32 to vector<16xi32>
    %add3A_1042 = arith.addi %mul3A_935, %add3A_1041 : vector<16xi32>
    %gather3A_1043 = tpu.vector_load_idx %arg5[%add3A_1042] : memref<512xf32, #tpu.memory_space<vmem>>[vector<16xi32>], vector<16xf32>,
    %swap3A_1044 = arith.constant 13 : i32
    %swap3A_1045 = arith.index_cast %swap3A_1044 : i32 to index
    %swap3A_1046 = arith.constant 112 : index
    %swap3A_1047 = tpu.vector_load %arg7[%swap3A_1045, %swap3A_1046] {strides = array<i32>} : memref<16x256xf32, #tpu.memory_space<vmem>>, vector<16xf32>,
    tpu.vector_store %arg7[%swap3A_1045, %swap3A_1046], %gather3A_1043 {strides = array<i32>} : memref<16x256xf32, #tpu.memory_space<vmem>>, vector<16xf32>,
    %add3A_1048 = arith.constant 14 : i32
    %add3A_1049 = vector.broadcast %add3A_1048 : i32 to vector<16xi32>
    %add3A_1050 = arith.addi %mul3A_935, %add3A_1049 : vector<16xi32>
    %gather3A_1051 = tpu.vector_load_idx %arg5[%add3A_1050] : memref<512xf32, #tpu.memory_space<vmem>>[vector<16xi32>], vector<16xf32>,
    %swap3A_1052 = arith.constant 14 : i32
    %swap3A_1053 = arith.index_cast %swap3A_1052 : i32 to index
    %swap3A_1054 = arith.constant 112 : index
    %swap3A_1055 = tpu.vector_load %arg7[%swap3A_1053, %swap3A_1054] {strides = array<i32>} : memref<16x256xf32, #tpu.memory_space<vmem>>, vector<16xf32>,
    tpu.vector_store %arg7[%swap3A_1053, %swap3A_1054], %gather3A_1051 {strides = array<i32>} : memref<16x256xf32, #tpu.memory_space<vmem>>, vector<16xf32>,
    %add3A_1056 = arith.constant 15 : i32
    %add3A_1057 = vector.broadcast %add3A_1056 : i32 to vector<16xi32>
    %add3A_1058 = arith.addi %mul3A_935, %add3A_1057 : vector<16xi32>
    %gather3A_1059 = tpu.vector_load_idx %arg5[%add3A_1058] : memref<512xf32, #tpu.memory_space<vmem>>[vector<16xi32>], vector<16xf32>,
    %swap3A_1060 = arith.constant 15 : i32
    %swap3A_1061 = arith.index_cast %swap3A_1060 : i32 to index
    %swap3A_1062 = arith.constant 112 : index
    %swap3A_1063 = tpu.vector_load %arg7[%swap3A_1061, %swap3A_1062] {strides = array<i32>} : memref<16x256xf32, #tpu.memory_space<vmem>>, vector<16xf32>,
    tpu.vector_store %arg7[%swap3A_1061, %swap3A_1062], %gather3A_1059 {strides = array<i32>} : memref<16x256xf32, #tpu.memory_space<vmem>>, vector<16xf32>,
    %get3A_1064 = arith.constant 128 : index
    %get3A_1065 = tpu.vector_load %arg6[%get3A_1064] {strides = array<i32>} : memref<256xi32, #tpu.memory_space<vmem>>, vector<16xi32>,
    %mul3A_1066 = arith.constant 16 : i32
    %mul3A_1067 = vector.broadcast %mul3A_1066 : i32 to vector<16xi32>
    %mul3A_1068 = arith.muli %get3A_1065, %mul3A_1067 : vector<16xi32>
    %add3A_1069 = arith.constant 0 : i32
    %add3A_1070 = vector.broadcast %add3A_1069 : i32 to vector<16xi32>
    %add3A_1071 = arith.addi %mul3A_1068, %add3A_1070 : vector<16xi32>
    %gather3A_1072 = tpu.vector_load_idx %arg5[%add3A_1071] : memref<512xf32, #tpu.memory_space<vmem>>[vector<16xi32>], vector<16xf32>,
    %swap3A_1073 = arith.constant 0 : i32
    %swap3A_1074 = arith.index_cast %swap3A_1073 : i32 to index
    %swap3A_1075 = arith.constant 128 : index
    %swap3A_1076 = tpu.vector_load %arg7[%swap3A_1074, %swap3A_1075] {strides = array<i32>} : memref<16x256xf32, #tpu.memory_space<vmem>>, vector<16xf32>,
    tpu.vector_store %arg7[%swap3A_1074, %swap3A_1075], %gather3A_1072 {strides = array<i32>} : memref<16x256xf32, #tpu.memory_space<vmem>>, vector<16xf32>,
    %add3A_1077 = arith.constant 1 : i32
    %add3A_1078 = vector.broadcast %add3A_1077 : i32 to vector<16xi32>
    %add3A_1079 = arith.addi %mul3A_1068, %add3A_1078 : vector<16xi32>
    %gather3A_1080 = tpu.vector_load_idx %arg5[%add3A_1079] : memref<512xf32, #tpu.memory_space<vmem>>[vector<16xi32>], vector<16xf32>,
    %swap3A_1081 = arith.constant 1 : i32
    %swap3A_1082 = arith.index_cast %swap3A_1081 : i32 to index
    %swap3A_1083 = arith.constant 128 : index
    %swap3A_1084 = tpu.vector_load %arg7[%swap3A_1082, %swap3A_1083] {strides = array<i32>} : memref<16x256xf32, #tpu.memory_space<vmem>>, vector<16xf32>,
    tpu.vector_store %arg7[%swap3A_1082, %swap3A_1083], %gather3A_1080 {strides = array<i32>} : memref<16x256xf32, #tpu.memory_space<vmem>>, vector<16xf32>,
    %add3A_1085 = arith.constant 2 : i32
    %add3A_1086 = vector.broadcast %add3A_1085 : i32 to vector<16xi32>
    %add3A_1087 = arith.addi %mul3A_1068, %add3A_1086 : vector<16xi32>
    %gather3A_1088 = tpu.vector_load_idx %arg5[%add3A_1087] : memref<512xf32, #tpu.memory_space<vmem>>[vector<16xi32>], vector<16xf32>,
    %swap3A_1089 = arith.constant 2 : i32
    %swap3A_1090 = arith.index_cast %swap3A_1089 : i32 to index
    %swap3A_1091 = arith.constant 128 : index
    %swap3A_1092 = tpu.vector_load %arg7[%swap3A_1090, %swap3A_1091] {strides = array<i32>} : memref<16x256xf32, #tpu.memory_space<vmem>>, vector<16xf32>,
    tpu.vector_store %arg7[%swap3A_1090, %swap3A_1091], %gather3A_1088 {strides = array<i32>} : memref<16x256xf32, #tpu.memory_space<vmem>>, vector<16xf32>,
    %add3A_1093 = arith.constant 3 : i32
    %add3A_1094 = vector.broadcast %add3A_1093 : i32 to vector<16xi32>
    %add3A_1095 = arith.addi %mul3A_1068, %add3A_1094 : vector<16xi32>
    %gather3A_1096 = tpu.vector_load_idx %arg5[%add3A_1095] : memref<512xf32, #tpu.memory_space<vmem>>[vector<16xi32>], vector<16xf32>,
    %swap3A_1097 = arith.constant 3 : i32
    %swap3A_1098 = arith.index_cast %swap3A_1097 : i32 to index
    %swap3A_1099 = arith.constant 128 : index
    %swap3A_1100 = tpu.vector_load %arg7[%swap3A_1098, %swap3A_1099] {strides = array<i32>} : memref<16x256xf32, #tpu.memory_space<vmem>>, vector<16xf32>,
    tpu.vector_store %arg7[%swap3A_1098, %swap3A_1099], %gather3A_1096 {strides = array<i32>} : memref<16x256xf32, #tpu.memory_space<vmem>>, vector<16xf32>,
    %add3A_1101 = arith.constant 4 : i32
    %add3A_1102 = vector.broadcast %add3A_1101 : i32 to vector<16xi32>
    %add3A_1103 = arith.addi %mul3A_1068, %add3A_1102 : vector<16xi32>
    %gather3A_1104 = tpu.vector_load_idx %arg5[%add3A_1103] : memref<512xf32, #tpu.memory_space<vmem>>[vector<16xi32>], vector<16xf32>,
    %swap3A_1105 = arith.constant 4 : i32
    %swap3A_1106 = arith.index_cast %swap3A_1105 : i32 to index
    %swap3A_1107 = arith.constant 128 : index
    %swap3A_1108 = tpu.vector_load %arg7[%swap3A_1106, %swap3A_1107] {strides = array<i32>} : memref<16x256xf32, #tpu.memory_space<vmem>>, vector<16xf32>,
    tpu.vector_store %arg7[%swap3A_1106, %swap3A_1107], %gather3A_1104 {strides = array<i32>} : memref<16x256xf32, #tpu.memory_space<vmem>>, vector<16xf32>,
    %add3A_1109 = arith.constant 5 : i32
    %add3A_1110 = vector.broadcast %add3A_1109 : i32 to vector<16xi32>
    %add3A_1111 = arith.addi %mul3A_1068, %add3A_1110 : vector<16xi32>
    %gather3A_1112 = tpu.vector_load_idx %arg5[%add3A_1111] : memref<512xf32, #tpu.memory_space<vmem>>[vector<16xi32>], vector<16xf32>,
    %swap3A_1113 = arith.constant 5 : i32
    %swap3A_1114 = arith.index_cast %swap3A_1113 : i32 to index
    %swap3A_1115 = arith.constant 128 : index
    %swap3A_1116 = tpu.vector_load %arg7[%swap3A_1114, %swap3A_1115] {strides = array<i32>} : memref<16x256xf32, #tpu.memory_space<vmem>>, vector<16xf32>,
    tpu.vector_store %arg7[%swap3A_1114, %swap3A_1115], %gather3A_1112 {strides = array<i32>} : memref<16x256xf32, #tpu.memory_space<vmem>>, vector<16xf32>,
    %add3A_1117 = arith.constant 6 : i32
    %add3A_1118 = vector.broadcast %add3A_1117 : i32 to vector<16xi32>
    %add3A_1119 = arith.addi %mul3A_1068, %add3A_1118 : vector<16xi32>
    %gather3A_1120 = tpu.vector_load_idx %arg5[%add3A_1119] : memref<512xf32, #tpu.memory_space<vmem>>[vector<16xi32>], vector<16xf32>,
    %swap3A_1121 = arith.constant 6 : i32
    %swap3A_1122 = arith.index_cast %swap3A_1121 : i32 to index
    %swap3A_1123 = arith.constant 128 : index
    %swap3A_1124 = tpu.vector_load %arg7[%swap3A_1122, %swap3A_1123] {strides = array<i32>} : memref<16x256xf32, #tpu.memory_space<vmem>>, vector<16xf32>,
    tpu.vector_store %arg7[%swap3A_1122, %swap3A_1123], %gather3A_1120 {strides = array<i32>} : memref<16x256xf32, #tpu.memory_space<vmem>>, vector<16xf32>,
    %add3A_1125 = arith.constant 7 : i32
    %add3A_1126 = vector.broadcast %add3A_1125 : i32 to vector<16xi32>
    %add3A_1127 = arith.addi %mul3A_1068, %add3A_1126 : vector<16xi32>
    %gather3A_1128 = tpu.vector_load_idx %arg5[%add3A_1127] : memref<512xf32, #tpu.memory_space<vmem>>[vector<16xi32>], vector<16xf32>,
    %swap3A_1129 = arith.constant 7 : i32
    %swap3A_1130 = arith.index_cast %swap3A_1129 : i32 to index
    %swap3A_1131 = arith.constant 128 : index
    %swap3A_1132 = tpu.vector_load %arg7[%swap3A_1130, %swap3A_1131] {strides = array<i32>} : memref<16x256xf32, #tpu.memory_space<vmem>>, vector<16xf32>,
    tpu.vector_store %arg7[%swap3A_1130, %swap3A_1131], %gather3A_1128 {strides = array<i32>} : memref<16x256xf32, #tpu.memory_space<vmem>>, vector<16xf32>,
    %add3A_1133 = arith.constant 8 : i32
    %add3A_1134 = vector.broadcast %add3A_1133 : i32 to vector<16xi32>
    %add3A_1135 = arith.addi %mul3A_1068, %add3A_1134 : vector<16xi32>
    %gather3A_1136 = tpu.vector_load_idx %arg5[%add3A_1135] : memref<512xf32, #tpu.memory_space<vmem>>[vector<16xi32>], vector<16xf32>,
    %swap3A_1137 = arith.constant 8 : i32
    %swap3A_1138 = arith.index_cast %swap3A_1137 : i32 to index
    %swap3A_1139 = arith.constant 128 : index
    %swap3A_1140 = tpu.vector_load %arg7[%swap3A_1138, %swap3A_1139] {strides = array<i32>} : memref<16x256xf32, #tpu.memory_space<vmem>>, vector<16xf32>,
    tpu.vector_store %arg7[%swap3A_1138, %swap3A_1139], %gather3A_1136 {strides = array<i32>} : memref<16x256xf32, #tpu.memory_space<vmem>>, vector<16xf32>,
    %add3A_1141 = arith.constant 9 : i32
    %add3A_1142 = vector.broadcast %add3A_1141 : i32 to vector<16xi32>
    %add3A_1143 = arith.addi %mul3A_1068, %add3A_1142 : vector<16xi32>
    %gather3A_1144 = tpu.vector_load_idx %arg5[%add3A_1143] : memref<512xf32, #tpu.memory_space<vmem>>[vector<16xi32>], vector<16xf32>,
    %swap3A_1145 = arith.constant 9 : i32
    %swap3A_1146 = arith.index_cast %swap3A_1145 : i32 to index
    %swap3A_1147 = arith.constant 128 : index
    %swap3A_1148 = tpu.vector_load %arg7[%swap3A_1146, %swap3A_1147] {strides = array<i32>} : memref<16x256xf32, #tpu.memory_space<vmem>>, vector<16xf32>,
    tpu.vector_store %arg7[%swap3A_1146, %swap3A_1147], %gather3A_1144 {strides = array<i32>} : memref<16x256xf32, #tpu.memory_space<vmem>>, vector<16xf32>,
    %add3A_1149 = arith.constant 10 : i32
    %add3A_1150 = vector.broadcast %add3A_1149 : i32 to vector<16xi32>
    %add3A_1151 = arith.addi %mul3A_1068, %add3A_1150 : vector<16xi32>
    %gather3A_1152 = tpu.vector_load_idx %arg5[%add3A_1151] : memref<512xf32, #tpu.memory_space<vmem>>[vector<16xi32>], vector<16xf32>,
    %swap3A_1153 = arith.constant 10 : i32
    %swap3A_1154 = arith.index_cast %swap3A_1153 : i32 to index
    %swap3A_1155 = arith.constant 128 : index
    %swap3A_1156 = tpu.vector_load %arg7[%swap3A_1154, %swap3A_1155] {strides = array<i32>} : memref<16x256xf32, #tpu.memory_space<vmem>>, vector<16xf32>,
    tpu.vector_store %arg7[%swap3A_1154, %swap3A_1155], %gather3A_1152 {strides = array<i32>} : memref<16x256xf32, #tpu.memory_space<vmem>>, vector<16xf32>,
    %add3A_1157 = arith.constant 11 : i32
    %add3A_1158 = vector.broadcast %add3A_1157 : i32 to vector<16xi32>
    %add3A_1159 = arith.addi %mul3A_1068, %add3A_1158 : vector<16xi32>
    %gather3A_1160 = tpu.vector_load_idx %arg5[%add3A_1159] : memref<512xf32, #tpu.memory_space<vmem>>[vector<16xi32>], vector<16xf32>,
    %swap3A_1161 = arith.constant 11 : i32
    %swap3A_1162 = arith.index_cast %swap3A_1161 : i32 to index
    %swap3A_1163 = arith.constant 128 : index
    %swap3A_1164 = tpu.vector_load %arg7[%swap3A_1162, %swap3A_1163] {strides = array<i32>} : memref<16x256xf32, #tpu.memory_space<vmem>>, vector<16xf32>,
    tpu.vector_store %arg7[%swap3A_1162, %swap3A_1163], %gather3A_1160 {strides = array<i32>} : memref<16x256xf32, #tpu.memory_space<vmem>>, vector<16xf32>,
    %add3A_1165 = arith.constant 12 : i32
    %add3A_1166 = vector.broadcast %add3A_1165 : i32 to vector<16xi32>
    %add3A_1167 = arith.addi %mul3A_1068, %add3A_1166 : vector<16xi32>
    %gather3A_1168 = tpu.vector_load_idx %arg5[%add3A_1167] : memref<512xf32, #tpu.memory_space<vmem>>[vector<16xi32>], vector<16xf32>,
    %swap3A_1169 = arith.constant 12 : i32
    %swap3A_1170 = arith.index_cast %swap3A_1169 : i32 to index
    %swap3A_1171 = arith.constant 128 : index
    %swap3A_1172 = tpu.vector_load %arg7[%swap3A_1170, %swap3A_1171] {strides = array<i32>} : memref<16x256xf32, #tpu.memory_space<vmem>>, vector<16xf32>,
    tpu.vector_store %arg7[%swap3A_1170, %swap3A_1171], %gather3A_1168 {strides = array<i32>} : memref<16x256xf32, #tpu.memory_space<vmem>>, vector<16xf32>,
    %add3A_1173 = arith.constant 13 : i32
    %add3A_1174 = vector.broadcast %add3A_1173 : i32 to vector<16xi32>
    %add3A_1175 = arith.addi %mul3A_1068, %add3A_1174 : vector<16xi32>
    %gather3A_1176 = tpu.vector_load_idx %arg5[%add3A_1175] : memref<512xf32, #tpu.memory_space<vmem>>[vector<16xi32>], vector<16xf32>,
    %swap3A_1177 = arith.constant 13 : i32
    %swap3A_1178 = arith.index_cast %swap3A_1177 : i32 to index
    %swap3A_1179 = arith.constant 128 : index
    %swap3A_1180 = tpu.vector_load %arg7[%swap3A_1178, %swap3A_1179] {strides = array<i32>} : memref<16x256xf32, #tpu.memory_space<vmem>>, vector<16xf32>,
    tpu.vector_store %arg7[%swap3A_1178, %swap3A_1179], %gather3A_1176 {strides = array<i32>} : memref<16x256xf32, #tpu.memory_space<vmem>>, vector<16xf32>,
    %add3A_1181 = arith.constant 14 : i32
    %add3A_1182 = vector.broadcast %add3A_1181 : i32 to vector<16xi32>
    %add3A_1183 = arith.addi %mul3A_1068, %add3A_1182 : vector<16xi32>
    %gather3A_1184 = tpu.vector_load_idx %arg5[%add3A_1183] : memref<512xf32, #tpu.memory_space<vmem>>[vector<16xi32>], vector<16xf32>,
    %swap3A_1185 = arith.constant 14 : i32
    %swap3A_1186 = arith.index_cast %swap3A_1185 : i32 to index
    %swap3A_1187 = arith.constant 128 : index
    %swap3A_1188 = tpu.vector_load %arg7[%swap3A_1186, %swap3A_1187] {strides = array<i32>} : memref<16x256xf32, #tpu.memory_space<vmem>>, vector<16xf32>,
    tpu.vector_store %arg7[%swap3A_1186, %swap3A_1187], %gather3A_1184 {strides = array<i32>} : memref<16x256xf32, #tpu.memory_space<vmem>>, vector<16xf32>,
    %add3A_1189 = arith.constant 15 : i32
    %add3A_1190 = vector.broadcast %add3A_1189 : i32 to vector<16xi32>
    %add3A_1191 = arith.addi %mul3A_1068, %add3A_1190 : vector<16xi32>
    %gather3A_1192 = tpu.vector_load_idx %arg5[%add3A_1191] : memref<512xf32, #tpu.memory_space<vmem>>[vector<16xi32>], vector<16xf32>,
    %swap3A_1193 = arith.constant 15 : i32
    %swap3A_1194 = arith.index_cast %swap3A_1193 : i32 to index
    %swap3A_1195 = arith.constant 128 : index
    %swap3A_1196 = tpu.vector_load %arg7[%swap3A_1194, %swap3A_1195] {strides = array<i32>} : memref<16x256xf32, #tpu.memory_space<vmem>>, vector<16xf32>,
    tpu.vector_store %arg7[%swap3A_1194, %swap3A_1195], %gather3A_1192 {strides = array<i32>} : memref<16x256xf32, #tpu.memory_space<vmem>>, vector<16xf32>,
    %get3A_1197 = arith.constant 144 : index
    %get3A_1198 = tpu.vector_load %arg6[%get3A_1197] {strides = array<i32>} : memref<256xi32, #tpu.memory_space<vmem>>, vector<16xi32>,
    %mul3A_1199 = arith.constant 16 : i32
    %mul3A_1200 = vector.broadcast %mul3A_1199 : i32 to vector<16xi32>
    %mul3A_1201 = arith.muli %get3A_1198, %mul3A_1200 : vector<16xi32>
    %add3A_1202 = arith.constant 0 : i32
    %add3A_1203 = vector.broadcast %add3A_1202 : i32 to vector<16xi32>
    %add3A_1204 = arith.addi %mul3A_1201, %add3A_1203 : vector<16xi32>
    %gather3A_1205 = tpu.vector_load_idx %arg5[%add3A_1204] : memref<512xf32, #tpu.memory_space<vmem>>[vector<16xi32>], vector<16xf32>,
    %swap3A_1206 = arith.constant 0 : i32
    %swap3A_1207 = arith.index_cast %swap3A_1206 : i32 to index
    %swap3A_1208 = arith.constant 144 : index
    %swap3A_1209 = tpu.vector_load %arg7[%swap3A_1207, %swap3A_1208] {strides = array<i32>} : memref<16x256xf32, #tpu.memory_space<vmem>>, vector<16xf32>,
    tpu.vector_store %arg7[%swap3A_1207, %swap3A_1208], %gather3A_1205 {strides = array<i32>} : memref<16x256xf32, #tpu.memory_space<vmem>>, vector<16xf32>,
    %add3A_1210 = arith.constant 1 : i32
    %add3A_1211 = vector.broadcast %add3A_1210 : i32 to vector<16xi32>
    %add3A_1212 = arith.addi %mul3A_1201, %add3A_1211 : vector<16xi32>
    %gather3A_1213 = tpu.vector_load_idx %arg5[%add3A_1212] : memref<512xf32, #tpu.memory_space<vmem>>[vector<16xi32>], vector<16xf32>,
    %swap3A_1214 = arith.constant 1 : i32
    %swap3A_1215 = arith.index_cast %swap3A_1214 : i32 to index
    %swap3A_1216 = arith.constant 144 : index
    %swap3A_1217 = tpu.vector_load %arg7[%swap3A_1215, %swap3A_1216] {strides = array<i32>} : memref<16x256xf32, #tpu.memory_space<vmem>>, vector<16xf32>,
    tpu.vector_store %arg7[%swap3A_1215, %swap3A_1216], %gather3A_1213 {strides = array<i32>} : memref<16x256xf32, #tpu.memory_space<vmem>>, vector<16xf32>,
    %add3A_1218 = arith.constant 2 : i32
    %add3A_1219 = vector.broadcast %add3A_1218 : i32 to vector<16xi32>
    %add3A_1220 = arith.addi %mul3A_1201, %add3A_1219 : vector<16xi32>
    %gather3A_1221 = tpu.vector_load_idx %arg5[%add3A_1220] : memref<512xf32, #tpu.memory_space<vmem>>[vector<16xi32>], vector<16xf32>,
    %swap3A_1222 = arith.constant 2 : i32
    %swap3A_1223 = arith.index_cast %swap3A_1222 : i32 to index
    %swap3A_1224 = arith.constant 144 : index
    %swap3A_1225 = tpu.vector_load %arg7[%swap3A_1223, %swap3A_1224] {strides = array<i32>} : memref<16x256xf32, #tpu.memory_space<vmem>>, vector<16xf32>,
    tpu.vector_store %arg7[%swap3A_1223, %swap3A_1224], %gather3A_1221 {strides = array<i32>} : memref<16x256xf32, #tpu.memory_space<vmem>>, vector<16xf32>,
    %add3A_1226 = arith.constant 3 : i32
    %add3A_1227 = vector.broadcast %add3A_1226 : i32 to vector<16xi32>
    %add3A_1228 = arith.addi %mul3A_1201, %add3A_1227 : vector<16xi32>
    %gather3A_1229 = tpu.vector_load_idx %arg5[%add3A_1228] : memref<512xf32, #tpu.memory_space<vmem>>[vector<16xi32>], vector<16xf32>,
    %swap3A_1230 = arith.constant 3 : i32
    %swap3A_1231 = arith.index_cast %swap3A_1230 : i32 to index
    %swap3A_1232 = arith.constant 144 : index
    %swap3A_1233 = tpu.vector_load %arg7[%swap3A_1231, %swap3A_1232] {strides = array<i32>} : memref<16x256xf32, #tpu.memory_space<vmem>>, vector<16xf32>,
    tpu.vector_store %arg7[%swap3A_1231, %swap3A_1232], %gather3A_1229 {strides = array<i32>} : memref<16x256xf32, #tpu.memory_space<vmem>>, vector<16xf32>,
    %add3A_1234 = arith.constant 4 : i32
    %add3A_1235 = vector.broadcast %add3A_1234 : i32 to vector<16xi32>
    %add3A_1236 = arith.addi %mul3A_1201, %add3A_1235 : vector<16xi32>
    %gather3A_1237 = tpu.vector_load_idx %arg5[%add3A_1236] : memref<512xf32, #tpu.memory_space<vmem>>[vector<16xi32>], vector<16xf32>,
    %swap3A_1238 = arith.constant 4 : i32
    %swap3A_1239 = arith.index_cast %swap3A_1238 : i32 to index
    %swap3A_1240 = arith.constant 144 : index
    %swap3A_1241 = tpu.vector_load %arg7[%swap3A_1239, %swap3A_1240] {strides = array<i32>} : memref<16x256xf32, #tpu.memory_space<vmem>>, vector<16xf32>,
    tpu.vector_store %arg7[%swap3A_1239, %swap3A_1240], %gather3A_1237 {strides = array<i32>} : memref<16x256xf32, #tpu.memory_space<vmem>>, vector<16xf32>,
    %add3A_1242 = arith.constant 5 : i32
    %add3A_1243 = vector.broadcast %add3A_1242 : i32 to vector<16xi32>
    %add3A_1244 = arith.addi %mul3A_1201, %add3A_1243 : vector<16xi32>
    %gather3A_1245 = tpu.vector_load_idx %arg5[%add3A_1244] : memref<512xf32, #tpu.memory_space<vmem>>[vector<16xi32>], vector<16xf32>,
    %swap3A_1246 = arith.constant 5 : i32
    %swap3A_1247 = arith.index_cast %swap3A_1246 : i32 to index
    %swap3A_1248 = arith.constant 144 : index
    %swap3A_1249 = tpu.vector_load %arg7[%swap3A_1247, %swap3A_1248] {strides = array<i32>} : memref<16x256xf32, #tpu.memory_space<vmem>>, vector<16xf32>,
    tpu.vector_store %arg7[%swap3A_1247, %swap3A_1248], %gather3A_1245 {strides = array<i32>} : memref<16x256xf32, #tpu.memory_space<vmem>>, vector<16xf32>,
    %add3A_1250 = arith.constant 6 : i32
    %add3A_1251 = vector.broadcast %add3A_1250 : i32 to vector<16xi32>
    %add3A_1252 = arith.addi %mul3A_1201, %add3A_1251 : vector<16xi32>
    %gather3A_1253 = tpu.vector_load_idx %arg5[%add3A_1252] : memref<512xf32, #tpu.memory_space<vmem>>[vector<16xi32>], vector<16xf32>,
    %swap3A_1254 = arith.constant 6 : i32
    %swap3A_1255 = arith.index_cast %swap3A_1254 : i32 to index
    %swap3A_1256 = arith.constant 144 : index
    %swap3A_1257 = tpu.vector_load %arg7[%swap3A_1255, %swap3A_1256] {strides = array<i32>} : memref<16x256xf32, #tpu.memory_space<vmem>>, vector<16xf32>,
    tpu.vector_store %arg7[%swap3A_1255, %swap3A_1256], %gather3A_1253 {strides = array<i32>} : memref<16x256xf32, #tpu.memory_space<vmem>>, vector<16xf32>,
    %add3A_1258 = arith.constant 7 : i32
    %add3A_1259 = vector.broadcast %add3A_1258 : i32 to vector<16xi32>
    %add3A_1260 = arith.addi %mul3A_1201, %add3A_1259 : vector<16xi32>
    %gather3A_1261 = tpu.vector_load_idx %arg5[%add3A_1260] : memref<512xf32, #tpu.memory_space<vmem>>[vector<16xi32>], vector<16xf32>,
    %swap3A_1262 = arith.constant 7 : i32
    %swap3A_1263 = arith.index_cast %swap3A_1262 : i32 to index
    %swap3A_1264 = arith.constant 144 : index
    %swap3A_1265 = tpu.vector_load %arg7[%swap3A_1263, %swap3A_1264] {strides = array<i32>} : memref<16x256xf32, #tpu.memory_space<vmem>>, vector<16xf32>,
    tpu.vector_store %arg7[%swap3A_1263, %swap3A_1264], %gather3A_1261 {strides = array<i32>} : memref<16x256xf32, #tpu.memory_space<vmem>>, vector<16xf32>,
    %add3A_1266 = arith.constant 8 : i32
    %add3A_1267 = vector.broadcast %add3A_1266 : i32 to vector<16xi32>
    %add3A_1268 = arith.addi %mul3A_1201, %add3A_1267 : vector<16xi32>
    %gather3A_1269 = tpu.vector_load_idx %arg5[%add3A_1268] : memref<512xf32, #tpu.memory_space<vmem>>[vector<16xi32>], vector<16xf32>,
    %swap3A_1270 = arith.constant 8 : i32
    %swap3A_1271 = arith.index_cast %swap3A_1270 : i32 to index
    %swap3A_1272 = arith.constant 144 : index
    %swap3A_1273 = tpu.vector_load %arg7[%swap3A_1271, %swap3A_1272] {strides = array<i32>} : memref<16x256xf32, #tpu.memory_space<vmem>>, vector<16xf32>,
    tpu.vector_store %arg7[%swap3A_1271, %swap3A_1272], %gather3A_1269 {strides = array<i32>} : memref<16x256xf32, #tpu.memory_space<vmem>>, vector<16xf32>,
    %add3A_1274 = arith.constant 9 : i32
    %add3A_1275 = vector.broadcast %add3A_1274 : i32 to vector<16xi32>
    %add3A_1276 = arith.addi %mul3A_1201, %add3A_1275 : vector<16xi32>
    %gather3A_1277 = tpu.vector_load_idx %arg5[%add3A_1276] : memref<512xf32, #tpu.memory_space<vmem>>[vector<16xi32>], vector<16xf32>,
    %swap3A_1278 = arith.constant 9 : i32
    %swap3A_1279 = arith.index_cast %swap3A_1278 : i32 to index
    %swap3A_1280 = arith.constant 144 : index
    %swap3A_1281 = tpu.vector_load %arg7[%swap3A_1279, %swap3A_1280] {strides = array<i32>} : memref<16x256xf32, #tpu.memory_space<vmem>>, vector<16xf32>,
    tpu.vector_store %arg7[%swap3A_1279, %swap3A_1280], %gather3A_1277 {strides = array<i32>} : memref<16x256xf32, #tpu.memory_space<vmem>>, vector<16xf32>,
    %add3A_1282 = arith.constant 10 : i32
    %add3A_1283 = vector.broadcast %add3A_1282 : i32 to vector<16xi32>
    %add3A_1284 = arith.addi %mul3A_1201, %add3A_1283 : vector<16xi32>
    %gather3A_1285 = tpu.vector_load_idx %arg5[%add3A_1284] : memref<512xf32, #tpu.memory_space<vmem>>[vector<16xi32>], vector<16xf32>,
    %swap3A_1286 = arith.constant 10 : i32
    %swap3A_1287 = arith.index_cast %swap3A_1286 : i32 to index
    %swap3A_1288 = arith.constant 144 : index
    %swap3A_1289 = tpu.vector_load %arg7[%swap3A_1287, %swap3A_1288] {strides = array<i32>} : memref<16x256xf32, #tpu.memory_space<vmem>>, vector<16xf32>,
    tpu.vector_store %arg7[%swap3A_1287, %swap3A_1288], %gather3A_1285 {strides = array<i32>} : memref<16x256xf32, #tpu.memory_space<vmem>>, vector<16xf32>,
    %add3A_1290 = arith.constant 11 : i32
    %add3A_1291 = vector.broadcast %add3A_1290 : i32 to vector<16xi32>
    %add3A_1292 = arith.addi %mul3A_1201, %add3A_1291 : vector<16xi32>
    %gather3A_1293 = tpu.vector_load_idx %arg5[%add3A_1292] : memref<512xf32, #tpu.memory_space<vmem>>[vector<16xi32>], vector<16xf32>,
    %swap3A_1294 = arith.constant 11 : i32
    %swap3A_1295 = arith.index_cast %swap3A_1294 : i32 to index
    %swap3A_1296 = arith.constant 144 : index
    %swap3A_1297 = tpu.vector_load %arg7[%swap3A_1295, %swap3A_1296] {strides = array<i32>} : memref<16x256xf32, #tpu.memory_space<vmem>>, vector<16xf32>,
    tpu.vector_store %arg7[%swap3A_1295, %swap3A_1296], %gather3A_1293 {strides = array<i32>} : memref<16x256xf32, #tpu.memory_space<vmem>>, vector<16xf32>,
    %add3A_1298 = arith.constant 12 : i32
    %add3A_1299 = vector.broadcast %add3A_1298 : i32 to vector<16xi32>
    %add3A_1300 = arith.addi %mul3A_1201, %add3A_1299 : vector<16xi32>
    %gather3A_1301 = tpu.vector_load_idx %arg5[%add3A_1300] : memref<512xf32, #tpu.memory_space<vmem>>[vector<16xi32>], vector<16xf32>,
    %swap3A_1302 = arith.constant 12 : i32
    %swap3A_1303 = arith.index_cast %swap3A_1302 : i32 to index
    %swap3A_1304 = arith.constant 144 : index
    %swap3A_1305 = tpu.vector_load %arg7[%swap3A_1303, %swap3A_1304] {strides = array<i32>} : memref<16x256xf32, #tpu.memory_space<vmem>>, vector<16xf32>,
    tpu.vector_store %arg7[%swap3A_1303, %swap3A_1304], %gather3A_1301 {strides = array<i32>} : memref<16x256xf32, #tpu.memory_space<vmem>>, vector<16xf32>,
    %add3A_1306 = arith.constant 13 : i32
    %add3A_1307 = vector.broadcast %add3A_1306 : i32 to vector<16xi32>
    %add3A_1308 = arith.addi %mul3A_1201, %add3A_1307 : vector<16xi32>
    %gather3A_1309 = tpu.vector_load_idx %arg5[%add3A_1308] : memref<512xf32, #tpu.memory_space<vmem>>[vector<16xi32>], vector<16xf32>,
    %swap3A_1310 = arith.constant 13 : i32
    %swap3A_1311 = arith.index_cast %swap3A_1310 : i32 to index
    %swap3A_1312 = arith.constant 144 : index
    %swap3A_1313 = tpu.vector_load %arg7[%swap3A_1311, %swap3A_1312] {strides = array<i32>} : memref<16x256xf32, #tpu.memory_space<vmem>>, vector<16xf32>,
    tpu.vector_store %arg7[%swap3A_1311, %swap3A_1312], %gather3A_1309 {strides = array<i32>} : memref<16x256xf32, #tpu.memory_space<vmem>>, vector<16xf32>,
    %add3A_1314 = arith.constant 14 : i32
    %add3A_1315 = vector.broadcast %add3A_1314 : i32 to vector<16xi32>
    %add3A_1316 = arith.addi %mul3A_1201, %add3A_1315 : vector<16xi32>
    %gather3A_1317 = tpu.vector_load_idx %arg5[%add3A_1316] : memref<512xf32, #tpu.memory_space<vmem>>[vector<16xi32>], vector<16xf32>,
    %swap3A_1318 = arith.constant 14 : i32
    %swap3A_1319 = arith.index_cast %swap3A_1318 : i32 to index
    %swap3A_1320 = arith.constant 144 : index
    %swap3A_1321 = tpu.vector_load %arg7[%swap3A_1319, %swap3A_1320] {strides = array<i32>} : memref<16x256xf32, #tpu.memory_space<vmem>>, vector<16xf32>,
    tpu.vector_store %arg7[%swap3A_1319, %swap3A_1320], %gather3A_1317 {strides = array<i32>} : memref<16x256xf32, #tpu.memory_space<vmem>>, vector<16xf32>,
    %add3A_1322 = arith.constant 15 : i32
    %add3A_1323 = vector.broadcast %add3A_1322 : i32 to vector<16xi32>
    %add3A_1324 = arith.addi %mul3A_1201, %add3A_1323 : vector<16xi32>
    %gather3A_1325 = tpu.vector_load_idx %arg5[%add3A_1324] : memref<512xf32, #tpu.memory_space<vmem>>[vector<16xi32>], vector<16xf32>,
    %swap3A_1326 = arith.constant 15 : i32
    %swap3A_1327 = arith.index_cast %swap3A_1326 : i32 to index
    %swap3A_1328 = arith.constant 144 : index
    %swap3A_1329 = tpu.vector_load %arg7[%swap3A_1327, %swap3A_1328] {strides = array<i32>} : memref<16x256xf32, #tpu.memory_space<vmem>>, vector<16xf32>,
    tpu.vector_store %arg7[%swap3A_1327, %swap3A_1328], %gather3A_1325 {strides = array<i32>} : memref<16x256xf32, #tpu.memory_space<vmem>>, vector<16xf32>,
    %get3A_1330 = arith.constant 160 : index
    %get3A_1331 = tpu.vector_load %arg6[%get3A_1330] {strides = array<i32>} : memref<256xi32, #tpu.memory_space<vmem>>, vector<16xi32>,
    %mul3A_1332 = arith.constant 16 : i32
    %mul3A_1333 = vector.broadcast %mul3A_1332 : i32 to vector<16xi32>
    %mul3A_1334 = arith.muli %get3A_1331, %mul3A_1333 : vector<16xi32>
    %add3A_1335 = arith.constant 0 : i32
    %add3A_1336 = vector.broadcast %add3A_1335 : i32 to vector<16xi32>
    %add3A_1337 = arith.addi %mul3A_1334, %add3A_1336 : vector<16xi32>
    %gather3A_1338 = tpu.vector_load_idx %arg5[%add3A_1337] : memref<512xf32, #tpu.memory_space<vmem>>[vector<16xi32>], vector<16xf32>,
    %swap3A_1339 = arith.constant 0 : i32
    %swap3A_1340 = arith.index_cast %swap3A_1339 : i32 to index
    %swap3A_1341 = arith.constant 160 : index
    %swap3A_1342 = tpu.vector_load %arg7[%swap3A_1340, %swap3A_1341] {strides = array<i32>} : memref<16x256xf32, #tpu.memory_space<vmem>>, vector<16xf32>,
    tpu.vector_store %arg7[%swap3A_1340, %swap3A_1341], %gather3A_1338 {strides = array<i32>} : memref<16x256xf32, #tpu.memory_space<vmem>>, vector<16xf32>,
    %add3A_1343 = arith.constant 1 : i32
    %add3A_1344 = vector.broadcast %add3A_1343 : i32 to vector<16xi32>
    %add3A_1345 = arith.addi %mul3A_1334, %add3A_1344 : vector<16xi32>
    %gather3A_1346 = tpu.vector_load_idx %arg5[%add3A_1345] : memref<512xf32, #tpu.memory_space<vmem>>[vector<16xi32>], vector<16xf32>,
    %swap3A_1347 = arith.constant 1 : i32
    %swap3A_1348 = arith.index_cast %swap3A_1347 : i32 to index
    %swap3A_1349 = arith.constant 160 : index
    %swap3A_1350 = tpu.vector_load %arg7[%swap3A_1348, %swap3A_1349] {strides = array<i32>} : memref<16x256xf32, #tpu.memory_space<vmem>>, vector<16xf32>,
    tpu.vector_store %arg7[%swap3A_1348, %swap3A_1349], %gather3A_1346 {strides = array<i32>} : memref<16x256xf32, #tpu.memory_space<vmem>>, vector<16xf32>,
    %add3A_1351 = arith.constant 2 : i32
    %add3A_1352 = vector.broadcast %add3A_1351 : i32 to vector<16xi32>
    %add3A_1353 = arith.addi %mul3A_1334, %add3A_1352 : vector<16xi32>
    %gather3A_1354 = tpu.vector_load_idx %arg5[%add3A_1353] : memref<512xf32, #tpu.memory_space<vmem>>[vector<16xi32>], vector<16xf32>,
    %swap3A_1355 = arith.constant 2 : i32
    %swap3A_1356 = arith.index_cast %swap3A_1355 : i32 to index
    %swap3A_1357 = arith.constant 160 : index
    %swap3A_1358 = tpu.vector_load %arg7[%swap3A_1356, %swap3A_1357] {strides = array<i32>} : memref<16x256xf32, #tpu.memory_space<vmem>>, vector<16xf32>,
    tpu.vector_store %arg7[%swap3A_1356, %swap3A_1357], %gather3A_1354 {strides = array<i32>} : memref<16x256xf32, #tpu.memory_space<vmem>>, vector<16xf32>,
    %add3A_1359 = arith.constant 3 : i32
    %add3A_1360 = vector.broadcast %add3A_1359 : i32 to vector<16xi32>
    %add3A_1361 = arith.addi %mul3A_1334, %add3A_1360 : vector<16xi32>
    %gather3A_1362 = tpu.vector_load_idx %arg5[%add3A_1361] : memref<512xf32, #tpu.memory_space<vmem>>[vector<16xi32>], vector<16xf32>,
    %swap3A_1363 = arith.constant 3 : i32
    %swap3A_1364 = arith.index_cast %swap3A_1363 : i32 to index
    %swap3A_1365 = arith.constant 160 : index
    %swap3A_1366 = tpu.vector_load %arg7[%swap3A_1364, %swap3A_1365] {strides = array<i32>} : memref<16x256xf32, #tpu.memory_space<vmem>>, vector<16xf32>,
    tpu.vector_store %arg7[%swap3A_1364, %swap3A_1365], %gather3A_1362 {strides = array<i32>} : memref<16x256xf32, #tpu.memory_space<vmem>>, vector<16xf32>,
    %add3A_1367 = arith.constant 4 : i32
    %add3A_1368 = vector.broadcast %add3A_1367 : i32 to vector<16xi32>
    %add3A_1369 = arith.addi %mul3A_1334, %add3A_1368 : vector<16xi32>
    %gather3A_1370 = tpu.vector_load_idx %arg5[%add3A_1369] : memref<512xf32, #tpu.memory_space<vmem>>[vector<16xi32>], vector<16xf32>,
    %swap3A_1371 = arith.constant 4 : i32
    %swap3A_1372 = arith.index_cast %swap3A_1371 : i32 to index
    %swap3A_1373 = arith.constant 160 : index
    %swap3A_1374 = tpu.vector_load %arg7[%swap3A_1372, %swap3A_1373] {strides = array<i32>} : memref<16x256xf32, #tpu.memory_space<vmem>>, vector<16xf32>,
    tpu.vector_store %arg7[%swap3A_1372, %swap3A_1373], %gather3A_1370 {strides = array<i32>} : memref<16x256xf32, #tpu.memory_space<vmem>>, vector<16xf32>,
    %add3A_1375 = arith.constant 5 : i32
    %add3A_1376 = vector.broadcast %add3A_1375 : i32 to vector<16xi32>
    %add3A_1377 = arith.addi %mul3A_1334, %add3A_1376 : vector<16xi32>
    %gather3A_1378 = tpu.vector_load_idx %arg5[%add3A_1377] : memref<512xf32, #tpu.memory_space<vmem>>[vector<16xi32>], vector<16xf32>,
    %swap3A_1379 = arith.constant 5 : i32
    %swap3A_1380 = arith.index_cast %swap3A_1379 : i32 to index
    %swap3A_1381 = arith.constant 160 : index
    %swap3A_1382 = tpu.vector_load %arg7[%swap3A_1380, %swap3A_1381] {strides = array<i32>} : memref<16x256xf32, #tpu.memory_space<vmem>>, vector<16xf32>,
    tpu.vector_store %arg7[%swap3A_1380, %swap3A_1381], %gather3A_1378 {strides = array<i32>} : memref<16x256xf32, #tpu.memory_space<vmem>>, vector<16xf32>,
    %add3A_1383 = arith.constant 6 : i32
    %add3A_1384 = vector.broadcast %add3A_1383 : i32 to vector<16xi32>
    %add3A_1385 = arith.addi %mul3A_1334, %add3A_1384 : vector<16xi32>
    %gather3A_1386 = tpu.vector_load_idx %arg5[%add3A_1385] : memref<512xf32, #tpu.memory_space<vmem>>[vector<16xi32>], vector<16xf32>,
    %swap3A_1387 = arith.constant 6 : i32
    %swap3A_1388 = arith.index_cast %swap3A_1387 : i32 to index
    %swap3A_1389 = arith.constant 160 : index
    %swap3A_1390 = tpu.vector_load %arg7[%swap3A_1388, %swap3A_1389] {strides = array<i32>} : memref<16x256xf32, #tpu.memory_space<vmem>>, vector<16xf32>,
    tpu.vector_store %arg7[%swap3A_1388, %swap3A_1389], %gather3A_1386 {strides = array<i32>} : memref<16x256xf32, #tpu.memory_space<vmem>>, vector<16xf32>,
    %add3A_1391 = arith.constant 7 : i32
    %add3A_1392 = vector.broadcast %add3A_1391 : i32 to vector<16xi32>
    %add3A_1393 = arith.addi %mul3A_1334, %add3A_1392 : vector<16xi32>
    %gather3A_1394 = tpu.vector_load_idx %arg5[%add3A_1393] : memref<512xf32, #tpu.memory_space<vmem>>[vector<16xi32>], vector<16xf32>,
    %swap3A_1395 = arith.constant 7 : i32
    %swap3A_1396 = arith.index_cast %swap3A_1395 : i32 to index
    %swap3A_1397 = arith.constant 160 : index
    %swap3A_1398 = tpu.vector_load %arg7[%swap3A_1396, %swap3A_1397] {strides = array<i32>} : memref<16x256xf32, #tpu.memory_space<vmem>>, vector<16xf32>,
    tpu.vector_store %arg7[%swap3A_1396, %swap3A_1397], %gather3A_1394 {strides = array<i32>} : memref<16x256xf32, #tpu.memory_space<vmem>>, vector<16xf32>,
    %add3A_1399 = arith.constant 8 : i32
    %add3A_1400 = vector.broadcast %add3A_1399 : i32 to vector<16xi32>
    %add3A_1401 = arith.addi %mul3A_1334, %add3A_1400 : vector<16xi32>
    %gather3A_1402 = tpu.vector_load_idx %arg5[%add3A_1401] : memref<512xf32, #tpu.memory_space<vmem>>[vector<16xi32>], vector<16xf32>,
    %swap3A_1403 = arith.constant 8 : i32
    %swap3A_1404 = arith.index_cast %swap3A_1403 : i32 to index
    %swap3A_1405 = arith.constant 160 : index
    %swap3A_1406 = tpu.vector_load %arg7[%swap3A_1404, %swap3A_1405] {strides = array<i32>} : memref<16x256xf32, #tpu.memory_space<vmem>>, vector<16xf32>,
    tpu.vector_store %arg7[%swap3A_1404, %swap3A_1405], %gather3A_1402 {strides = array<i32>} : memref<16x256xf32, #tpu.memory_space<vmem>>, vector<16xf32>,
    %add3A_1407 = arith.constant 9 : i32
    %add3A_1408 = vector.broadcast %add3A_1407 : i32 to vector<16xi32>
    %add3A_1409 = arith.addi %mul3A_1334, %add3A_1408 : vector<16xi32>
    %gather3A_1410 = tpu.vector_load_idx %arg5[%add3A_1409] : memref<512xf32, #tpu.memory_space<vmem>>[vector<16xi32>], vector<16xf32>,
    %swap3A_1411 = arith.constant 9 : i32
    %swap3A_1412 = arith.index_cast %swap3A_1411 : i32 to index
    %swap3A_1413 = arith.constant 160 : index
    %swap3A_1414 = tpu.vector_load %arg7[%swap3A_1412, %swap3A_1413] {strides = array<i32>} : memref<16x256xf32, #tpu.memory_space<vmem>>, vector<16xf32>,
    tpu.vector_store %arg7[%swap3A_1412, %swap3A_1413], %gather3A_1410 {strides = array<i32>} : memref<16x256xf32, #tpu.memory_space<vmem>>, vector<16xf32>,
    %add3A_1415 = arith.constant 10 : i32
    %add3A_1416 = vector.broadcast %add3A_1415 : i32 to vector<16xi32>
    %add3A_1417 = arith.addi %mul3A_1334, %add3A_1416 : vector<16xi32>
    %gather3A_1418 = tpu.vector_load_idx %arg5[%add3A_1417] : memref<512xf32, #tpu.memory_space<vmem>>[vector<16xi32>], vector<16xf32>,
    %swap3A_1419 = arith.constant 10 : i32
    %swap3A_1420 = arith.index_cast %swap3A_1419 : i32 to index
    %swap3A_1421 = arith.constant 160 : index
    %swap3A_1422 = tpu.vector_load %arg7[%swap3A_1420, %swap3A_1421] {strides = array<i32>} : memref<16x256xf32, #tpu.memory_space<vmem>>, vector<16xf32>,
    tpu.vector_store %arg7[%swap3A_1420, %swap3A_1421], %gather3A_1418 {strides = array<i32>} : memref<16x256xf32, #tpu.memory_space<vmem>>, vector<16xf32>,
    %add3A_1423 = arith.constant 11 : i32
    %add3A_1424 = vector.broadcast %add3A_1423 : i32 to vector<16xi32>
    %add3A_1425 = arith.addi %mul3A_1334, %add3A_1424 : vector<16xi32>
    %gather3A_1426 = tpu.vector_load_idx %arg5[%add3A_1425] : memref<512xf32, #tpu.memory_space<vmem>>[vector<16xi32>], vector<16xf32>,
    %swap3A_1427 = arith.constant 11 : i32
    %swap3A_1428 = arith.index_cast %swap3A_1427 : i32 to index
    %swap3A_1429 = arith.constant 160 : index
    %swap3A_1430 = tpu.vector_load %arg7[%swap3A_1428, %swap3A_1429] {strides = array<i32>} : memref<16x256xf32, #tpu.memory_space<vmem>>, vector<16xf32>,
    tpu.vector_store %arg7[%swap3A_1428, %swap3A_1429], %gather3A_1426 {strides = array<i32>} : memref<16x256xf32, #tpu.memory_space<vmem>>, vector<16xf32>,
    %add3A_1431 = arith.constant 12 : i32
    %add3A_1432 = vector.broadcast %add3A_1431 : i32 to vector<16xi32>
    %add3A_1433 = arith.addi %mul3A_1334, %add3A_1432 : vector<16xi32>
    %gather3A_1434 = tpu.vector_load_idx %arg5[%add3A_1433] : memref<512xf32, #tpu.memory_space<vmem>>[vector<16xi32>], vector<16xf32>,
    %swap3A_1435 = arith.constant 12 : i32
    %swap3A_1436 = arith.index_cast %swap3A_1435 : i32 to index
    %swap3A_1437 = arith.constant 160 : index
    %swap3A_1438 = tpu.vector_load %arg7[%swap3A_1436, %swap3A_1437] {strides = array<i32>} : memref<16x256xf32, #tpu.memory_space<vmem>>, vector<16xf32>,
    tpu.vector_store %arg7[%swap3A_1436, %swap3A_1437], %gather3A_1434 {strides = array<i32>} : memref<16x256xf32, #tpu.memory_space<vmem>>, vector<16xf32>,
    %add3A_1439 = arith.constant 13 : i32
    %add3A_1440 = vector.broadcast %add3A_1439 : i32 to vector<16xi32>
    %add3A_1441 = arith.addi %mul3A_1334, %add3A_1440 : vector<16xi32>
    %gather3A_1442 = tpu.vector_load_idx %arg5[%add3A_1441] : memref<512xf32, #tpu.memory_space<vmem>>[vector<16xi32>], vector<16xf32>,
    %swap3A_1443 = arith.constant 13 : i32
    %swap3A_1444 = arith.index_cast %swap3A_1443 : i32 to index
    %swap3A_1445 = arith.constant 160 : index
    %swap3A_1446 = tpu.vector_load %arg7[%swap3A_1444, %swap3A_1445] {strides = array<i32>} : memref<16x256xf32, #tpu.memory_space<vmem>>, vector<16xf32>,
    tpu.vector_store %arg7[%swap3A_1444, %swap3A_1445], %gather3A_1442 {strides = array<i32>} : memref<16x256xf32, #tpu.memory_space<vmem>>, vector<16xf32>,
    %add3A_1447 = arith.constant 14 : i32
    %add3A_1448 = vector.broadcast %add3A_1447 : i32 to vector<16xi32>
    %add3A_1449 = arith.addi %mul3A_1334, %add3A_1448 : vector<16xi32>
    %gather3A_1450 = tpu.vector_load_idx %arg5[%add3A_1449] : memref<512xf32, #tpu.memory_space<vmem>>[vector<16xi32>], vector<16xf32>,
    %swap3A_1451 = arith.constant 14 : i32
    %swap3A_1452 = arith.index_cast %swap3A_1451 : i32 to index
    %swap3A_1453 = arith.constant 160 : index
    %swap3A_1454 = tpu.vector_load %arg7[%swap3A_1452, %swap3A_1453] {strides = array<i32>} : memref<16x256xf32, #tpu.memory_space<vmem>>, vector<16xf32>,
    tpu.vector_store %arg7[%swap3A_1452, %swap3A_1453], %gather3A_1450 {strides = array<i32>} : memref<16x256xf32, #tpu.memory_space<vmem>>, vector<16xf32>,
    %add3A_1455 = arith.constant 15 : i32
    %add3A_1456 = vector.broadcast %add3A_1455 : i32 to vector<16xi32>
    %add3A_1457 = arith.addi %mul3A_1334, %add3A_1456 : vector<16xi32>
    %gather3A_1458 = tpu.vector_load_idx %arg5[%add3A_1457] : memref<512xf32, #tpu.memory_space<vmem>>[vector<16xi32>], vector<16xf32>,
    %swap3A_1459 = arith.constant 15 : i32
    %swap3A_1460 = arith.index_cast %swap3A_1459 : i32 to index
    %swap3A_1461 = arith.constant 160 : index
    %swap3A_1462 = tpu.vector_load %arg7[%swap3A_1460, %swap3A_1461] {strides = array<i32>} : memref<16x256xf32, #tpu.memory_space<vmem>>, vector<16xf32>,
    tpu.vector_store %arg7[%swap3A_1460, %swap3A_1461], %gather3A_1458 {strides = array<i32>} : memref<16x256xf32, #tpu.memory_space<vmem>>, vector<16xf32>,
    %get3A_1463 = arith.constant 176 : index
    %get3A_1464 = tpu.vector_load %arg6[%get3A_1463] {strides = array<i32>} : memref<256xi32, #tpu.memory_space<vmem>>, vector<16xi32>,
    %mul3A_1465 = arith.constant 16 : i32
    %mul3A_1466 = vector.broadcast %mul3A_1465 : i32 to vector<16xi32>
    %mul3A_1467 = arith.muli %get3A_1464, %mul3A_1466 : vector<16xi32>
    %add3A_1468 = arith.constant 0 : i32
    %add3A_1469 = vector.broadcast %add3A_1468 : i32 to vector<16xi32>
    %add3A_1470 = arith.addi %mul3A_1467, %add3A_1469 : vector<16xi32>
    %gather3A_1471 = tpu.vector_load_idx %arg5[%add3A_1470] : memref<512xf32, #tpu.memory_space<vmem>>[vector<16xi32>], vector<16xf32>,
    %swap3A_1472 = arith.constant 0 : i32
    %swap3A_1473 = arith.index_cast %swap3A_1472 : i32 to index
    %swap3A_1474 = arith.constant 176 : index
    %swap3A_1475 = tpu.vector_load %arg7[%swap3A_1473, %swap3A_1474] {strides = array<i32>} : memref<16x256xf32, #tpu.memory_space<vmem>>, vector<16xf32>,
    tpu.vector_store %arg7[%swap3A_1473, %swap3A_1474], %gather3A_1471 {strides = array<i32>} : memref<16x256xf32, #tpu.memory_space<vmem>>, vector<16xf32>,
    %add3A_1476 = arith.constant 1 : i32
    %add3A_1477 = vector.broadcast %add3A_1476 : i32 to vector<16xi32>
    %add3A_1478 = arith.addi %mul3A_1467, %add3A_1477 : vector<16xi32>
    %gather3A_1479 = tpu.vector_load_idx %arg5[%add3A_1478] : memref<512xf32, #tpu.memory_space<vmem>>[vector<16xi32>], vector<16xf32>,
    %swap3A_1480 = arith.constant 1 : i32
    %swap3A_1481 = arith.index_cast %swap3A_1480 : i32 to index
    %swap3A_1482 = arith.constant 176 : index
    %swap3A_1483 = tpu.vector_load %arg7[%swap3A_1481, %swap3A_1482] {strides = array<i32>} : memref<16x256xf32, #tpu.memory_space<vmem>>, vector<16xf32>,
    tpu.vector_store %arg7[%swap3A_1481, %swap3A_1482], %gather3A_1479 {strides = array<i32>} : memref<16x256xf32, #tpu.memory_space<vmem>>, vector<16xf32>,
    %add3A_1484 = arith.constant 2 : i32
    %add3A_1485 = vector.broadcast %add3A_1484 : i32 to vector<16xi32>
    %add3A_1486 = arith.addi %mul3A_1467, %add3A_1485 : vector<16xi32>
    %gather3A_1487 = tpu.vector_load_idx %arg5[%add3A_1486] : memref<512xf32, #tpu.memory_space<vmem>>[vector<16xi32>], vector<16xf32>,
    %swap3A_1488 = arith.constant 2 : i32
    %swap3A_1489 = arith.index_cast %swap3A_1488 : i32 to index
    %swap3A_1490 = arith.constant 176 : index
    %swap3A_1491 = tpu.vector_load %arg7[%swap3A_1489, %swap3A_1490] {strides = array<i32>} : memref<16x256xf32, #tpu.memory_space<vmem>>, vector<16xf32>,
    tpu.vector_store %arg7[%swap3A_1489, %swap3A_1490], %gather3A_1487 {strides = array<i32>} : memref<16x256xf32, #tpu.memory_space<vmem>>, vector<16xf32>,
    %add3A_1492 = arith.constant 3 : i32
    %add3A_1493 = vector.broadcast %add3A_1492 : i32 to vector<16xi32>
    %add3A_1494 = arith.addi %mul3A_1467, %add3A_1493 : vector<16xi32>
    %gather3A_1495 = tpu.vector_load_idx %arg5[%add3A_1494] : memref<512xf32, #tpu.memory_space<vmem>>[vector<16xi32>], vector<16xf32>,
    %swap3A_1496 = arith.constant 3 : i32
    %swap3A_1497 = arith.index_cast %swap3A_1496 : i32 to index
    %swap3A_1498 = arith.constant 176 : index
    %swap3A_1499 = tpu.vector_load %arg7[%swap3A_1497, %swap3A_1498] {strides = array<i32>} : memref<16x256xf32, #tpu.memory_space<vmem>>, vector<16xf32>,
    tpu.vector_store %arg7[%swap3A_1497, %swap3A_1498], %gather3A_1495 {strides = array<i32>} : memref<16x256xf32, #tpu.memory_space<vmem>>, vector<16xf32>,
    %add3A_1500 = arith.constant 4 : i32
    %add3A_1501 = vector.broadcast %add3A_1500 : i32 to vector<16xi32>
    %add3A_1502 = arith.addi %mul3A_1467, %add3A_1501 : vector<16xi32>
    %gather3A_1503 = tpu.vector_load_idx %arg5[%add3A_1502] : memref<512xf32, #tpu.memory_space<vmem>>[vector<16xi32>], vector<16xf32>,
    %swap3A_1504 = arith.constant 4 : i32
    %swap3A_1505 = arith.index_cast %swap3A_1504 : i32 to index
    %swap3A_1506 = arith.constant 176 : index
    %swap3A_1507 = tpu.vector_load %arg7[%swap3A_1505, %swap3A_1506] {strides = array<i32>} : memref<16x256xf32, #tpu.memory_space<vmem>>, vector<16xf32>,
    tpu.vector_store %arg7[%swap3A_1505, %swap3A_1506], %gather3A_1503 {strides = array<i32>} : memref<16x256xf32, #tpu.memory_space<vmem>>, vector<16xf32>,
    %add3A_1508 = arith.constant 5 : i32
    %add3A_1509 = vector.broadcast %add3A_1508 : i32 to vector<16xi32>
    %add3A_1510 = arith.addi %mul3A_1467, %add3A_1509 : vector<16xi32>
    %gather3A_1511 = tpu.vector_load_idx %arg5[%add3A_1510] : memref<512xf32, #tpu.memory_space<vmem>>[vector<16xi32>], vector<16xf32>,
    %swap3A_1512 = arith.constant 5 : i32
    %swap3A_1513 = arith.index_cast %swap3A_1512 : i32 to index
    %swap3A_1514 = arith.constant 176 : index
    %swap3A_1515 = tpu.vector_load %arg7[%swap3A_1513, %swap3A_1514] {strides = array<i32>} : memref<16x256xf32, #tpu.memory_space<vmem>>, vector<16xf32>,
    tpu.vector_store %arg7[%swap3A_1513, %swap3A_1514], %gather3A_1511 {strides = array<i32>} : memref<16x256xf32, #tpu.memory_space<vmem>>, vector<16xf32>,
    %add3A_1516 = arith.constant 6 : i32
    %add3A_1517 = vector.broadcast %add3A_1516 : i32 to vector<16xi32>
    %add3A_1518 = arith.addi %mul3A_1467, %add3A_1517 : vector<16xi32>
    %gather3A_1519 = tpu.vector_load_idx %arg5[%add3A_1518] : memref<512xf32, #tpu.memory_space<vmem>>[vector<16xi32>], vector<16xf32>,
    %swap3A_1520 = arith.constant 6 : i32
    %swap3A_1521 = arith.index_cast %swap3A_1520 : i32 to index
    %swap3A_1522 = arith.constant 176 : index
    %swap3A_1523 = tpu.vector_load %arg7[%swap3A_1521, %swap3A_1522] {strides = array<i32>} : memref<16x256xf32, #tpu.memory_space<vmem>>, vector<16xf32>,
    tpu.vector_store %arg7[%swap3A_1521, %swap3A_1522], %gather3A_1519 {strides = array<i32>} : memref<16x256xf32, #tpu.memory_space<vmem>>, vector<16xf32>,
    %add3A_1524 = arith.constant 7 : i32
    %add3A_1525 = vector.broadcast %add3A_1524 : i32 to vector<16xi32>
    %add3A_1526 = arith.addi %mul3A_1467, %add3A_1525 : vector<16xi32>
    %gather3A_1527 = tpu.vector_load_idx %arg5[%add3A_1526] : memref<512xf32, #tpu.memory_space<vmem>>[vector<16xi32>], vector<16xf32>,
    %swap3A_1528 = arith.constant 7 : i32
    %swap3A_1529 = arith.index_cast %swap3A_1528 : i32 to index
    %swap3A_1530 = arith.constant 176 : index
    %swap3A_1531 = tpu.vector_load %arg7[%swap3A_1529, %swap3A_1530] {strides = array<i32>} : memref<16x256xf32, #tpu.memory_space<vmem>>, vector<16xf32>,
    tpu.vector_store %arg7[%swap3A_1529, %swap3A_1530], %gather3A_1527 {strides = array<i32>} : memref<16x256xf32, #tpu.memory_space<vmem>>, vector<16xf32>,
    %add3A_1532 = arith.constant 8 : i32
    %add3A_1533 = vector.broadcast %add3A_1532 : i32 to vector<16xi32>
    %add3A_1534 = arith.addi %mul3A_1467, %add3A_1533 : vector<16xi32>
    %gather3A_1535 = tpu.vector_load_idx %arg5[%add3A_1534] : memref<512xf32, #tpu.memory_space<vmem>>[vector<16xi32>], vector<16xf32>,
    %swap3A_1536 = arith.constant 8 : i32
    %swap3A_1537 = arith.index_cast %swap3A_1536 : i32 to index
    %swap3A_1538 = arith.constant 176 : index
    %swap3A_1539 = tpu.vector_load %arg7[%swap3A_1537, %swap3A_1538] {strides = array<i32>} : memref<16x256xf32, #tpu.memory_space<vmem>>, vector<16xf32>,
    tpu.vector_store %arg7[%swap3A_1537, %swap3A_1538], %gather3A_1535 {strides = array<i32>} : memref<16x256xf32, #tpu.memory_space<vmem>>, vector<16xf32>,
    %add3A_1540 = arith.constant 9 : i32
    %add3A_1541 = vector.broadcast %add3A_1540 : i32 to vector<16xi32>
    %add3A_1542 = arith.addi %mul3A_1467, %add3A_1541 : vector<16xi32>
    %gather3A_1543 = tpu.vector_load_idx %arg5[%add3A_1542] : memref<512xf32, #tpu.memory_space<vmem>>[vector<16xi32>], vector<16xf32>,
    %swap3A_1544 = arith.constant 9 : i32
    %swap3A_1545 = arith.index_cast %swap3A_1544 : i32 to index
    %swap3A_1546 = arith.constant 176 : index
    %swap3A_1547 = tpu.vector_load %arg7[%swap3A_1545, %swap3A_1546] {strides = array<i32>} : memref<16x256xf32, #tpu.memory_space<vmem>>, vector<16xf32>,
    tpu.vector_store %arg7[%swap3A_1545, %swap3A_1546], %gather3A_1543 {strides = array<i32>} : memref<16x256xf32, #tpu.memory_space<vmem>>, vector<16xf32>,
    %add3A_1548 = arith.constant 10 : i32
    %add3A_1549 = vector.broadcast %add3A_1548 : i32 to vector<16xi32>
    %add3A_1550 = arith.addi %mul3A_1467, %add3A_1549 : vector<16xi32>
    %gather3A_1551 = tpu.vector_load_idx %arg5[%add3A_1550] : memref<512xf32, #tpu.memory_space<vmem>>[vector<16xi32>], vector<16xf32>,
    %swap3A_1552 = arith.constant 10 : i32
    %swap3A_1553 = arith.index_cast %swap3A_1552 : i32 to index
    %swap3A_1554 = arith.constant 176 : index
    %swap3A_1555 = tpu.vector_load %arg7[%swap3A_1553, %swap3A_1554] {strides = array<i32>} : memref<16x256xf32, #tpu.memory_space<vmem>>, vector<16xf32>,
    tpu.vector_store %arg7[%swap3A_1553, %swap3A_1554], %gather3A_1551 {strides = array<i32>} : memref<16x256xf32, #tpu.memory_space<vmem>>, vector<16xf32>,
    %add3A_1556 = arith.constant 11 : i32
    %add3A_1557 = vector.broadcast %add3A_1556 : i32 to vector<16xi32>
    %add3A_1558 = arith.addi %mul3A_1467, %add3A_1557 : vector<16xi32>
    %gather3A_1559 = tpu.vector_load_idx %arg5[%add3A_1558] : memref<512xf32, #tpu.memory_space<vmem>>[vector<16xi32>], vector<16xf32>,
    %swap3A_1560 = arith.constant 11 : i32
    %swap3A_1561 = arith.index_cast %swap3A_1560 : i32 to index
    %swap3A_1562 = arith.constant 176 : index
    %swap3A_1563 = tpu.vector_load %arg7[%swap3A_1561, %swap3A_1562] {strides = array<i32>} : memref<16x256xf32, #tpu.memory_space<vmem>>, vector<16xf32>,
    tpu.vector_store %arg7[%swap3A_1561, %swap3A_1562], %gather3A_1559 {strides = array<i32>} : memref<16x256xf32, #tpu.memory_space<vmem>>, vector<16xf32>,
    %add3A_1564 = arith.constant 12 : i32
    %add3A_1565 = vector.broadcast %add3A_1564 : i32 to vector<16xi32>
    %add3A_1566 = arith.addi %mul3A_1467, %add3A_1565 : vector<16xi32>
    %gather3A_1567 = tpu.vector_load_idx %arg5[%add3A_1566] : memref<512xf32, #tpu.memory_space<vmem>>[vector<16xi32>], vector<16xf32>,
    %swap3A_1568 = arith.constant 12 : i32
    %swap3A_1569 = arith.index_cast %swap3A_1568 : i32 to index
    %swap3A_1570 = arith.constant 176 : index
    %swap3A_1571 = tpu.vector_load %arg7[%swap3A_1569, %swap3A_1570] {strides = array<i32>} : memref<16x256xf32, #tpu.memory_space<vmem>>, vector<16xf32>,
    tpu.vector_store %arg7[%swap3A_1569, %swap3A_1570], %gather3A_1567 {strides = array<i32>} : memref<16x256xf32, #tpu.memory_space<vmem>>, vector<16xf32>,
    %add3A_1572 = arith.constant 13 : i32
    %add3A_1573 = vector.broadcast %add3A_1572 : i32 to vector<16xi32>
    %add3A_1574 = arith.addi %mul3A_1467, %add3A_1573 : vector<16xi32>
    %gather3A_1575 = tpu.vector_load_idx %arg5[%add3A_1574] : memref<512xf32, #tpu.memory_space<vmem>>[vector<16xi32>], vector<16xf32>,
    %swap3A_1576 = arith.constant 13 : i32
    %swap3A_1577 = arith.index_cast %swap3A_1576 : i32 to index
    %swap3A_1578 = arith.constant 176 : index
    %swap3A_1579 = tpu.vector_load %arg7[%swap3A_1577, %swap3A_1578] {strides = array<i32>} : memref<16x256xf32, #tpu.memory_space<vmem>>, vector<16xf32>,
    tpu.vector_store %arg7[%swap3A_1577, %swap3A_1578], %gather3A_1575 {strides = array<i32>} : memref<16x256xf32, #tpu.memory_space<vmem>>, vector<16xf32>,
    %add3A_1580 = arith.constant 14 : i32
    %add3A_1581 = vector.broadcast %add3A_1580 : i32 to vector<16xi32>
    %add3A_1582 = arith.addi %mul3A_1467, %add3A_1581 : vector<16xi32>
    %gather3A_1583 = tpu.vector_load_idx %arg5[%add3A_1582] : memref<512xf32, #tpu.memory_space<vmem>>[vector<16xi32>], vector<16xf32>,
    %swap3A_1584 = arith.constant 14 : i32
    %swap3A_1585 = arith.index_cast %swap3A_1584 : i32 to index
    %swap3A_1586 = arith.constant 176 : index
    %swap3A_1587 = tpu.vector_load %arg7[%swap3A_1585, %swap3A_1586] {strides = array<i32>} : memref<16x256xf32, #tpu.memory_space<vmem>>, vector<16xf32>,
    tpu.vector_store %arg7[%swap3A_1585, %swap3A_1586], %gather3A_1583 {strides = array<i32>} : memref<16x256xf32, #tpu.memory_space<vmem>>, vector<16xf32>,
    %add3A_1588 = arith.constant 15 : i32
    %add3A_1589 = vector.broadcast %add3A_1588 : i32 to vector<16xi32>
    %add3A_1590 = arith.addi %mul3A_1467, %add3A_1589 : vector<16xi32>
    %gather3A_1591 = tpu.vector_load_idx %arg5[%add3A_1590] : memref<512xf32, #tpu.memory_space<vmem>>[vector<16xi32>], vector<16xf32>,
    %swap3A_1592 = arith.constant 15 : i32
    %swap3A_1593 = arith.index_cast %swap3A_1592 : i32 to index
    %swap3A_1594 = arith.constant 176 : index
    %swap3A_1595 = tpu.vector_load %arg7[%swap3A_1593, %swap3A_1594] {strides = array<i32>} : memref<16x256xf32, #tpu.memory_space<vmem>>, vector<16xf32>,
    tpu.vector_store %arg7[%swap3A_1593, %swap3A_1594], %gather3A_1591 {strides = array<i32>} : memref<16x256xf32, #tpu.memory_space<vmem>>, vector<16xf32>,
    %get3A_1596 = arith.constant 192 : index
    %get3A_1597 = tpu.vector_load %arg6[%get3A_1596] {strides = array<i32>} : memref<256xi32, #tpu.memory_space<vmem>>, vector<16xi32>,
    %mul3A_1598 = arith.constant 16 : i32
    %mul3A_1599 = vector.broadcast %mul3A_1598 : i32 to vector<16xi32>
    %mul3A_1600 = arith.muli %get3A_1597, %mul3A_1599 : vector<16xi32>
    %add3A_1601 = arith.constant 0 : i32
    %add3A_1602 = vector.broadcast %add3A_1601 : i32 to vector<16xi32>
    %add3A_1603 = arith.addi %mul3A_1600, %add3A_1602 : vector<16xi32>
    %gather3A_1604 = tpu.vector_load_idx %arg5[%add3A_1603] : memref<512xf32, #tpu.memory_space<vmem>>[vector<16xi32>], vector<16xf32>,
    %swap3A_1605 = arith.constant 0 : i32
    %swap3A_1606 = arith.index_cast %swap3A_1605 : i32 to index
    %swap3A_1607 = arith.constant 192 : index
    %swap3A_1608 = tpu.vector_load %arg7[%swap3A_1606, %swap3A_1607] {strides = array<i32>} : memref<16x256xf32, #tpu.memory_space<vmem>>, vector<16xf32>,
    tpu.vector_store %arg7[%swap3A_1606, %swap3A_1607], %gather3A_1604 {strides = array<i32>} : memref<16x256xf32, #tpu.memory_space<vmem>>, vector<16xf32>,
    %add3A_1609 = arith.constant 1 : i32
    %add3A_1610 = vector.broadcast %add3A_1609 : i32 to vector<16xi32>
    %add3A_1611 = arith.addi %mul3A_1600, %add3A_1610 : vector<16xi32>
    %gather3A_1612 = tpu.vector_load_idx %arg5[%add3A_1611] : memref<512xf32, #tpu.memory_space<vmem>>[vector<16xi32>], vector<16xf32>,
    %swap3A_1613 = arith.constant 1 : i32
    %swap3A_1614 = arith.index_cast %swap3A_1613 : i32 to index
    %swap3A_1615 = arith.constant 192 : index
    %swap3A_1616 = tpu.vector_load %arg7[%swap3A_1614, %swap3A_1615] {strides = array<i32>} : memref<16x256xf32, #tpu.memory_space<vmem>>, vector<16xf32>,
    tpu.vector_store %arg7[%swap3A_1614, %swap3A_1615], %gather3A_1612 {strides = array<i32>} : memref<16x256xf32, #tpu.memory_space<vmem>>, vector<16xf32>,
    %add3A_1617 = arith.constant 2 : i32
    %add3A_1618 = vector.broadcast %add3A_1617 : i32 to vector<16xi32>
    %add3A_1619 = arith.addi %mul3A_1600, %add3A_1618 : vector<16xi32>
    %gather3A_1620 = tpu.vector_load_idx %arg5[%add3A_1619] : memref<512xf32, #tpu.memory_space<vmem>>[vector<16xi32>], vector<16xf32>,
    %swap3A_1621 = arith.constant 2 : i32
    %swap3A_1622 = arith.index_cast %swap3A_1621 : i32 to index
    %swap3A_1623 = arith.constant 192 : index
    %swap3A_1624 = tpu.vector_load %arg7[%swap3A_1622, %swap3A_1623] {strides = array<i32>} : memref<16x256xf32, #tpu.memory_space<vmem>>, vector<16xf32>,
    tpu.vector_store %arg7[%swap3A_1622, %swap3A_1623], %gather3A_1620 {strides = array<i32>} : memref<16x256xf32, #tpu.memory_space<vmem>>, vector<16xf32>,
    %add3A_1625 = arith.constant 3 : i32
    %add3A_1626 = vector.broadcast %add3A_1625 : i32 to vector<16xi32>
    %add3A_1627 = arith.addi %mul3A_1600, %add3A_1626 : vector<16xi32>
    %gather3A_1628 = tpu.vector_load_idx %arg5[%add3A_1627] : memref<512xf32, #tpu.memory_space<vmem>>[vector<16xi32>], vector<16xf32>,
    %swap3A_1629 = arith.constant 3 : i32
    %swap3A_1630 = arith.index_cast %swap3A_1629 : i32 to index
    %swap3A_1631 = arith.constant 192 : index
    %swap3A_1632 = tpu.vector_load %arg7[%swap3A_1630, %swap3A_1631] {strides = array<i32>} : memref<16x256xf32, #tpu.memory_space<vmem>>, vector<16xf32>,
    tpu.vector_store %arg7[%swap3A_1630, %swap3A_1631], %gather3A_1628 {strides = array<i32>} : memref<16x256xf32, #tpu.memory_space<vmem>>, vector<16xf32>,
    %add3A_1633 = arith.constant 4 : i32
    %add3A_1634 = vector.broadcast %add3A_1633 : i32 to vector<16xi32>
    %add3A_1635 = arith.addi %mul3A_1600, %add3A_1634 : vector<16xi32>
    %gather3A_1636 = tpu.vector_load_idx %arg5[%add3A_1635] : memref<512xf32, #tpu.memory_space<vmem>>[vector<16xi32>], vector<16xf32>,
    %swap3A_1637 = arith.constant 4 : i32
    %swap3A_1638 = arith.index_cast %swap3A_1637 : i32 to index
    %swap3A_1639 = arith.constant 192 : index
    %swap3A_1640 = tpu.vector_load %arg7[%swap3A_1638, %swap3A_1639] {strides = array<i32>} : memref<16x256xf32, #tpu.memory_space<vmem>>, vector<16xf32>,
    tpu.vector_store %arg7[%swap3A_1638, %swap3A_1639], %gather3A_1636 {strides = array<i32>} : memref<16x256xf32, #tpu.memory_space<vmem>>, vector<16xf32>,
    %add3A_1641 = arith.constant 5 : i32
    %add3A_1642 = vector.broadcast %add3A_1641 : i32 to vector<16xi32>
    %add3A_1643 = arith.addi %mul3A_1600, %add3A_1642 : vector<16xi32>
    %gather3A_1644 = tpu.vector_load_idx %arg5[%add3A_1643] : memref<512xf32, #tpu.memory_space<vmem>>[vector<16xi32>], vector<16xf32>,
    %swap3A_1645 = arith.constant 5 : i32
    %swap3A_1646 = arith.index_cast %swap3A_1645 : i32 to index
    %swap3A_1647 = arith.constant 192 : index
    %swap3A_1648 = tpu.vector_load %arg7[%swap3A_1646, %swap3A_1647] {strides = array<i32>} : memref<16x256xf32, #tpu.memory_space<vmem>>, vector<16xf32>,
    tpu.vector_store %arg7[%swap3A_1646, %swap3A_1647], %gather3A_1644 {strides = array<i32>} : memref<16x256xf32, #tpu.memory_space<vmem>>, vector<16xf32>,
    %add3A_1649 = arith.constant 6 : i32
    %add3A_1650 = vector.broadcast %add3A_1649 : i32 to vector<16xi32>
    %add3A_1651 = arith.addi %mul3A_1600, %add3A_1650 : vector<16xi32>
    %gather3A_1652 = tpu.vector_load_idx %arg5[%add3A_1651] : memref<512xf32, #tpu.memory_space<vmem>>[vector<16xi32>], vector<16xf32>,
    %swap3A_1653 = arith.constant 6 : i32
    %swap3A_1654 = arith.index_cast %swap3A_1653 : i32 to index
    %swap3A_1655 = arith.constant 192 : index
    %swap3A_1656 = tpu.vector_load %arg7[%swap3A_1654, %swap3A_1655] {strides = array<i32>} : memref<16x256xf32, #tpu.memory_space<vmem>>, vector<16xf32>,
    tpu.vector_store %arg7[%swap3A_1654, %swap3A_1655], %gather3A_1652 {strides = array<i32>} : memref<16x256xf32, #tpu.memory_space<vmem>>, vector<16xf32>,
    %add3A_1657 = arith.constant 7 : i32
    %add3A_1658 = vector.broadcast %add3A_1657 : i32 to vector<16xi32>
    %add3A_1659 = arith.addi %mul3A_1600, %add3A_1658 : vector<16xi32>
    %gather3A_1660 = tpu.vector_load_idx %arg5[%add3A_1659] : memref<512xf32, #tpu.memory_space<vmem>>[vector<16xi32>], vector<16xf32>,
    %swap3A_1661 = arith.constant 7 : i32
    %swap3A_1662 = arith.index_cast %swap3A_1661 : i32 to index
    %swap3A_1663 = arith.constant 192 : index
    %swap3A_1664 = tpu.vector_load %arg7[%swap3A_1662, %swap3A_1663] {strides = array<i32>} : memref<16x256xf32, #tpu.memory_space<vmem>>, vector<16xf32>,
    tpu.vector_store %arg7[%swap3A_1662, %swap3A_1663], %gather3A_1660 {strides = array<i32>} : memref<16x256xf32, #tpu.memory_space<vmem>>, vector<16xf32>,
    %add3A_1665 = arith.constant 8 : i32
    %add3A_1666 = vector.broadcast %add3A_1665 : i32 to vector<16xi32>
    %add3A_1667 = arith.addi %mul3A_1600, %add3A_1666 : vector<16xi32>
    %gather3A_1668 = tpu.vector_load_idx %arg5[%add3A_1667] : memref<512xf32, #tpu.memory_space<vmem>>[vector<16xi32>], vector<16xf32>,
    %swap3A_1669 = arith.constant 8 : i32
    %swap3A_1670 = arith.index_cast %swap3A_1669 : i32 to index
    %swap3A_1671 = arith.constant 192 : index
    %swap3A_1672 = tpu.vector_load %arg7[%swap3A_1670, %swap3A_1671] {strides = array<i32>} : memref<16x256xf32, #tpu.memory_space<vmem>>, vector<16xf32>,
    tpu.vector_store %arg7[%swap3A_1670, %swap3A_1671], %gather3A_1668 {strides = array<i32>} : memref<16x256xf32, #tpu.memory_space<vmem>>, vector<16xf32>,
    %add3A_1673 = arith.constant 9 : i32
    %add3A_1674 = vector.broadcast %add3A_1673 : i32 to vector<16xi32>
    %add3A_1675 = arith.addi %mul3A_1600, %add3A_1674 : vector<16xi32>
    %gather3A_1676 = tpu.vector_load_idx %arg5[%add3A_1675] : memref<512xf32, #tpu.memory_space<vmem>>[vector<16xi32>], vector<16xf32>,
    %swap3A_1677 = arith.constant 9 : i32
    %swap3A_1678 = arith.index_cast %swap3A_1677 : i32 to index
    %swap3A_1679 = arith.constant 192 : index
    %swap3A_1680 = tpu.vector_load %arg7[%swap3A_1678, %swap3A_1679] {strides = array<i32>} : memref<16x256xf32, #tpu.memory_space<vmem>>, vector<16xf32>,
    tpu.vector_store %arg7[%swap3A_1678, %swap3A_1679], %gather3A_1676 {strides = array<i32>} : memref<16x256xf32, #tpu.memory_space<vmem>>, vector<16xf32>,
    %add3A_1681 = arith.constant 10 : i32
    %add3A_1682 = vector.broadcast %add3A_1681 : i32 to vector<16xi32>
    %add3A_1683 = arith.addi %mul3A_1600, %add3A_1682 : vector<16xi32>
    %gather3A_1684 = tpu.vector_load_idx %arg5[%add3A_1683] : memref<512xf32, #tpu.memory_space<vmem>>[vector<16xi32>], vector<16xf32>,
    %swap3A_1685 = arith.constant 10 : i32
    %swap3A_1686 = arith.index_cast %swap3A_1685 : i32 to index
    %swap3A_1687 = arith.constant 192 : index
    %swap3A_1688 = tpu.vector_load %arg7[%swap3A_1686, %swap3A_1687] {strides = array<i32>} : memref<16x256xf32, #tpu.memory_space<vmem>>, vector<16xf32>,
    tpu.vector_store %arg7[%swap3A_1686, %swap3A_1687], %gather3A_1684 {strides = array<i32>} : memref<16x256xf32, #tpu.memory_space<vmem>>, vector<16xf32>,
    %add3A_1689 = arith.constant 11 : i32
    %add3A_1690 = vector.broadcast %add3A_1689 : i32 to vector<16xi32>
    %add3A_1691 = arith.addi %mul3A_1600, %add3A_1690 : vector<16xi32>
    %gather3A_1692 = tpu.vector_load_idx %arg5[%add3A_1691] : memref<512xf32, #tpu.memory_space<vmem>>[vector<16xi32>], vector<16xf32>,
    %swap3A_1693 = arith.constant 11 : i32
    %swap3A_1694 = arith.index_cast %swap3A_1693 : i32 to index
    %swap3A_1695 = arith.constant 192 : index
    %swap3A_1696 = tpu.vector_load %arg7[%swap3A_1694, %swap3A_1695] {strides = array<i32>} : memref<16x256xf32, #tpu.memory_space<vmem>>, vector<16xf32>,
    tpu.vector_store %arg7[%swap3A_1694, %swap3A_1695], %gather3A_1692 {strides = array<i32>} : memref<16x256xf32, #tpu.memory_space<vmem>>, vector<16xf32>,
    %add3A_1697 = arith.constant 12 : i32
    %add3A_1698 = vector.broadcast %add3A_1697 : i32 to vector<16xi32>
    %add3A_1699 = arith.addi %mul3A_1600, %add3A_1698 : vector<16xi32>
    %gather3A_1700 = tpu.vector_load_idx %arg5[%add3A_1699] : memref<512xf32, #tpu.memory_space<vmem>>[vector<16xi32>], vector<16xf32>,
    %swap3A_1701 = arith.constant 12 : i32
    %swap3A_1702 = arith.index_cast %swap3A_1701 : i32 to index
    %swap3A_1703 = arith.constant 192 : index
    %swap3A_1704 = tpu.vector_load %arg7[%swap3A_1702, %swap3A_1703] {strides = array<i32>} : memref<16x256xf32, #tpu.memory_space<vmem>>, vector<16xf32>,
    tpu.vector_store %arg7[%swap3A_1702, %swap3A_1703], %gather3A_1700 {strides = array<i32>} : memref<16x256xf32, #tpu.memory_space<vmem>>, vector<16xf32>,
    %add3A_1705 = arith.constant 13 : i32
    %add3A_1706 = vector.broadcast %add3A_1705 : i32 to vector<16xi32>
    %add3A_1707 = arith.addi %mul3A_1600, %add3A_1706 : vector<16xi32>
    %gather3A_1708 = tpu.vector_load_idx %arg5[%add3A_1707] : memref<512xf32, #tpu.memory_space<vmem>>[vector<16xi32>], vector<16xf32>,
    %swap3A_1709 = arith.constant 13 : i32
    %swap3A_1710 = arith.index_cast %swap3A_1709 : i32 to index
    %swap3A_1711 = arith.constant 192 : index
    %swap3A_1712 = tpu.vector_load %arg7[%swap3A_1710, %swap3A_1711] {strides = array<i32>} : memref<16x256xf32, #tpu.memory_space<vmem>>, vector<16xf32>,
    tpu.vector_store %arg7[%swap3A_1710, %swap3A_1711], %gather3A_1708 {strides = array<i32>} : memref<16x256xf32, #tpu.memory_space<vmem>>, vector<16xf32>,
    %add3A_1713 = arith.constant 14 : i32
    %add3A_1714 = vector.broadcast %add3A_1713 : i32 to vector<16xi32>
    %add3A_1715 = arith.addi %mul3A_1600, %add3A_1714 : vector<16xi32>
    %gather3A_1716 = tpu.vector_load_idx %arg5[%add3A_1715] : memref<512xf32, #tpu.memory_space<vmem>>[vector<16xi32>], vector<16xf32>,
    %swap3A_1717 = arith.constant 14 : i32
    %swap3A_1718 = arith.index_cast %swap3A_1717 : i32 to index
    %swap3A_1719 = arith.constant 192 : index
    %swap3A_1720 = tpu.vector_load %arg7[%swap3A_1718, %swap3A_1719] {strides = array<i32>} : memref<16x256xf32, #tpu.memory_space<vmem>>, vector<16xf32>,
    tpu.vector_store %arg7[%swap3A_1718, %swap3A_1719], %gather3A_1716 {strides = array<i32>} : memref<16x256xf32, #tpu.memory_space<vmem>>, vector<16xf32>,
    %add3A_1721 = arith.constant 15 : i32
    %add3A_1722 = vector.broadcast %add3A_1721 : i32 to vector<16xi32>
    %add3A_1723 = arith.addi %mul3A_1600, %add3A_1722 : vector<16xi32>
    %gather3A_1724 = tpu.vector_load_idx %arg5[%add3A_1723] : memref<512xf32, #tpu.memory_space<vmem>>[vector<16xi32>], vector<16xf32>,
    %swap3A_1725 = arith.constant 15 : i32
    %swap3A_1726 = arith.index_cast %swap3A_1725 : i32 to index
    %swap3A_1727 = arith.constant 192 : index
    %swap3A_1728 = tpu.vector_load %arg7[%swap3A_1726, %swap3A_1727] {strides = array<i32>} : memref<16x256xf32, #tpu.memory_space<vmem>>, vector<16xf32>,
    tpu.vector_store %arg7[%swap3A_1726, %swap3A_1727], %gather3A_1724 {strides = array<i32>} : memref<16x256xf32, #tpu.memory_space<vmem>>, vector<16xf32>,
    %get3A_1729 = arith.constant 208 : index
    %get3A_1730 = tpu.vector_load %arg6[%get3A_1729] {strides = array<i32>} : memref<256xi32, #tpu.memory_space<vmem>>, vector<16xi32>,
    %mul3A_1731 = arith.constant 16 : i32
    %mul3A_1732 = vector.broadcast %mul3A_1731 : i32 to vector<16xi32>
    %mul3A_1733 = arith.muli %get3A_1730, %mul3A_1732 : vector<16xi32>
    %add3A_1734 = arith.constant 0 : i32
    %add3A_1735 = vector.broadcast %add3A_1734 : i32 to vector<16xi32>
    %add3A_1736 = arith.addi %mul3A_1733, %add3A_1735 : vector<16xi32>
    %gather3A_1737 = tpu.vector_load_idx %arg5[%add3A_1736] : memref<512xf32, #tpu.memory_space<vmem>>[vector<16xi32>], vector<16xf32>,
    %swap3A_1738 = arith.constant 0 : i32
    %swap3A_1739 = arith.index_cast %swap3A_1738 : i32 to index
    %swap3A_1740 = arith.constant 208 : index
    %swap3A_1741 = tpu.vector_load %arg7[%swap3A_1739, %swap3A_1740] {strides = array<i32>} : memref<16x256xf32, #tpu.memory_space<vmem>>, vector<16xf32>,
    tpu.vector_store %arg7[%swap3A_1739, %swap3A_1740], %gather3A_1737 {strides = array<i32>} : memref<16x256xf32, #tpu.memory_space<vmem>>, vector<16xf32>,
    %add3A_1742 = arith.constant 1 : i32
    %add3A_1743 = vector.broadcast %add3A_1742 : i32 to vector<16xi32>
    %add3A_1744 = arith.addi %mul3A_1733, %add3A_1743 : vector<16xi32>
    %gather3A_1745 = tpu.vector_load_idx %arg5[%add3A_1744] : memref<512xf32, #tpu.memory_space<vmem>>[vector<16xi32>], vector<16xf32>,
    %swap3A_1746 = arith.constant 1 : i32
    %swap3A_1747 = arith.index_cast %swap3A_1746 : i32 to index
    %swap3A_1748 = arith.constant 208 : index
    %swap3A_1749 = tpu.vector_load %arg7[%swap3A_1747, %swap3A_1748] {strides = array<i32>} : memref<16x256xf32, #tpu.memory_space<vmem>>, vector<16xf32>,
    tpu.vector_store %arg7[%swap3A_1747, %swap3A_1748], %gather3A_1745 {strides = array<i32>} : memref<16x256xf32, #tpu.memory_space<vmem>>, vector<16xf32>,
    %add3A_1750 = arith.constant 2 : i32
    %add3A_1751 = vector.broadcast %add3A_1750 : i32 to vector<16xi32>
    %add3A_1752 = arith.addi %mul3A_1733, %add3A_1751 : vector<16xi32>
    %gather3A_1753 = tpu.vector_load_idx %arg5[%add3A_1752] : memref<512xf32, #tpu.memory_space<vmem>>[vector<16xi32>], vector<16xf32>,
    %swap3A_1754 = arith.constant 2 : i32
    %swap3A_1755 = arith.index_cast %swap3A_1754 : i32 to index
    %swap3A_1756 = arith.constant 208 : index
    %swap3A_1757 = tpu.vector_load %arg7[%swap3A_1755, %swap3A_1756] {strides = array<i32>} : memref<16x256xf32, #tpu.memory_space<vmem>>, vector<16xf32>,
    tpu.vector_store %arg7[%swap3A_1755, %swap3A_1756], %gather3A_1753 {strides = array<i32>} : memref<16x256xf32, #tpu.memory_space<vmem>>, vector<16xf32>,
    %add3A_1758 = arith.constant 3 : i32
    %add3A_1759 = vector.broadcast %add3A_1758 : i32 to vector<16xi32>
    %add3A_1760 = arith.addi %mul3A_1733, %add3A_1759 : vector<16xi32>
    %gather3A_1761 = tpu.vector_load_idx %arg5[%add3A_1760] : memref<512xf32, #tpu.memory_space<vmem>>[vector<16xi32>], vector<16xf32>,
    %swap3A_1762 = arith.constant 3 : i32
    %swap3A_1763 = arith.index_cast %swap3A_1762 : i32 to index
    %swap3A_1764 = arith.constant 208 : index
    %swap3A_1765 = tpu.vector_load %arg7[%swap3A_1763, %swap3A_1764] {strides = array<i32>} : memref<16x256xf32, #tpu.memory_space<vmem>>, vector<16xf32>,
    tpu.vector_store %arg7[%swap3A_1763, %swap3A_1764], %gather3A_1761 {strides = array<i32>} : memref<16x256xf32, #tpu.memory_space<vmem>>, vector<16xf32>,
    %add3A_1766 = arith.constant 4 : i32
    %add3A_1767 = vector.broadcast %add3A_1766 : i32 to vector<16xi32>
    %add3A_1768 = arith.addi %mul3A_1733, %add3A_1767 : vector<16xi32>
    %gather3A_1769 = tpu.vector_load_idx %arg5[%add3A_1768] : memref<512xf32, #tpu.memory_space<vmem>>[vector<16xi32>], vector<16xf32>,
    %swap3A_1770 = arith.constant 4 : i32
    %swap3A_1771 = arith.index_cast %swap3A_1770 : i32 to index
    %swap3A_1772 = arith.constant 208 : index
    %swap3A_1773 = tpu.vector_load %arg7[%swap3A_1771, %swap3A_1772] {strides = array<i32>} : memref<16x256xf32, #tpu.memory_space<vmem>>, vector<16xf32>,
    tpu.vector_store %arg7[%swap3A_1771, %swap3A_1772], %gather3A_1769 {strides = array<i32>} : memref<16x256xf32, #tpu.memory_space<vmem>>, vector<16xf32>,
    %add3A_1774 = arith.constant 5 : i32
    %add3A_1775 = vector.broadcast %add3A_1774 : i32 to vector<16xi32>
    %add3A_1776 = arith.addi %mul3A_1733, %add3A_1775 : vector<16xi32>
    %gather3A_1777 = tpu.vector_load_idx %arg5[%add3A_1776] : memref<512xf32, #tpu.memory_space<vmem>>[vector<16xi32>], vector<16xf32>,
    %swap3A_1778 = arith.constant 5 : i32
    %swap3A_1779 = arith.index_cast %swap3A_1778 : i32 to index
    %swap3A_1780 = arith.constant 208 : index
    %swap3A_1781 = tpu.vector_load %arg7[%swap3A_1779, %swap3A_1780] {strides = array<i32>} : memref<16x256xf32, #tpu.memory_space<vmem>>, vector<16xf32>,
    tpu.vector_store %arg7[%swap3A_1779, %swap3A_1780], %gather3A_1777 {strides = array<i32>} : memref<16x256xf32, #tpu.memory_space<vmem>>, vector<16xf32>,
    %add3A_1782 = arith.constant 6 : i32
    %add3A_1783 = vector.broadcast %add3A_1782 : i32 to vector<16xi32>
    %add3A_1784 = arith.addi %mul3A_1733, %add3A_1783 : vector<16xi32>
    %gather3A_1785 = tpu.vector_load_idx %arg5[%add3A_1784] : memref<512xf32, #tpu.memory_space<vmem>>[vector<16xi32>], vector<16xf32>,
    %swap3A_1786 = arith.constant 6 : i32
    %swap3A_1787 = arith.index_cast %swap3A_1786 : i32 to index
    %swap3A_1788 = arith.constant 208 : index
    %swap3A_1789 = tpu.vector_load %arg7[%swap3A_1787, %swap3A_1788] {strides = array<i32>} : memref<16x256xf32, #tpu.memory_space<vmem>>, vector<16xf32>,
    tpu.vector_store %arg7[%swap3A_1787, %swap3A_1788], %gather3A_1785 {strides = array<i32>} : memref<16x256xf32, #tpu.memory_space<vmem>>, vector<16xf32>,
    %add3A_1790 = arith.constant 7 : i32
    %add3A_1791 = vector.broadcast %add3A_1790 : i32 to vector<16xi32>
    %add3A_1792 = arith.addi %mul3A_1733, %add3A_1791 : vector<16xi32>
    %gather3A_1793 = tpu.vector_load_idx %arg5[%add3A_1792] : memref<512xf32, #tpu.memory_space<vmem>>[vector<16xi32>], vector<16xf32>,
    %swap3A_1794 = arith.constant 7 : i32
    %swap3A_1795 = arith.index_cast %swap3A_1794 : i32 to index
    %swap3A_1796 = arith.constant 208 : index
    %swap3A_1797 = tpu.vector_load %arg7[%swap3A_1795, %swap3A_1796] {strides = array<i32>} : memref<16x256xf32, #tpu.memory_space<vmem>>, vector<16xf32>,
    tpu.vector_store %arg7[%swap3A_1795, %swap3A_1796], %gather3A_1793 {strides = array<i32>} : memref<16x256xf32, #tpu.memory_space<vmem>>, vector<16xf32>,
    %add3A_1798 = arith.constant 8 : i32
    %add3A_1799 = vector.broadcast %add3A_1798 : i32 to vector<16xi32>
    %add3A_1800 = arith.addi %mul3A_1733, %add3A_1799 : vector<16xi32>
    %gather3A_1801 = tpu.vector_load_idx %arg5[%add3A_1800] : memref<512xf32, #tpu.memory_space<vmem>>[vector<16xi32>], vector<16xf32>,
    %swap3A_1802 = arith.constant 8 : i32
    %swap3A_1803 = arith.index_cast %swap3A_1802 : i32 to index
    %swap3A_1804 = arith.constant 208 : index
    %swap3A_1805 = tpu.vector_load %arg7[%swap3A_1803, %swap3A_1804] {strides = array<i32>} : memref<16x256xf32, #tpu.memory_space<vmem>>, vector<16xf32>,
    tpu.vector_store %arg7[%swap3A_1803, %swap3A_1804], %gather3A_1801 {strides = array<i32>} : memref<16x256xf32, #tpu.memory_space<vmem>>, vector<16xf32>,
    %add3A_1806 = arith.constant 9 : i32
    %add3A_1807 = vector.broadcast %add3A_1806 : i32 to vector<16xi32>
    %add3A_1808 = arith.addi %mul3A_1733, %add3A_1807 : vector<16xi32>
    %gather3A_1809 = tpu.vector_load_idx %arg5[%add3A_1808] : memref<512xf32, #tpu.memory_space<vmem>>[vector<16xi32>], vector<16xf32>,
    %swap3A_1810 = arith.constant 9 : i32
    %swap3A_1811 = arith.index_cast %swap3A_1810 : i32 to index
    %swap3A_1812 = arith.constant 208 : index
    %swap3A_1813 = tpu.vector_load %arg7[%swap3A_1811, %swap3A_1812] {strides = array<i32>} : memref<16x256xf32, #tpu.memory_space<vmem>>, vector<16xf32>,
    tpu.vector_store %arg7[%swap3A_1811, %swap3A_1812], %gather3A_1809 {strides = array<i32>} : memref<16x256xf32, #tpu.memory_space<vmem>>, vector<16xf32>,
    %add3A_1814 = arith.constant 10 : i32
    %add3A_1815 = vector.broadcast %add3A_1814 : i32 to vector<16xi32>
    %add3A_1816 = arith.addi %mul3A_1733, %add3A_1815 : vector<16xi32>
    %gather3A_1817 = tpu.vector_load_idx %arg5[%add3A_1816] : memref<512xf32, #tpu.memory_space<vmem>>[vector<16xi32>], vector<16xf32>,
    %swap3A_1818 = arith.constant 10 : i32
    %swap3A_1819 = arith.index_cast %swap3A_1818 : i32 to index
    %swap3A_1820 = arith.constant 208 : index
    %swap3A_1821 = tpu.vector_load %arg7[%swap3A_1819, %swap3A_1820] {strides = array<i32>} : memref<16x256xf32, #tpu.memory_space<vmem>>, vector<16xf32>,
    tpu.vector_store %arg7[%swap3A_1819, %swap3A_1820], %gather3A_1817 {strides = array<i32>} : memref<16x256xf32, #tpu.memory_space<vmem>>, vector<16xf32>,
    %add3A_1822 = arith.constant 11 : i32
    %add3A_1823 = vector.broadcast %add3A_1822 : i32 to vector<16xi32>
    %add3A_1824 = arith.addi %mul3A_1733, %add3A_1823 : vector<16xi32>
    %gather3A_1825 = tpu.vector_load_idx %arg5[%add3A_1824] : memref<512xf32, #tpu.memory_space<vmem>>[vector<16xi32>], vector<16xf32>,
    %swap3A_1826 = arith.constant 11 : i32
    %swap3A_1827 = arith.index_cast %swap3A_1826 : i32 to index
    %swap3A_1828 = arith.constant 208 : index
    %swap3A_1829 = tpu.vector_load %arg7[%swap3A_1827, %swap3A_1828] {strides = array<i32>} : memref<16x256xf32, #tpu.memory_space<vmem>>, vector<16xf32>,
    tpu.vector_store %arg7[%swap3A_1827, %swap3A_1828], %gather3A_1825 {strides = array<i32>} : memref<16x256xf32, #tpu.memory_space<vmem>>, vector<16xf32>,
    %add3A_1830 = arith.constant 12 : i32
    %add3A_1831 = vector.broadcast %add3A_1830 : i32 to vector<16xi32>
    %add3A_1832 = arith.addi %mul3A_1733, %add3A_1831 : vector<16xi32>
    %gather3A_1833 = tpu.vector_load_idx %arg5[%add3A_1832] : memref<512xf32, #tpu.memory_space<vmem>>[vector<16xi32>], vector<16xf32>,
    %swap3A_1834 = arith.constant 12 : i32
    %swap3A_1835 = arith.index_cast %swap3A_1834 : i32 to index
    %swap3A_1836 = arith.constant 208 : index
    %swap3A_1837 = tpu.vector_load %arg7[%swap3A_1835, %swap3A_1836] {strides = array<i32>} : memref<16x256xf32, #tpu.memory_space<vmem>>, vector<16xf32>,
    tpu.vector_store %arg7[%swap3A_1835, %swap3A_1836], %gather3A_1833 {strides = array<i32>} : memref<16x256xf32, #tpu.memory_space<vmem>>, vector<16xf32>,
    %add3A_1838 = arith.constant 13 : i32
    %add3A_1839 = vector.broadcast %add3A_1838 : i32 to vector<16xi32>
    %add3A_1840 = arith.addi %mul3A_1733, %add3A_1839 : vector<16xi32>
    %gather3A_1841 = tpu.vector_load_idx %arg5[%add3A_1840] : memref<512xf32, #tpu.memory_space<vmem>>[vector<16xi32>], vector<16xf32>,
    %swap3A_1842 = arith.constant 13 : i32
    %swap3A_1843 = arith.index_cast %swap3A_1842 : i32 to index
    %swap3A_1844 = arith.constant 208 : index
    %swap3A_1845 = tpu.vector_load %arg7[%swap3A_1843, %swap3A_1844] {strides = array<i32>} : memref<16x256xf32, #tpu.memory_space<vmem>>, vector<16xf32>,
    tpu.vector_store %arg7[%swap3A_1843, %swap3A_1844], %gather3A_1841 {strides = array<i32>} : memref<16x256xf32, #tpu.memory_space<vmem>>, vector<16xf32>,
    %add3A_1846 = arith.constant 14 : i32
    %add3A_1847 = vector.broadcast %add3A_1846 : i32 to vector<16xi32>
    %add3A_1848 = arith.addi %mul3A_1733, %add3A_1847 : vector<16xi32>
    %gather3A_1849 = tpu.vector_load_idx %arg5[%add3A_1848] : memref<512xf32, #tpu.memory_space<vmem>>[vector<16xi32>], vector<16xf32>,
    %swap3A_1850 = arith.constant 14 : i32
    %swap3A_1851 = arith.index_cast %swap3A_1850 : i32 to index
    %swap3A_1852 = arith.constant 208 : index
    %swap3A_1853 = tpu.vector_load %arg7[%swap3A_1851, %swap3A_1852] {strides = array<i32>} : memref<16x256xf32, #tpu.memory_space<vmem>>, vector<16xf32>,
    tpu.vector_store %arg7[%swap3A_1851, %swap3A_1852], %gather3A_1849 {strides = array<i32>} : memref<16x256xf32, #tpu.memory_space<vmem>>, vector<16xf32>,
    %add3A_1854 = arith.constant 15 : i32
    %add3A_1855 = vector.broadcast %add3A_1854 : i32 to vector<16xi32>
    %add3A_1856 = arith.addi %mul3A_1733, %add3A_1855 : vector<16xi32>
    %gather3A_1857 = tpu.vector_load_idx %arg5[%add3A_1856] : memref<512xf32, #tpu.memory_space<vmem>>[vector<16xi32>], vector<16xf32>,
    %swap3A_1858 = arith.constant 15 : i32
    %swap3A_1859 = arith.index_cast %swap3A_1858 : i32 to index
    %swap3A_1860 = arith.constant 208 : index
    %swap3A_1861 = tpu.vector_load %arg7[%swap3A_1859, %swap3A_1860] {strides = array<i32>} : memref<16x256xf32, #tpu.memory_space<vmem>>, vector<16xf32>,
    tpu.vector_store %arg7[%swap3A_1859, %swap3A_1860], %gather3A_1857 {strides = array<i32>} : memref<16x256xf32, #tpu.memory_space<vmem>>, vector<16xf32>,
    %get3A_1862 = arith.constant 224 : index
    %get3A_1863 = tpu.vector_load %arg6[%get3A_1862] {strides = array<i32>} : memref<256xi32, #tpu.memory_space<vmem>>, vector<16xi32>,
    %mul3A_1864 = arith.constant 16 : i32
    %mul3A_1865 = vector.broadcast %mul3A_1864 : i32 to vector<16xi32>
    %mul3A_1866 = arith.muli %get3A_1863, %mul3A_1865 : vector<16xi32>
    %add3A_1867 = arith.constant 0 : i32
    %add3A_1868 = vector.broadcast %add3A_1867 : i32 to vector<16xi32>
    %add3A_1869 = arith.addi %mul3A_1866, %add3A_1868 : vector<16xi32>
    %gather3A_1870 = tpu.vector_load_idx %arg5[%add3A_1869] : memref<512xf32, #tpu.memory_space<vmem>>[vector<16xi32>], vector<16xf32>,
    %swap3A_1871 = arith.constant 0 : i32
    %swap3A_1872 = arith.index_cast %swap3A_1871 : i32 to index
    %swap3A_1873 = arith.constant 224 : index
    %swap3A_1874 = tpu.vector_load %arg7[%swap3A_1872, %swap3A_1873] {strides = array<i32>} : memref<16x256xf32, #tpu.memory_space<vmem>>, vector<16xf32>,
    tpu.vector_store %arg7[%swap3A_1872, %swap3A_1873], %gather3A_1870 {strides = array<i32>} : memref<16x256xf32, #tpu.memory_space<vmem>>, vector<16xf32>,
    %add3A_1875 = arith.constant 1 : i32
    %add3A_1876 = vector.broadcast %add3A_1875 : i32 to vector<16xi32>
    %add3A_1877 = arith.addi %mul3A_1866, %add3A_1876 : vector<16xi32>
    %gather3A_1878 = tpu.vector_load_idx %arg5[%add3A_1877] : memref<512xf32, #tpu.memory_space<vmem>>[vector<16xi32>], vector<16xf32>,
    %swap3A_1879 = arith.constant 1 : i32
    %swap3A_1880 = arith.index_cast %swap3A_1879 : i32 to index
    %swap3A_1881 = arith.constant 224 : index
    %swap3A_1882 = tpu.vector_load %arg7[%swap3A_1880, %swap3A_1881] {strides = array<i32>} : memref<16x256xf32, #tpu.memory_space<vmem>>, vector<16xf32>,
    tpu.vector_store %arg7[%swap3A_1880, %swap3A_1881], %gather3A_1878 {strides = array<i32>} : memref<16x256xf32, #tpu.memory_space<vmem>>, vector<16xf32>,
    %add3A_1883 = arith.constant 2 : i32
    %add3A_1884 = vector.broadcast %add3A_1883 : i32 to vector<16xi32>
    %add3A_1885 = arith.addi %mul3A_1866, %add3A_1884 : vector<16xi32>
    %gather3A_1886 = tpu.vector_load_idx %arg5[%add3A_1885] : memref<512xf32, #tpu.memory_space<vmem>>[vector<16xi32>], vector<16xf32>,
    %swap3A_1887 = arith.constant 2 : i32
    %swap3A_1888 = arith.index_cast %swap3A_1887 : i32 to index
    %swap3A_1889 = arith.constant 224 : index
    %swap3A_1890 = tpu.vector_load %arg7[%swap3A_1888, %swap3A_1889] {strides = array<i32>} : memref<16x256xf32, #tpu.memory_space<vmem>>, vector<16xf32>,
    tpu.vector_store %arg7[%swap3A_1888, %swap3A_1889], %gather3A_1886 {strides = array<i32>} : memref<16x256xf32, #tpu.memory_space<vmem>>, vector<16xf32>,
    %add3A_1891 = arith.constant 3 : i32
    %add3A_1892 = vector.broadcast %add3A_1891 : i32 to vector<16xi32>
    %add3A_1893 = arith.addi %mul3A_1866, %add3A_1892 : vector<16xi32>
    %gather3A_1894 = tpu.vector_load_idx %arg5[%add3A_1893] : memref<512xf32, #tpu.memory_space<vmem>>[vector<16xi32>], vector<16xf32>,
    %swap3A_1895 = arith.constant 3 : i32
    %swap3A_1896 = arith.index_cast %swap3A_1895 : i32 to index
    %swap3A_1897 = arith.constant 224 : index
    %swap3A_1898 = tpu.vector_load %arg7[%swap3A_1896, %swap3A_1897] {strides = array<i32>} : memref<16x256xf32, #tpu.memory_space<vmem>>, vector<16xf32>,
    tpu.vector_store %arg7[%swap3A_1896, %swap3A_1897], %gather3A_1894 {strides = array<i32>} : memref<16x256xf32, #tpu.memory_space<vmem>>, vector<16xf32>,
    %add3A_1899 = arith.constant 4 : i32
    %add3A_1900 = vector.broadcast %add3A_1899 : i32 to vector<16xi32>
    %add3A_1901 = arith.addi %mul3A_1866, %add3A_1900 : vector<16xi32>
    %gather3A_1902 = tpu.vector_load_idx %arg5[%add3A_1901] : memref<512xf32, #tpu.memory_space<vmem>>[vector<16xi32>], vector<16xf32>,
    %swap3A_1903 = arith.constant 4 : i32
    %swap3A_1904 = arith.index_cast %swap3A_1903 : i32 to index
    %swap3A_1905 = arith.constant 224 : index
    %swap3A_1906 = tpu.vector_load %arg7[%swap3A_1904, %swap3A_1905] {strides = array<i32>} : memref<16x256xf32, #tpu.memory_space<vmem>>, vector<16xf32>,
    tpu.vector_store %arg7[%swap3A_1904, %swap3A_1905], %gather3A_1902 {strides = array<i32>} : memref<16x256xf32, #tpu.memory_space<vmem>>, vector<16xf32>,
    %add3A_1907 = arith.constant 5 : i32
    %add3A_1908 = vector.broadcast %add3A_1907 : i32 to vector<16xi32>
    %add3A_1909 = arith.addi %mul3A_1866, %add3A_1908 : vector<16xi32>
    %gather3A_1910 = tpu.vector_load_idx %arg5[%add3A_1909] : memref<512xf32, #tpu.memory_space<vmem>>[vector<16xi32>], vector<16xf32>,
    %swap3A_1911 = arith.constant 5 : i32
    %swap3A_1912 = arith.index_cast %swap3A_1911 : i32 to index
    %swap3A_1913 = arith.constant 224 : index
    %swap3A_1914 = tpu.vector_load %arg7[%swap3A_1912, %swap3A_1913] {strides = array<i32>} : memref<16x256xf32, #tpu.memory_space<vmem>>, vector<16xf32>,
    tpu.vector_store %arg7[%swap3A_1912, %swap3A_1913], %gather3A_1910 {strides = array<i32>} : memref<16x256xf32, #tpu.memory_space<vmem>>, vector<16xf32>,
    %add3A_1915 = arith.constant 6 : i32
    %add3A_1916 = vector.broadcast %add3A_1915 : i32 to vector<16xi32>
    %add3A_1917 = arith.addi %mul3A_1866, %add3A_1916 : vector<16xi32>
    %gather3A_1918 = tpu.vector_load_idx %arg5[%add3A_1917] : memref<512xf32, #tpu.memory_space<vmem>>[vector<16xi32>], vector<16xf32>,
    %swap3A_1919 = arith.constant 6 : i32
    %swap3A_1920 = arith.index_cast %swap3A_1919 : i32 to index
    %swap3A_1921 = arith.constant 224 : index
    %swap3A_1922 = tpu.vector_load %arg7[%swap3A_1920, %swap3A_1921] {strides = array<i32>} : memref<16x256xf32, #tpu.memory_space<vmem>>, vector<16xf32>,
    tpu.vector_store %arg7[%swap3A_1920, %swap3A_1921], %gather3A_1918 {strides = array<i32>} : memref<16x256xf32, #tpu.memory_space<vmem>>, vector<16xf32>,
    %add3A_1923 = arith.constant 7 : i32
    %add3A_1924 = vector.broadcast %add3A_1923 : i32 to vector<16xi32>
    %add3A_1925 = arith.addi %mul3A_1866, %add3A_1924 : vector<16xi32>
    %gather3A_1926 = tpu.vector_load_idx %arg5[%add3A_1925] : memref<512xf32, #tpu.memory_space<vmem>>[vector<16xi32>], vector<16xf32>,
    %swap3A_1927 = arith.constant 7 : i32
    %swap3A_1928 = arith.index_cast %swap3A_1927 : i32 to index
    %swap3A_1929 = arith.constant 224 : index
    %swap3A_1930 = tpu.vector_load %arg7[%swap3A_1928, %swap3A_1929] {strides = array<i32>} : memref<16x256xf32, #tpu.memory_space<vmem>>, vector<16xf32>,
    tpu.vector_store %arg7[%swap3A_1928, %swap3A_1929], %gather3A_1926 {strides = array<i32>} : memref<16x256xf32, #tpu.memory_space<vmem>>, vector<16xf32>,
    %add3A_1931 = arith.constant 8 : i32
    %add3A_1932 = vector.broadcast %add3A_1931 : i32 to vector<16xi32>
    %add3A_1933 = arith.addi %mul3A_1866, %add3A_1932 : vector<16xi32>
    %gather3A_1934 = tpu.vector_load_idx %arg5[%add3A_1933] : memref<512xf32, #tpu.memory_space<vmem>>[vector<16xi32>], vector<16xf32>,
    %swap3A_1935 = arith.constant 8 : i32
    %swap3A_1936 = arith.index_cast %swap3A_1935 : i32 to index
    %swap3A_1937 = arith.constant 224 : index
    %swap3A_1938 = tpu.vector_load %arg7[%swap3A_1936, %swap3A_1937] {strides = array<i32>} : memref<16x256xf32, #tpu.memory_space<vmem>>, vector<16xf32>,
    tpu.vector_store %arg7[%swap3A_1936, %swap3A_1937], %gather3A_1934 {strides = array<i32>} : memref<16x256xf32, #tpu.memory_space<vmem>>, vector<16xf32>,
    %add3A_1939 = arith.constant 9 : i32
    %add3A_1940 = vector.broadcast %add3A_1939 : i32 to vector<16xi32>
    %add3A_1941 = arith.addi %mul3A_1866, %add3A_1940 : vector<16xi32>
    %gather3A_1942 = tpu.vector_load_idx %arg5[%add3A_1941] : memref<512xf32, #tpu.memory_space<vmem>>[vector<16xi32>], vector<16xf32>,
    %swap3A_1943 = arith.constant 9 : i32
    %swap3A_1944 = arith.index_cast %swap3A_1943 : i32 to index
    %swap3A_1945 = arith.constant 224 : index
    %swap3A_1946 = tpu.vector_load %arg7[%swap3A_1944, %swap3A_1945] {strides = array<i32>} : memref<16x256xf32, #tpu.memory_space<vmem>>, vector<16xf32>,
    tpu.vector_store %arg7[%swap3A_1944, %swap3A_1945], %gather3A_1942 {strides = array<i32>} : memref<16x256xf32, #tpu.memory_space<vmem>>, vector<16xf32>,
    %add3A_1947 = arith.constant 10 : i32
    %add3A_1948 = vector.broadcast %add3A_1947 : i32 to vector<16xi32>
    %add3A_1949 = arith.addi %mul3A_1866, %add3A_1948 : vector<16xi32>
    %gather3A_1950 = tpu.vector_load_idx %arg5[%add3A_1949] : memref<512xf32, #tpu.memory_space<vmem>>[vector<16xi32>], vector<16xf32>,
    %swap3A_1951 = arith.constant 10 : i32
    %swap3A_1952 = arith.index_cast %swap3A_1951 : i32 to index
    %swap3A_1953 = arith.constant 224 : index
    %swap3A_1954 = tpu.vector_load %arg7[%swap3A_1952, %swap3A_1953] {strides = array<i32>} : memref<16x256xf32, #tpu.memory_space<vmem>>, vector<16xf32>,
    tpu.vector_store %arg7[%swap3A_1952, %swap3A_1953], %gather3A_1950 {strides = array<i32>} : memref<16x256xf32, #tpu.memory_space<vmem>>, vector<16xf32>,
    %add3A_1955 = arith.constant 11 : i32
    %add3A_1956 = vector.broadcast %add3A_1955 : i32 to vector<16xi32>
    %add3A_1957 = arith.addi %mul3A_1866, %add3A_1956 : vector<16xi32>
    %gather3A_1958 = tpu.vector_load_idx %arg5[%add3A_1957] : memref<512xf32, #tpu.memory_space<vmem>>[vector<16xi32>], vector<16xf32>,
    %swap3A_1959 = arith.constant 11 : i32
    %swap3A_1960 = arith.index_cast %swap3A_1959 : i32 to index
    %swap3A_1961 = arith.constant 224 : index
    %swap3A_1962 = tpu.vector_load %arg7[%swap3A_1960, %swap3A_1961] {strides = array<i32>} : memref<16x256xf32, #tpu.memory_space<vmem>>, vector<16xf32>,
    tpu.vector_store %arg7[%swap3A_1960, %swap3A_1961], %gather3A_1958 {strides = array<i32>} : memref<16x256xf32, #tpu.memory_space<vmem>>, vector<16xf32>,
    %add3A_1963 = arith.constant 12 : i32
    %add3A_1964 = vector.broadcast %add3A_1963 : i32 to vector<16xi32>
    %add3A_1965 = arith.addi %mul3A_1866, %add3A_1964 : vector<16xi32>
    %gather3A_1966 = tpu.vector_load_idx %arg5[%add3A_1965] : memref<512xf32, #tpu.memory_space<vmem>>[vector<16xi32>], vector<16xf32>,
    %swap3A_1967 = arith.constant 12 : i32
    %swap3A_1968 = arith.index_cast %swap3A_1967 : i32 to index
    %swap3A_1969 = arith.constant 224 : index
    %swap3A_1970 = tpu.vector_load %arg7[%swap3A_1968, %swap3A_1969] {strides = array<i32>} : memref<16x256xf32, #tpu.memory_space<vmem>>, vector<16xf32>,
    tpu.vector_store %arg7[%swap3A_1968, %swap3A_1969], %gather3A_1966 {strides = array<i32>} : memref<16x256xf32, #tpu.memory_space<vmem>>, vector<16xf32>,
    %add3A_1971 = arith.constant 13 : i32
    %add3A_1972 = vector.broadcast %add3A_1971 : i32 to vector<16xi32>
    %add3A_1973 = arith.addi %mul3A_1866, %add3A_1972 : vector<16xi32>
    %gather3A_1974 = tpu.vector_load_idx %arg5[%add3A_1973] : memref<512xf32, #tpu.memory_space<vmem>>[vector<16xi32>], vector<16xf32>,
    %swap3A_1975 = arith.constant 13 : i32
    %swap3A_1976 = arith.index_cast %swap3A_1975 : i32 to index
    %swap3A_1977 = arith.constant 224 : index
    %swap3A_1978 = tpu.vector_load %arg7[%swap3A_1976, %swap3A_1977] {strides = array<i32>} : memref<16x256xf32, #tpu.memory_space<vmem>>, vector<16xf32>,
    tpu.vector_store %arg7[%swap3A_1976, %swap3A_1977], %gather3A_1974 {strides = array<i32>} : memref<16x256xf32, #tpu.memory_space<vmem>>, vector<16xf32>,
    %add3A_1979 = arith.constant 14 : i32
    %add3A_1980 = vector.broadcast %add3A_1979 : i32 to vector<16xi32>
    %add3A_1981 = arith.addi %mul3A_1866, %add3A_1980 : vector<16xi32>
    %gather3A_1982 = tpu.vector_load_idx %arg5[%add3A_1981] : memref<512xf32, #tpu.memory_space<vmem>>[vector<16xi32>], vector<16xf32>,
    %swap3A_1983 = arith.constant 14 : i32
    %swap3A_1984 = arith.index_cast %swap3A_1983 : i32 to index
    %swap3A_1985 = arith.constant 224 : index
    %swap3A_1986 = tpu.vector_load %arg7[%swap3A_1984, %swap3A_1985] {strides = array<i32>} : memref<16x256xf32, #tpu.memory_space<vmem>>, vector<16xf32>,
    tpu.vector_store %arg7[%swap3A_1984, %swap3A_1985], %gather3A_1982 {strides = array<i32>} : memref<16x256xf32, #tpu.memory_space<vmem>>, vector<16xf32>,
    %add3A_1987 = arith.constant 15 : i32
    %add3A_1988 = vector.broadcast %add3A_1987 : i32 to vector<16xi32>
    %add3A_1989 = arith.addi %mul3A_1866, %add3A_1988 : vector<16xi32>
    %gather3A_1990 = tpu.vector_load_idx %arg5[%add3A_1989] : memref<512xf32, #tpu.memory_space<vmem>>[vector<16xi32>], vector<16xf32>,
    %swap3A_1991 = arith.constant 15 : i32
    %swap3A_1992 = arith.index_cast %swap3A_1991 : i32 to index
    %swap3A_1993 = arith.constant 224 : index
    %swap3A_1994 = tpu.vector_load %arg7[%swap3A_1992, %swap3A_1993] {strides = array<i32>} : memref<16x256xf32, #tpu.memory_space<vmem>>, vector<16xf32>,
    tpu.vector_store %arg7[%swap3A_1992, %swap3A_1993], %gather3A_1990 {strides = array<i32>} : memref<16x256xf32, #tpu.memory_space<vmem>>, vector<16xf32>,
    %get3A_1995 = arith.constant 240 : index
    %get3A_1996 = tpu.vector_load %arg6[%get3A_1995] {strides = array<i32>} : memref<256xi32, #tpu.memory_space<vmem>>, vector<16xi32>,
    %mul3A_1997 = arith.constant 16 : i32
    %mul3A_1998 = vector.broadcast %mul3A_1997 : i32 to vector<16xi32>
    %mul3A_1999 = arith.muli %get3A_1996, %mul3A_1998 : vector<16xi32>
    %add3A_2000 = arith.constant 0 : i32
    %add3A_2001 = vector.broadcast %add3A_2000 : i32 to vector<16xi32>
    %add3A_2002 = arith.addi %mul3A_1999, %add3A_2001 : vector<16xi32>
    %gather3A_2003 = tpu.vector_load_idx %arg5[%add3A_2002] : memref<512xf32, #tpu.memory_space<vmem>>[vector<16xi32>], vector<16xf32>,
    %swap3A_2004 = arith.constant 0 : i32
    %swap3A_2005 = arith.index_cast %swap3A_2004 : i32 to index
    %swap3A_2006 = arith.constant 240 : index
    %swap3A_2007 = tpu.vector_load %arg7[%swap3A_2005, %swap3A_2006] {strides = array<i32>} : memref<16x256xf32, #tpu.memory_space<vmem>>, vector<16xf32>,
    tpu.vector_store %arg7[%swap3A_2005, %swap3A_2006], %gather3A_2003 {strides = array<i32>} : memref<16x256xf32, #tpu.memory_space<vmem>>, vector<16xf32>,
    %add3A_2008 = arith.constant 1 : i32
    %add3A_2009 = vector.broadcast %add3A_2008 : i32 to vector<16xi32>
    %add3A_2010 = arith.addi %mul3A_1999, %add3A_2009 : vector<16xi32>
    %gather3A_2011 = tpu.vector_load_idx %arg5[%add3A_2010] : memref<512xf32, #tpu.memory_space<vmem>>[vector<16xi32>], vector<16xf32>,
    %swap3A_2012 = arith.constant 1 : i32
    %swap3A_2013 = arith.index_cast %swap3A_2012 : i32 to index
    %swap3A_2014 = arith.constant 240 : index
    %swap3A_2015 = tpu.vector_load %arg7[%swap3A_2013, %swap3A_2014] {strides = array<i32>} : memref<16x256xf32, #tpu.memory_space<vmem>>, vector<16xf32>,
    tpu.vector_store %arg7[%swap3A_2013, %swap3A_2014], %gather3A_2011 {strides = array<i32>} : memref<16x256xf32, #tpu.memory_space<vmem>>, vector<16xf32>,
    %add3A_2016 = arith.constant 2 : i32
    %add3A_2017 = vector.broadcast %add3A_2016 : i32 to vector<16xi32>
    %add3A_2018 = arith.addi %mul3A_1999, %add3A_2017 : vector<16xi32>
    %gather3A_2019 = tpu.vector_load_idx %arg5[%add3A_2018] : memref<512xf32, #tpu.memory_space<vmem>>[vector<16xi32>], vector<16xf32>,
    %swap3A_2020 = arith.constant 2 : i32
    %swap3A_2021 = arith.index_cast %swap3A_2020 : i32 to index
    %swap3A_2022 = arith.constant 240 : index
    %swap3A_2023 = tpu.vector_load %arg7[%swap3A_2021, %swap3A_2022] {strides = array<i32>} : memref<16x256xf32, #tpu.memory_space<vmem>>, vector<16xf32>,
    tpu.vector_store %arg7[%swap3A_2021, %swap3A_2022], %gather3A_2019 {strides = array<i32>} : memref<16x256xf32, #tpu.memory_space<vmem>>, vector<16xf32>,
    %add3A_2024 = arith.constant 3 : i32
    %add3A_2025 = vector.broadcast %add3A_2024 : i32 to vector<16xi32>
    %add3A_2026 = arith.addi %mul3A_1999, %add3A_2025 : vector<16xi32>
    %gather3A_2027 = tpu.vector_load_idx %arg5[%add3A_2026] : memref<512xf32, #tpu.memory_space<vmem>>[vector<16xi32>], vector<16xf32>,
    %swap3A_2028 = arith.constant 3 : i32
    %swap3A_2029 = arith.index_cast %swap3A_2028 : i32 to index
    %swap3A_2030 = arith.constant 240 : index
    %swap3A_2031 = tpu.vector_load %arg7[%swap3A_2029, %swap3A_2030] {strides = array<i32>} : memref<16x256xf32, #tpu.memory_space<vmem>>, vector<16xf32>,
    tpu.vector_store %arg7[%swap3A_2029, %swap3A_2030], %gather3A_2027 {strides = array<i32>} : memref<16x256xf32, #tpu.memory_space<vmem>>, vector<16xf32>,
    %add3A_2032 = arith.constant 4 : i32
    %add3A_2033 = vector.broadcast %add3A_2032 : i32 to vector<16xi32>
    %add3A_2034 = arith.addi %mul3A_1999, %add3A_2033 : vector<16xi32>
    %gather3A_2035 = tpu.vector_load_idx %arg5[%add3A_2034] : memref<512xf32, #tpu.memory_space<vmem>>[vector<16xi32>], vector<16xf32>,
    %swap3A_2036 = arith.constant 4 : i32
    %swap3A_2037 = arith.index_cast %swap3A_2036 : i32 to index
    %swap3A_2038 = arith.constant 240 : index
    %swap3A_2039 = tpu.vector_load %arg7[%swap3A_2037, %swap3A_2038] {strides = array<i32>} : memref<16x256xf32, #tpu.memory_space<vmem>>, vector<16xf32>,
    tpu.vector_store %arg7[%swap3A_2037, %swap3A_2038], %gather3A_2035 {strides = array<i32>} : memref<16x256xf32, #tpu.memory_space<vmem>>, vector<16xf32>,
    %add3A_2040 = arith.constant 5 : i32
    %add3A_2041 = vector.broadcast %add3A_2040 : i32 to vector<16xi32>
    %add3A_2042 = arith.addi %mul3A_1999, %add3A_2041 : vector<16xi32>
    %gather3A_2043 = tpu.vector_load_idx %arg5[%add3A_2042] : memref<512xf32, #tpu.memory_space<vmem>>[vector<16xi32>], vector<16xf32>,
    %swap3A_2044 = arith.constant 5 : i32
    %swap3A_2045 = arith.index_cast %swap3A_2044 : i32 to index
    %swap3A_2046 = arith.constant 240 : index
    %swap3A_2047 = tpu.vector_load %arg7[%swap3A_2045, %swap3A_2046] {strides = array<i32>} : memref<16x256xf32, #tpu.memory_space<vmem>>, vector<16xf32>,
    tpu.vector_store %arg7[%swap3A_2045, %swap3A_2046], %gather3A_2043 {strides = array<i32>} : memref<16x256xf32, #tpu.memory_space<vmem>>, vector<16xf32>,
    %add3A_2048 = arith.constant 6 : i32
    %add3A_2049 = vector.broadcast %add3A_2048 : i32 to vector<16xi32>
    %add3A_2050 = arith.addi %mul3A_1999, %add3A_2049 : vector<16xi32>
    %gather3A_2051 = tpu.vector_load_idx %arg5[%add3A_2050] : memref<512xf32, #tpu.memory_space<vmem>>[vector<16xi32>], vector<16xf32>,
    %swap3A_2052 = arith.constant 6 : i32
    %swap3A_2053 = arith.index_cast %swap3A_2052 : i32 to index
    %swap3A_2054 = arith.constant 240 : index
    %swap3A_2055 = tpu.vector_load %arg7[%swap3A_2053, %swap3A_2054] {strides = array<i32>} : memref<16x256xf32, #tpu.memory_space<vmem>>, vector<16xf32>,
    tpu.vector_store %arg7[%swap3A_2053, %swap3A_2054], %gather3A_2051 {strides = array<i32>} : memref<16x256xf32, #tpu.memory_space<vmem>>, vector<16xf32>,
    %add3A_2056 = arith.constant 7 : i32
    %add3A_2057 = vector.broadcast %add3A_2056 : i32 to vector<16xi32>
    %add3A_2058 = arith.addi %mul3A_1999, %add3A_2057 : vector<16xi32>
    %gather3A_2059 = tpu.vector_load_idx %arg5[%add3A_2058] : memref<512xf32, #tpu.memory_space<vmem>>[vector<16xi32>], vector<16xf32>,
    %swap3A_2060 = arith.constant 7 : i32
    %swap3A_2061 = arith.index_cast %swap3A_2060 : i32 to index
    %swap3A_2062 = arith.constant 240 : index
    %swap3A_2063 = tpu.vector_load %arg7[%swap3A_2061, %swap3A_2062] {strides = array<i32>} : memref<16x256xf32, #tpu.memory_space<vmem>>, vector<16xf32>,
    tpu.vector_store %arg7[%swap3A_2061, %swap3A_2062], %gather3A_2059 {strides = array<i32>} : memref<16x256xf32, #tpu.memory_space<vmem>>, vector<16xf32>,
    %add3A_2064 = arith.constant 8 : i32
    %add3A_2065 = vector.broadcast %add3A_2064 : i32 to vector<16xi32>
    %add3A_2066 = arith.addi %mul3A_1999, %add3A_2065 : vector<16xi32>
    %gather3A_2067 = tpu.vector_load_idx %arg5[%add3A_2066] : memref<512xf32, #tpu.memory_space<vmem>>[vector<16xi32>], vector<16xf32>,
    %swap3A_2068 = arith.constant 8 : i32
    %swap3A_2069 = arith.index_cast %swap3A_2068 : i32 to index
    %swap3A_2070 = arith.constant 240 : index
    %swap3A_2071 = tpu.vector_load %arg7[%swap3A_2069, %swap3A_2070] {strides = array<i32>} : memref<16x256xf32, #tpu.memory_space<vmem>>, vector<16xf32>,
    tpu.vector_store %arg7[%swap3A_2069, %swap3A_2070], %gather3A_2067 {strides = array<i32>} : memref<16x256xf32, #tpu.memory_space<vmem>>, vector<16xf32>,
    %add3A_2072 = arith.constant 9 : i32
    %add3A_2073 = vector.broadcast %add3A_2072 : i32 to vector<16xi32>
    %add3A_2074 = arith.addi %mul3A_1999, %add3A_2073 : vector<16xi32>
    %gather3A_2075 = tpu.vector_load_idx %arg5[%add3A_2074] : memref<512xf32, #tpu.memory_space<vmem>>[vector<16xi32>], vector<16xf32>,
    %swap3A_2076 = arith.constant 9 : i32
    %swap3A_2077 = arith.index_cast %swap3A_2076 : i32 to index
    %swap3A_2078 = arith.constant 240 : index
    %swap3A_2079 = tpu.vector_load %arg7[%swap3A_2077, %swap3A_2078] {strides = array<i32>} : memref<16x256xf32, #tpu.memory_space<vmem>>, vector<16xf32>,
    tpu.vector_store %arg7[%swap3A_2077, %swap3A_2078], %gather3A_2075 {strides = array<i32>} : memref<16x256xf32, #tpu.memory_space<vmem>>, vector<16xf32>,
    %add3A_2080 = arith.constant 10 : i32
    %add3A_2081 = vector.broadcast %add3A_2080 : i32 to vector<16xi32>
    %add3A_2082 = arith.addi %mul3A_1999, %add3A_2081 : vector<16xi32>
    %gather3A_2083 = tpu.vector_load_idx %arg5[%add3A_2082] : memref<512xf32, #tpu.memory_space<vmem>>[vector<16xi32>], vector<16xf32>,
    %swap3A_2084 = arith.constant 10 : i32
    %swap3A_2085 = arith.index_cast %swap3A_2084 : i32 to index
    %swap3A_2086 = arith.constant 240 : index
    %swap3A_2087 = tpu.vector_load %arg7[%swap3A_2085, %swap3A_2086] {strides = array<i32>} : memref<16x256xf32, #tpu.memory_space<vmem>>, vector<16xf32>,
    tpu.vector_store %arg7[%swap3A_2085, %swap3A_2086], %gather3A_2083 {strides = array<i32>} : memref<16x256xf32, #tpu.memory_space<vmem>>, vector<16xf32>,
    %add3A_2088 = arith.constant 11 : i32
    %add3A_2089 = vector.broadcast %add3A_2088 : i32 to vector<16xi32>
    %add3A_2090 = arith.addi %mul3A_1999, %add3A_2089 : vector<16xi32>
    %gather3A_2091 = tpu.vector_load_idx %arg5[%add3A_2090] : memref<512xf32, #tpu.memory_space<vmem>>[vector<16xi32>], vector<16xf32>,
    %swap3A_2092 = arith.constant 11 : i32
    %swap3A_2093 = arith.index_cast %swap3A_2092 : i32 to index
    %swap3A_2094 = arith.constant 240 : index
    %swap3A_2095 = tpu.vector_load %arg7[%swap3A_2093, %swap3A_2094] {strides = array<i32>} : memref<16x256xf32, #tpu.memory_space<vmem>>, vector<16xf32>,
    tpu.vector_store %arg7[%swap3A_2093, %swap3A_2094], %gather3A_2091 {strides = array<i32>} : memref<16x256xf32, #tpu.memory_space<vmem>>, vector<16xf32>,
    %add3A_2096 = arith.constant 12 : i32
    %add3A_2097 = vector.broadcast %add3A_2096 : i32 to vector<16xi32>
    %add3A_2098 = arith.addi %mul3A_1999, %add3A_2097 : vector<16xi32>
    %gather3A_2099 = tpu.vector_load_idx %arg5[%add3A_2098] : memref<512xf32, #tpu.memory_space<vmem>>[vector<16xi32>], vector<16xf32>,
    %swap3A_2100 = arith.constant 12 : i32
    %swap3A_2101 = arith.index_cast %swap3A_2100 : i32 to index
    %swap3A_2102 = arith.constant 240 : index
    %swap3A_2103 = tpu.vector_load %arg7[%swap3A_2101, %swap3A_2102] {strides = array<i32>} : memref<16x256xf32, #tpu.memory_space<vmem>>, vector<16xf32>,
    tpu.vector_store %arg7[%swap3A_2101, %swap3A_2102], %gather3A_2099 {strides = array<i32>} : memref<16x256xf32, #tpu.memory_space<vmem>>, vector<16xf32>,
    %add3A_2104 = arith.constant 13 : i32
    %add3A_2105 = vector.broadcast %add3A_2104 : i32 to vector<16xi32>
    %add3A_2106 = arith.addi %mul3A_1999, %add3A_2105 : vector<16xi32>
    %gather3A_2107 = tpu.vector_load_idx %arg5[%add3A_2106] : memref<512xf32, #tpu.memory_space<vmem>>[vector<16xi32>], vector<16xf32>,
    %swap3A_2108 = arith.constant 13 : i32
    %swap3A_2109 = arith.index_cast %swap3A_2108 : i32 to index
    %swap3A_2110 = arith.constant 240 : index
    %swap3A_2111 = tpu.vector_load %arg7[%swap3A_2109, %swap3A_2110] {strides = array<i32>} : memref<16x256xf32, #tpu.memory_space<vmem>>, vector<16xf32>,
    tpu.vector_store %arg7[%swap3A_2109, %swap3A_2110], %gather3A_2107 {strides = array<i32>} : memref<16x256xf32, #tpu.memory_space<vmem>>, vector<16xf32>,
    %add3A_2112 = arith.constant 14 : i32
    %add3A_2113 = vector.broadcast %add3A_2112 : i32 to vector<16xi32>
    %add3A_2114 = arith.addi %mul3A_1999, %add3A_2113 : vector<16xi32>
    %gather3A_2115 = tpu.vector_load_idx %arg5[%add3A_2114] : memref<512xf32, #tpu.memory_space<vmem>>[vector<16xi32>], vector<16xf32>,
    %swap3A_2116 = arith.constant 14 : i32
    %swap3A_2117 = arith.index_cast %swap3A_2116 : i32 to index
    %swap3A_2118 = arith.constant 240 : index
    %swap3A_2119 = tpu.vector_load %arg7[%swap3A_2117, %swap3A_2118] {strides = array<i32>} : memref<16x256xf32, #tpu.memory_space<vmem>>, vector<16xf32>,
    tpu.vector_store %arg7[%swap3A_2117, %swap3A_2118], %gather3A_2115 {strides = array<i32>} : memref<16x256xf32, #tpu.memory_space<vmem>>, vector<16xf32>,
    %add3A_2120 = arith.constant 15 : i32
    %add3A_2121 = vector.broadcast %add3A_2120 : i32 to vector<16xi32>
    %add3A_2122 = arith.addi %mul3A_1999, %add3A_2121 : vector<16xi32>
    %gather3A_2123 = tpu.vector_load_idx %arg5[%add3A_2122] : memref<512xf32, #tpu.memory_space<vmem>>[vector<16xi32>], vector<16xf32>,
    %swap3A_2124 = arith.constant 15 : i32
    %swap3A_2125 = arith.index_cast %swap3A_2124 : i32 to index
    %swap3A_2126 = arith.constant 240 : index
    %swap3A_2127 = tpu.vector_load %arg7[%swap3A_2125, %swap3A_2126] {strides = array<i32>} : memref<16x256xf32, #tpu.memory_space<vmem>>, vector<16xf32>,
    tpu.vector_store %arg7[%swap3A_2125, %swap3A_2126], %gather3A_2123 {strides = array<i32>} : memref<16x256xf32, #tpu.memory_space<vmem>>, vector<16xf32>,
    "tpu.region"() ({
      %run_scoped3A = tpu.sem_alloc : memref<!tpu.dma_semaphore, #tpu.memory_space<semaphore_mem>>
      %dma_start3A = arith.constant 0 : i32
      %dma_start3A_2128 = tpu.memref_slice %arg4[%dma_start3A, %mul3A_2] : memref<16x8192xf32, #tpu.memory_space<hbm>> -> memref<16x256xf32, #tpu.memory_space<hbm>>
      %dma_start3A_2129 = arith.constant 0 : i32
      %dma_start3A_2130 = tpu.memref_slice %arg4[%dma_start3A_2129, %mul3A_2] : memref<16x8192xf32, #tpu.memory_space<hbm>> -> memref<16x256xf32, #tpu.memory_space<hbm>>
      tpu.enqueue_dma source(%arg7 : memref<16x256xf32, #tpu.memory_space<vmem>>) target(%dma_start3A_2130 : memref<16x256xf32, #tpu.memory_space<hbm>>) target_semaphore(%run_scoped3A : memref<!tpu.dma_semaphore, #tpu.memory_space<semaphore_mem>>)
      %dma_wait3A = arith.constant 0 : i32
      %dma_wait3A_2131 = tpu.memref_slice %arg4[%dma_wait3A, %mul3A_2] : memref<16x8192xf32, #tpu.memory_space<hbm>> -> memref<16x256xf32, #tpu.memory_space<hbm>>
      %dma_wait3A_2132 = arith.constant 0 : i32
      %dma_wait3A_2133 = tpu.memref_slice %arg4[%dma_wait3A_2132, %mul3A_2] : memref<16x8192xf32, #tpu.memory_space<hbm>> -> memref<16x256xf32, #tpu.memory_space<hbm>>
      tpu.wait_dma2 semaphore(%run_scoped3A : memref<!tpu.dma_semaphore, #tpu.memory_space<semaphore_mem>>) src(%arg7 : memref<16x256xf32, #tpu.memory_space<vmem>>) dst(%dma_wait3A_2133 : memref<16x256xf32, #tpu.memory_space<hbm>>)
      tpu.yield
    }) : () -> ()
    return
  }
}

module attributes {stable_mosaic.version = 14 : i64} {
  func.func @_bucket_kernel(%arg0: i32, %arg1: memref<1xi32, #tpu.memory_space<smem>>, %arg2: memref<1x8192xi32, #tpu.memory_space<vmem>>) attributes {dimension_semantics = [#tpu.dimension_semantics<arbitrary>], iteration_bounds = array<i64: 1>, scalar_prefetch = 1 : i64, scratch_operands = 0 : i64, tpu.core_type = #tpu.core_type<tc>, window_params = [{pipeline_mode = #tpu.pipeline_mode<synchronous>, transform_indices = @transform_0, window_bounds = array<i64: 1, 8192>}]} {
    %get3A = arith.constant 0 : index
    %get3A_0 = memref.load %arg1[%get3A] : memref<1xi32, #tpu.memory_space<smem>>
    %iota3A = tpu.iota {dimensions = array<i32: 1>} : vector<1x8192xi32>
    %sub3A = arith.constant 4095 : i32
    %sub3A_1 = vector.broadcast %sub3A : i32 to vector<1x8192xi32>
    %sub3A_2 = arith.subi %iota3A, %sub3A_1 : vector<1x8192xi32>
    %add3A = vector.broadcast %get3A_0 : i32 to vector<1x8192xi32>
    %add3A_3 = arith.addi %sub3A_2, %add3A : vector<1x8192xi32>
    %neg3A = arith.constant 0 : i32
    %neg3A_4 = vector.broadcast %neg3A : i32 to vector<1x8192xi32>
    %neg3A_5 = arith.subi %neg3A_4, %add3A_3 : vector<1x8192xi32>
    %lt3A = arith.constant 0 : i32
    %lt3A_6 = vector.broadcast %lt3A : i32 to vector<1x8192xi32>
    %lt3A_7 = arith.cmpi slt, %neg3A_5, %lt3A_6 : vector<1x8192xi32>
    %jit3A = arith.constant 16 : i32
    %jit3A_8 = arith.constant 0 : i32
    %broadcast_in_dim3A = vector.broadcast %jit3A : i32 to vector<1x8192xi32>
    %broadcast_in_dim3A_9 = vector.broadcast %jit3A_8 : i32 to vector<1x8192xi32>
    %select_n3A = arith.select %lt3A_7, %broadcast_in_dim3A, %broadcast_in_dim3A_9 : vector<1x8192xi1>, vector<1x8192xi32>
    %abs3A = math.absi %neg3A_5 : vector<1x8192xi32>
    %convert_element_type3A = arith.sitofp %abs3A : vector<1x8192xi32> to vector<1x8192xf32>
    %div3A = arith.constant 8.000000e+00 : f32
    %div3A_10 = vector.broadcast %div3A : f32 to vector<1x8192xf32>
    %div3A_11 = arith.divf %convert_element_type3A, %div3A_10 : vector<1x8192xf32>
    %add3A_12 = arith.constant 1.000000e-10 : f32
    %add3A_13 = vector.broadcast %add3A_12 : f32 to vector<1x8192xf32>
    %add3A_14 = arith.addf %div3A_11, %add3A_13 : vector<1x8192xf32>
    %log3A = math.log %add3A_14 : vector<1x8192xf32>
    %mul3A = arith.constant 2.885390e+00 : f32
    %mul3A_15 = vector.broadcast %mul3A : f32 to vector<1x8192xf32>
    %mul3A_16 = arith.mulf %log3A, %mul3A_15 : vector<1x8192xf32>
    %convert_element_type3A_17 = arith.fptosi %mul3A_16 : vector<1x8192xf32> to vector<1x8192xi32>
    %lt3A_18 = arith.constant 8 : i32
    %lt3A_19 = vector.broadcast %lt3A_18 : i32 to vector<1x8192xi32>
    %lt3A_20 = arith.cmpi slt, %abs3A, %lt3A_19 : vector<1x8192xi32>
    %add3A_21 = arith.constant 8 : i32
    %add3A_22 = vector.broadcast %add3A_21 : i32 to vector<1x8192xi32>
    %add3A_23 = arith.addi %add3A_22, %convert_element_type3A_17 : vector<1x8192xi32>
    %select_n3A_24 = arith.select %lt3A_20, %abs3A, %add3A_23 : vector<1x8192xi1>, vector<1x8192xi32>
    %jit3A_25 = arith.constant 0 : i32
    %jit3A_26 = arith.constant 15 : i32
    %max3A = vector.broadcast %jit3A_25 : i32 to vector<1x8192xi32>
    %max3A_27 = arith.maxsi %max3A, %select_n3A_24 : vector<1x8192xi32>
    %min3A = vector.broadcast %jit3A_26 : i32 to vector<1x8192xi32>
    %min3A_28 = arith.minsi %min3A, %max3A_27 : vector<1x8192xi32>
    %add3A_29 = arith.addi %min3A_28, %select_n3A : vector<1x8192xi32>
    %swap3A = arith.constant 0 : index
    %swap3A_30 = arith.constant 0 : index
    %swap3A_31 = vector.load %arg2[%swap3A, %swap3A_30] : memref<1x8192xi32, #tpu.memory_space<vmem>>, vector<1x8192xi32>
    tpu.vector_store %arg2[%swap3A, %swap3A_30], %add3A_29 {strides = array<i32>} : memref<1x8192xi32, #tpu.memory_space<vmem>>, vector<1x8192xi32>,
    return
  }
  func.func @transform_0(%arg0: i32, %arg1: memref<1xi32, #tpu.memory_space<smem>>) -> (i32, i32) {
    %c0_i32 = arith.constant 0 : i32
    %c0_i32_0 = arith.constant 0 : i32
    %c0_i32_1 = arith.constant 0 : i32
    return %c0_i32, %c0_i32_0 : i32, i32
  }
}

module attributes {stable_mosaic.version = 14 : i64} {
  func.func @_expand_kernel(%arg0: i32, %arg1: memref<1xi32, #tpu.memory_space<smem>>, %arg2: memref<16x8192xf32, #tpu.memory_space<vmem>>, %arg3: memref<16x32x4096xf32, #tpu.memory_space<vmem>>, %arg4: memref<16x640xf32, #tpu.memory_space<vmem>>) attributes {dimension_semantics = [#tpu.dimension_semantics<arbitrary>], iteration_bounds = array<i64: 128>, scalar_prefetch = 1 : i64, scratch_operands = 1 : i64, tpu.core_type = #tpu.core_type<tc>, window_params = [{pipeline_mode = #tpu.pipeline_mode<synchronous>, transform_indices = @transform_0, window_bounds = array<i64: 16, 8192>}, {transform_indices = @transform_1, window_bounds = array<i64: 16, 32, 4096>}]} {
    %get3A = arith.constant 0 : index
    %get3A_0 = memref.load %arg1[%get3A] : memref<1xi32, #tpu.memory_space<smem>>
    %mul3A = arith.constant 32 : i32
    %mul3A_1 = arith.muli %arg0, %mul3A : i32
    %sub3A = arith.constant 91 : i32
    %sub3A_2 = arith.subi %mul3A_1, %sub3A : i32
    %sub3A_3 = arith.subi %sub3A_2, %get3A_0 : i32
    %shift_right_arithmetic3A = arith.constant 7 : i32
    %shift_right_arithmetic3A_4 = arith.shrsi %sub3A_3, %shift_right_arithmetic3A : i32
    %shift_left3A = arith.constant 7 : i32
    %shift_left3A_5 = arith.shli %shift_right_arithmetic3A_4, %shift_left3A : i32
    %jit3A = arith.constant 0 : i32
    %jit3A_6 = arith.constant 3712 : i32
    %max3A = arith.maxsi %jit3A, %shift_left3A_5 : i32
    %min3A = arith.minsi %jit3A_6, %max3A : i32
    %multiple_of3A = tpu.assume_multiple %min3A, 128 : i32
    %add3A = arith.constant 1 : i32
    %add3A_7 = arith.addi %arg0, %add3A : i32
    %mul3A_8 = arith.constant 32 : i32
    %mul3A_9 = arith.muli %add3A_7, %mul3A_8 : i32
    %sub3A_10 = arith.constant 4096 : i32
    %sub3A_11 = arith.subi %sub3A_10, %mul3A_9 : i32
    %add3A_12 = arith.addi %sub3A_11, %multiple_of3A : i32
    %shift_right_arithmetic3A_13 = arith.constant 7 : i32
    %shift_right_arithmetic3A_14 = arith.shrsi %add3A_12, %shift_right_arithmetic3A_13 : i32
    %shift_left3A_15 = arith.constant 7 : i32
    %shift_left3A_16 = arith.shli %shift_right_arithmetic3A_14, %shift_left3A_15 : i32
    %jit3A_17 = arith.constant 0 : i32
    %jit3A_18 = arith.constant 7552 : i32
    %max3A_19 = arith.maxsi %jit3A_17, %shift_left3A_16 : i32
    %min3A_20 = arith.minsi %jit3A_18, %max3A_19 : i32
    %multiple_of3A_21 = tpu.assume_multiple %min3A_20, 128 : i32
    %get3A_22 = arith.constant 0 : index
    %get3A_23 = arith.index_cast %multiple_of3A_21 : i32 to index
    %get3A_24 = vector.load %arg2[%get3A_22, %get3A_23] : memref<16x8192xf32, #tpu.memory_space<vmem>>, vector<16x640xf32>
    %sub3A_25 = arith.subi %multiple_of3A_21, %add3A_12 : i32
    %add3A_26 = arith.constant 640 : i32
    %add3A_27 = arith.addi %sub3A_25, %add3A_26 : i32
    %roll3A = tpu.dynamic_rotate %get3A_24 by %add3A_27 dim 1 : vector<16x640xf32>, i32 -> vector<16x640xf32>
    %swap3A = arith.constant 0 : index
    %swap3A_28 = arith.constant 0 : index
    %swap3A_29 = vector.load %arg4[%swap3A, %swap3A_28] : memref<16x640xf32, #tpu.memory_space<vmem>>, vector<16x640xf32>
    tpu.vector_store %arg4[%swap3A, %swap3A_28], %roll3A {strides = array<i32>} : memref<16x640xf32, #tpu.memory_space<vmem>>, vector<16x640xf32>,
    %get3A_30 = arith.constant 0 : index
    %get3A_31 = arith.constant 0 : index
    %get3A_32 = vector.load %arg2[%get3A_30, %get3A_31] : memref<16x8192xf32, #tpu.memory_space<vmem>>, vector<16x1xf32>
    %broadcast_in_dim3A = vector.shape_cast %get3A_32 : vector<16x1xf32> to vector<16x1xf32>
    %broadcast_in_dim3A_33 = vector.broadcast %broadcast_in_dim3A : vector<16x1xf32> to vector<16x4096xf32>
    %get3A_34 = arith.constant 0 : index
    %get3A_35 = arith.constant 8191 : index
    %get3A_36 = vector.load %arg2[%get3A_34, %get3A_35] : memref<16x8192xf32, #tpu.memory_space<vmem>>, vector<16x1xf32>
    %broadcast_in_dim3A_37 = vector.shape_cast %get3A_36 : vector<16x1xf32> to vector<16x1xf32>
    %broadcast_in_dim3A_38 = vector.broadcast %broadcast_in_dim3A_37 : vector<16x1xf32> to vector<16x4096xf32>
    %iota3A = tpu.iota {dimensions = array<i32: 1>} : vector<16x4096xi32>
    %le3A = vector.broadcast %sub3A_3 : i32 to vector<16x4096xi32>
    %le3A_39 = arith.cmpi sle, %iota3A, %le3A : vector<16x4096xi32>
    %select_n3A = arith.select %le3A_39, %broadcast_in_dim3A_33, %broadcast_in_dim3A_38 : vector<16x4096xi1>, vector<16x4096xf32>
    %broadcast_in_dim3A_40 = vector.shape_cast %select_n3A : vector<16x4096xf32> to vector<16x1x4096xf32>
    %broadcast_in_dim3A_41 = vector.shape_cast %broadcast_in_dim3A_40 : vector<16x1x4096xf32> to vector<16x1x4096xf32>
    %broadcast_in_dim3A_42 = vector.broadcast %broadcast_in_dim3A_41 : vector<16x1x4096xf32> to vector<16x32x4096xf32>
    %swap3A_43 = arith.constant 0 : index
    %swap3A_44 = arith.constant 0 : index
    %swap3A_45 = arith.constant 0 : index
    %swap3A_46 = vector.load %arg3[%swap3A_43, %swap3A_44, %swap3A_45] : memref<16x32x4096xf32, #tpu.memory_space<vmem>>, vector<16x32x4096xf32>
    tpu.vector_store %arg3[%swap3A_43, %swap3A_44, %swap3A_45], %broadcast_in_dim3A_42 {strides = array<i32>} : memref<16x32x4096xf32, #tpu.memory_space<vmem>>, vector<16x32x4096xf32>,
    %get3A_47 = arith.constant 0 : index
    %get3A_48 = arith.constant 31 : index
    %get3A_49 = vector.load %arg4[%get3A_47, %get3A_48] : memref<16x640xf32, #tpu.memory_space<vmem>>, vector<16x384xf32>
    %swap3A_50 = arith.constant 0 : index
    %swap3A_51 = arith.constant 0 : index
    %swap3A_52 = arith.index_cast %multiple_of3A : i32 to index
    %swap3A_53 = vector.load %arg3[%swap3A_50, %swap3A_51, %swap3A_52] : memref<16x32x4096xf32, #tpu.memory_space<vmem>>, vector<16x1x384xf32>
    %swap3A_54 = vector.shape_cast %swap3A_53 : vector<16x1x384xf32> to vector<16x384xf32>
    %swap3A_55 = vector.shape_cast %get3A_49 : vector<16x384xf32> to vector<16x1x384xf32>
    tpu.vector_store %arg3[%swap3A_50, %swap3A_51, %swap3A_52], %swap3A_55 {strides = array<i32>} : memref<16x32x4096xf32, #tpu.memory_space<vmem>>, vector<16x1x384xf32>,
    %get3A_56 = arith.constant 0 : index
    %get3A_57 = arith.constant 30 : index
    %get3A_58 = vector.load %arg4[%get3A_56, %get3A_57] : memref<16x640xf32, #tpu.memory_space<vmem>>, vector<16x384xf32>
    %swap3A_59 = arith.constant 0 : index
    %swap3A_60 = arith.constant 1 : index
    %swap3A_61 = arith.index_cast %multiple_of3A : i32 to index
    %swap3A_62 = vector.load %arg3[%swap3A_59, %swap3A_60, %swap3A_61] : memref<16x32x4096xf32, #tpu.memory_space<vmem>>, vector<16x1x384xf32>
    %swap3A_63 = vector.shape_cast %swap3A_62 : vector<16x1x384xf32> to vector<16x384xf32>
    %swap3A_64 = vector.shape_cast %get3A_58 : vector<16x384xf32> to vector<16x1x384xf32>
    tpu.vector_store %arg3[%swap3A_59, %swap3A_60, %swap3A_61], %swap3A_64 {strides = array<i32>} : memref<16x32x4096xf32, #tpu.memory_space<vmem>>, vector<16x1x384xf32>,
    %get3A_65 = arith.constant 0 : index
    %get3A_66 = arith.constant 29 : index
    %get3A_67 = vector.load %arg4[%get3A_65, %get3A_66] : memref<16x640xf32, #tpu.memory_space<vmem>>, vector<16x384xf32>
    %swap3A_68 = arith.constant 0 : index
    %swap3A_69 = arith.constant 2 : index
    %swap3A_70 = arith.index_cast %multiple_of3A : i32 to index
    %swap3A_71 = vector.load %arg3[%swap3A_68, %swap3A_69, %swap3A_70] : memref<16x32x4096xf32, #tpu.memory_space<vmem>>, vector<16x1x384xf32>
    %swap3A_72 = vector.shape_cast %swap3A_71 : vector<16x1x384xf32> to vector<16x384xf32>
    %swap3A_73 = vector.shape_cast %get3A_67 : vector<16x384xf32> to vector<16x1x384xf32>
    tpu.vector_store %arg3[%swap3A_68, %swap3A_69, %swap3A_70], %swap3A_73 {strides = array<i32>} : memref<16x32x4096xf32, #tpu.memory_space<vmem>>, vector<16x1x384xf32>,
    %get3A_74 = arith.constant 0 : index
    %get3A_75 = arith.constant 28 : index
    %get3A_76 = vector.load %arg4[%get3A_74, %get3A_75] : memref<16x640xf32, #tpu.memory_space<vmem>>, vector<16x384xf32>
    %swap3A_77 = arith.constant 0 : index
    %swap3A_78 = arith.constant 3 : index
    %swap3A_79 = arith.index_cast %multiple_of3A : i32 to index
    %swap3A_80 = vector.load %arg3[%swap3A_77, %swap3A_78, %swap3A_79] : memref<16x32x4096xf32, #tpu.memory_space<vmem>>, vector<16x1x384xf32>
    %swap3A_81 = vector.shape_cast %swap3A_80 : vector<16x1x384xf32> to vector<16x384xf32>
    %swap3A_82 = vector.shape_cast %get3A_76 : vector<16x384xf32> to vector<16x1x384xf32>
    tpu.vector_store %arg3[%swap3A_77, %swap3A_78, %swap3A_79], %swap3A_82 {strides = array<i32>} : memref<16x32x4096xf32, #tpu.memory_space<vmem>>, vector<16x1x384xf32>,
    %get3A_83 = arith.constant 0 : index
    %get3A_84 = arith.constant 27 : index
    %get3A_85 = vector.load %arg4[%get3A_83, %get3A_84] : memref<16x640xf32, #tpu.memory_space<vmem>>, vector<16x384xf32>
    %swap3A_86 = arith.constant 0 : index
    %swap3A_87 = arith.constant 4 : index
    %swap3A_88 = arith.index_cast %multiple_of3A : i32 to index
    %swap3A_89 = vector.load %arg3[%swap3A_86, %swap3A_87, %swap3A_88] : memref<16x32x4096xf32, #tpu.memory_space<vmem>>, vector<16x1x384xf32>
    %swap3A_90 = vector.shape_cast %swap3A_89 : vector<16x1x384xf32> to vector<16x384xf32>
    %swap3A_91 = vector.shape_cast %get3A_85 : vector<16x384xf32> to vector<16x1x384xf32>
    tpu.vector_store %arg3[%swap3A_86, %swap3A_87, %swap3A_88], %swap3A_91 {strides = array<i32>} : memref<16x32x4096xf32, #tpu.memory_space<vmem>>, vector<16x1x384xf32>,
    %get3A_92 = arith.constant 0 : index
    %get3A_93 = arith.constant 26 : index
    %get3A_94 = vector.load %arg4[%get3A_92, %get3A_93] : memref<16x640xf32, #tpu.memory_space<vmem>>, vector<16x384xf32>
    %swap3A_95 = arith.constant 0 : index
    %swap3A_96 = arith.constant 5 : index
    %swap3A_97 = arith.index_cast %multiple_of3A : i32 to index
    %swap3A_98 = vector.load %arg3[%swap3A_95, %swap3A_96, %swap3A_97] : memref<16x32x4096xf32, #tpu.memory_space<vmem>>, vector<16x1x384xf32>
    %swap3A_99 = vector.shape_cast %swap3A_98 : vector<16x1x384xf32> to vector<16x384xf32>
    %swap3A_100 = vector.shape_cast %get3A_94 : vector<16x384xf32> to vector<16x1x384xf32>
    tpu.vector_store %arg3[%swap3A_95, %swap3A_96, %swap3A_97], %swap3A_100 {strides = array<i32>} : memref<16x32x4096xf32, #tpu.memory_space<vmem>>, vector<16x1x384xf32>,
    %get3A_101 = arith.constant 0 : index
    %get3A_102 = arith.constant 25 : index
    %get3A_103 = vector.load %arg4[%get3A_101, %get3A_102] : memref<16x640xf32, #tpu.memory_space<vmem>>, vector<16x384xf32>
    %swap3A_104 = arith.constant 0 : index
    %swap3A_105 = arith.constant 6 : index
    %swap3A_106 = arith.index_cast %multiple_of3A : i32 to index
    %swap3A_107 = vector.load %arg3[%swap3A_104, %swap3A_105, %swap3A_106] : memref<16x32x4096xf32, #tpu.memory_space<vmem>>, vector<16x1x384xf32>
    %swap3A_108 = vector.shape_cast %swap3A_107 : vector<16x1x384xf32> to vector<16x384xf32>
    %swap3A_109 = vector.shape_cast %get3A_103 : vector<16x384xf32> to vector<16x1x384xf32>
    tpu.vector_store %arg3[%swap3A_104, %swap3A_105, %swap3A_106], %swap3A_109 {strides = array<i32>} : memref<16x32x4096xf32, #tpu.memory_space<vmem>>, vector<16x1x384xf32>,
    %get3A_110 = arith.constant 0 : index
    %get3A_111 = arith.constant 24 : index
    %get3A_112 = vector.load %arg4[%get3A_110, %get3A_111] : memref<16x640xf32, #tpu.memory_space<vmem>>, vector<16x384xf32>
    %swap3A_113 = arith.constant 0 : index
    %swap3A_114 = arith.constant 7 : index
    %swap3A_115 = arith.index_cast %multiple_of3A : i32 to index
    %swap3A_116 = vector.load %arg3[%swap3A_113, %swap3A_114, %swap3A_115] : memref<16x32x4096xf32, #tpu.memory_space<vmem>>, vector<16x1x384xf32>
    %swap3A_117 = vector.shape_cast %swap3A_116 : vector<16x1x384xf32> to vector<16x384xf32>
    %swap3A_118 = vector.shape_cast %get3A_112 : vector<16x384xf32> to vector<16x1x384xf32>
    tpu.vector_store %arg3[%swap3A_113, %swap3A_114, %swap3A_115], %swap3A_118 {strides = array<i32>} : memref<16x32x4096xf32, #tpu.memory_space<vmem>>, vector<16x1x384xf32>,
    %get3A_119 = arith.constant 0 : index
    %get3A_120 = arith.constant 23 : index
    %get3A_121 = vector.load %arg4[%get3A_119, %get3A_120] : memref<16x640xf32, #tpu.memory_space<vmem>>, vector<16x384xf32>
    %swap3A_122 = arith.constant 0 : index
    %swap3A_123 = arith.constant 8 : index
    %swap3A_124 = arith.index_cast %multiple_of3A : i32 to index
    %swap3A_125 = vector.load %arg3[%swap3A_122, %swap3A_123, %swap3A_124] : memref<16x32x4096xf32, #tpu.memory_space<vmem>>, vector<16x1x384xf32>
    %swap3A_126 = vector.shape_cast %swap3A_125 : vector<16x1x384xf32> to vector<16x384xf32>
    %swap3A_127 = vector.shape_cast %get3A_121 : vector<16x384xf32> to vector<16x1x384xf32>
    tpu.vector_store %arg3[%swap3A_122, %swap3A_123, %swap3A_124], %swap3A_127 {strides = array<i32>} : memref<16x32x4096xf32, #tpu.memory_space<vmem>>, vector<16x1x384xf32>,
    %get3A_128 = arith.constant 0 : index
    %get3A_129 = arith.constant 22 : index
    %get3A_130 = vector.load %arg4[%get3A_128, %get3A_129] : memref<16x640xf32, #tpu.memory_space<vmem>>, vector<16x384xf32>
    %swap3A_131 = arith.constant 0 : index
    %swap3A_132 = arith.constant 9 : index
    %swap3A_133 = arith.index_cast %multiple_of3A : i32 to index
    %swap3A_134 = vector.load %arg3[%swap3A_131, %swap3A_132, %swap3A_133] : memref<16x32x4096xf32, #tpu.memory_space<vmem>>, vector<16x1x384xf32>
    %swap3A_135 = vector.shape_cast %swap3A_134 : vector<16x1x384xf32> to vector<16x384xf32>
    %swap3A_136 = vector.shape_cast %get3A_130 : vector<16x384xf32> to vector<16x1x384xf32>
    tpu.vector_store %arg3[%swap3A_131, %swap3A_132, %swap3A_133], %swap3A_136 {strides = array<i32>} : memref<16x32x4096xf32, #tpu.memory_space<vmem>>, vector<16x1x384xf32>,
    %get3A_137 = arith.constant 0 : index
    %get3A_138 = arith.constant 21 : index
    %get3A_139 = vector.load %arg4[%get3A_137, %get3A_138] : memref<16x640xf32, #tpu.memory_space<vmem>>, vector<16x384xf32>
    %swap3A_140 = arith.constant 0 : index
    %swap3A_141 = arith.constant 10 : index
    %swap3A_142 = arith.index_cast %multiple_of3A : i32 to index
    %swap3A_143 = vector.load %arg3[%swap3A_140, %swap3A_141, %swap3A_142] : memref<16x32x4096xf32, #tpu.memory_space<vmem>>, vector<16x1x384xf32>
    %swap3A_144 = vector.shape_cast %swap3A_143 : vector<16x1x384xf32> to vector<16x384xf32>
    %swap3A_145 = vector.shape_cast %get3A_139 : vector<16x384xf32> to vector<16x1x384xf32>
    tpu.vector_store %arg3[%swap3A_140, %swap3A_141, %swap3A_142], %swap3A_145 {strides = array<i32>} : memref<16x32x4096xf32, #tpu.memory_space<vmem>>, vector<16x1x384xf32>,
    %get3A_146 = arith.constant 0 : index
    %get3A_147 = arith.constant 20 : index
    %get3A_148 = vector.load %arg4[%get3A_146, %get3A_147] : memref<16x640xf32, #tpu.memory_space<vmem>>, vector<16x384xf32>
    %swap3A_149 = arith.constant 0 : index
    %swap3A_150 = arith.constant 11 : index
    %swap3A_151 = arith.index_cast %multiple_of3A : i32 to index
    %swap3A_152 = vector.load %arg3[%swap3A_149, %swap3A_150, %swap3A_151] : memref<16x32x4096xf32, #tpu.memory_space<vmem>>, vector<16x1x384xf32>
    %swap3A_153 = vector.shape_cast %swap3A_152 : vector<16x1x384xf32> to vector<16x384xf32>
    %swap3A_154 = vector.shape_cast %get3A_148 : vector<16x384xf32> to vector<16x1x384xf32>
    tpu.vector_store %arg3[%swap3A_149, %swap3A_150, %swap3A_151], %swap3A_154 {strides = array<i32>} : memref<16x32x4096xf32, #tpu.memory_space<vmem>>, vector<16x1x384xf32>,
    %get3A_155 = arith.constant 0 : index
    %get3A_156 = arith.constant 19 : index
    %get3A_157 = vector.load %arg4[%get3A_155, %get3A_156] : memref<16x640xf32, #tpu.memory_space<vmem>>, vector<16x384xf32>
    %swap3A_158 = arith.constant 0 : index
    %swap3A_159 = arith.constant 12 : index
    %swap3A_160 = arith.index_cast %multiple_of3A : i32 to index
    %swap3A_161 = vector.load %arg3[%swap3A_158, %swap3A_159, %swap3A_160] : memref<16x32x4096xf32, #tpu.memory_space<vmem>>, vector<16x1x384xf32>
    %swap3A_162 = vector.shape_cast %swap3A_161 : vector<16x1x384xf32> to vector<16x384xf32>
    %swap3A_163 = vector.shape_cast %get3A_157 : vector<16x384xf32> to vector<16x1x384xf32>
    tpu.vector_store %arg3[%swap3A_158, %swap3A_159, %swap3A_160], %swap3A_163 {strides = array<i32>} : memref<16x32x4096xf32, #tpu.memory_space<vmem>>, vector<16x1x384xf32>,
    %get3A_164 = arith.constant 0 : index
    %get3A_165 = arith.constant 18 : index
    %get3A_166 = vector.load %arg4[%get3A_164, %get3A_165] : memref<16x640xf32, #tpu.memory_space<vmem>>, vector<16x384xf32>
    %swap3A_167 = arith.constant 0 : index
    %swap3A_168 = arith.constant 13 : index
    %swap3A_169 = arith.index_cast %multiple_of3A : i32 to index
    %swap3A_170 = vector.load %arg3[%swap3A_167, %swap3A_168, %swap3A_169] : memref<16x32x4096xf32, #tpu.memory_space<vmem>>, vector<16x1x384xf32>
    %swap3A_171 = vector.shape_cast %swap3A_170 : vector<16x1x384xf32> to vector<16x384xf32>
    %swap3A_172 = vector.shape_cast %get3A_166 : vector<16x384xf32> to vector<16x1x384xf32>
    tpu.vector_store %arg3[%swap3A_167, %swap3A_168, %swap3A_169], %swap3A_172 {strides = array<i32>} : memref<16x32x4096xf32, #tpu.memory_space<vmem>>, vector<16x1x384xf32>,
    %get3A_173 = arith.constant 0 : index
    %get3A_174 = arith.constant 17 : index
    %get3A_175 = vector.load %arg4[%get3A_173, %get3A_174] : memref<16x640xf32, #tpu.memory_space<vmem>>, vector<16x384xf32>
    %swap3A_176 = arith.constant 0 : index
    %swap3A_177 = arith.constant 14 : index
    %swap3A_178 = arith.index_cast %multiple_of3A : i32 to index
    %swap3A_179 = vector.load %arg3[%swap3A_176, %swap3A_177, %swap3A_178] : memref<16x32x4096xf32, #tpu.memory_space<vmem>>, vector<16x1x384xf32>
    %swap3A_180 = vector.shape_cast %swap3A_179 : vector<16x1x384xf32> to vector<16x384xf32>
    %swap3A_181 = vector.shape_cast %get3A_175 : vector<16x384xf32> to vector<16x1x384xf32>
    tpu.vector_store %arg3[%swap3A_176, %swap3A_177, %swap3A_178], %swap3A_181 {strides = array<i32>} : memref<16x32x4096xf32, #tpu.memory_space<vmem>>, vector<16x1x384xf32>,
    %get3A_182 = arith.constant 0 : index
    %get3A_183 = arith.constant 16 : index
    %get3A_184 = vector.load %arg4[%get3A_182, %get3A_183] : memref<16x640xf32, #tpu.memory_space<vmem>>, vector<16x384xf32>
    %swap3A_185 = arith.constant 0 : index
    %swap3A_186 = arith.constant 15 : index
    %swap3A_187 = arith.index_cast %multiple_of3A : i32 to index
    %swap3A_188 = vector.load %arg3[%swap3A_185, %swap3A_186, %swap3A_187] : memref<16x32x4096xf32, #tpu.memory_space<vmem>>, vector<16x1x384xf32>
    %swap3A_189 = vector.shape_cast %swap3A_188 : vector<16x1x384xf32> to vector<16x384xf32>
    %swap3A_190 = vector.shape_cast %get3A_184 : vector<16x384xf32> to vector<16x1x384xf32>
    tpu.vector_store %arg3[%swap3A_185, %swap3A_186, %swap3A_187], %swap3A_190 {strides = array<i32>} : memref<16x32x4096xf32, #tpu.memory_space<vmem>>, vector<16x1x384xf32>,
    %get3A_191 = arith.constant 0 : index
    %get3A_192 = arith.constant 15 : index
    %get3A_193 = vector.load %arg4[%get3A_191, %get3A_192] : memref<16x640xf32, #tpu.memory_space<vmem>>, vector<16x384xf32>
    %swap3A_194 = arith.constant 0 : index
    %swap3A_195 = arith.constant 16 : index
    %swap3A_196 = arith.index_cast %multiple_of3A : i32 to index
    %swap3A_197 = vector.load %arg3[%swap3A_194, %swap3A_195, %swap3A_196] : memref<16x32x4096xf32, #tpu.memory_space<vmem>>, vector<16x1x384xf32>
    %swap3A_198 = vector.shape_cast %swap3A_197 : vector<16x1x384xf32> to vector<16x384xf32>
    %swap3A_199 = vector.shape_cast %get3A_193 : vector<16x384xf32> to vector<16x1x384xf32>
    tpu.vector_store %arg3[%swap3A_194, %swap3A_195, %swap3A_196], %swap3A_199 {strides = array<i32>} : memref<16x32x4096xf32, #tpu.memory_space<vmem>>, vector<16x1x384xf32>,
    %get3A_200 = arith.constant 0 : index
    %get3A_201 = arith.constant 14 : index
    %get3A_202 = vector.load %arg4[%get3A_200, %get3A_201] : memref<16x640xf32, #tpu.memory_space<vmem>>, vector<16x384xf32>
    %swap3A_203 = arith.constant 0 : index
    %swap3A_204 = arith.constant 17 : index
    %swap3A_205 = arith.index_cast %multiple_of3A : i32 to index
    %swap3A_206 = vector.load %arg3[%swap3A_203, %swap3A_204, %swap3A_205] : memref<16x32x4096xf32, #tpu.memory_space<vmem>>, vector<16x1x384xf32>
    %swap3A_207 = vector.shape_cast %swap3A_206 : vector<16x1x384xf32> to vector<16x384xf32>
    %swap3A_208 = vector.shape_cast %get3A_202 : vector<16x384xf32> to vector<16x1x384xf32>
    tpu.vector_store %arg3[%swap3A_203, %swap3A_204, %swap3A_205], %swap3A_208 {strides = array<i32>} : memref<16x32x4096xf32, #tpu.memory_space<vmem>>, vector<16x1x384xf32>,
    %get3A_209 = arith.constant 0 : index
    %get3A_210 = arith.constant 13 : index
    %get3A_211 = vector.load %arg4[%get3A_209, %get3A_210] : memref<16x640xf32, #tpu.memory_space<vmem>>, vector<16x384xf32>
    %swap3A_212 = arith.constant 0 : index
    %swap3A_213 = arith.constant 18 : index
    %swap3A_214 = arith.index_cast %multiple_of3A : i32 to index
    %swap3A_215 = vector.load %arg3[%swap3A_212, %swap3A_213, %swap3A_214] : memref<16x32x4096xf32, #tpu.memory_space<vmem>>, vector<16x1x384xf32>
    %swap3A_216 = vector.shape_cast %swap3A_215 : vector<16x1x384xf32> to vector<16x384xf32>
    %swap3A_217 = vector.shape_cast %get3A_211 : vector<16x384xf32> to vector<16x1x384xf32>
    tpu.vector_store %arg3[%swap3A_212, %swap3A_213, %swap3A_214], %swap3A_217 {strides = array<i32>} : memref<16x32x4096xf32, #tpu.memory_space<vmem>>, vector<16x1x384xf32>,
    %get3A_218 = arith.constant 0 : index
    %get3A_219 = arith.constant 12 : index
    %get3A_220 = vector.load %arg4[%get3A_218, %get3A_219] : memref<16x640xf32, #tpu.memory_space<vmem>>, vector<16x384xf32>
    %swap3A_221 = arith.constant 0 : index
    %swap3A_222 = arith.constant 19 : index
    %swap3A_223 = arith.index_cast %multiple_of3A : i32 to index
    %swap3A_224 = vector.load %arg3[%swap3A_221, %swap3A_222, %swap3A_223] : memref<16x32x4096xf32, #tpu.memory_space<vmem>>, vector<16x1x384xf32>
    %swap3A_225 = vector.shape_cast %swap3A_224 : vector<16x1x384xf32> to vector<16x384xf32>
    %swap3A_226 = vector.shape_cast %get3A_220 : vector<16x384xf32> to vector<16x1x384xf32>
    tpu.vector_store %arg3[%swap3A_221, %swap3A_222, %swap3A_223], %swap3A_226 {strides = array<i32>} : memref<16x32x4096xf32, #tpu.memory_space<vmem>>, vector<16x1x384xf32>,
    %get3A_227 = arith.constant 0 : index
    %get3A_228 = arith.constant 11 : index
    %get3A_229 = vector.load %arg4[%get3A_227, %get3A_228] : memref<16x640xf32, #tpu.memory_space<vmem>>, vector<16x384xf32>
    %swap3A_230 = arith.constant 0 : index
    %swap3A_231 = arith.constant 20 : index
    %swap3A_232 = arith.index_cast %multiple_of3A : i32 to index
    %swap3A_233 = vector.load %arg3[%swap3A_230, %swap3A_231, %swap3A_232] : memref<16x32x4096xf32, #tpu.memory_space<vmem>>, vector<16x1x384xf32>
    %swap3A_234 = vector.shape_cast %swap3A_233 : vector<16x1x384xf32> to vector<16x384xf32>
    %swap3A_235 = vector.shape_cast %get3A_229 : vector<16x384xf32> to vector<16x1x384xf32>
    tpu.vector_store %arg3[%swap3A_230, %swap3A_231, %swap3A_232], %swap3A_235 {strides = array<i32>} : memref<16x32x4096xf32, #tpu.memory_space<vmem>>, vector<16x1x384xf32>,
    %get3A_236 = arith.constant 0 : index
    %get3A_237 = arith.constant 10 : index
    %get3A_238 = vector.load %arg4[%get3A_236, %get3A_237] : memref<16x640xf32, #tpu.memory_space<vmem>>, vector<16x384xf32>
    %swap3A_239 = arith.constant 0 : index
    %swap3A_240 = arith.constant 21 : index
    %swap3A_241 = arith.index_cast %multiple_of3A : i32 to index
    %swap3A_242 = vector.load %arg3[%swap3A_239, %swap3A_240, %swap3A_241] : memref<16x32x4096xf32, #tpu.memory_space<vmem>>, vector<16x1x384xf32>
    %swap3A_243 = vector.shape_cast %swap3A_242 : vector<16x1x384xf32> to vector<16x384xf32>
    %swap3A_244 = vector.shape_cast %get3A_238 : vector<16x384xf32> to vector<16x1x384xf32>
    tpu.vector_store %arg3[%swap3A_239, %swap3A_240, %swap3A_241], %swap3A_244 {strides = array<i32>} : memref<16x32x4096xf32, #tpu.memory_space<vmem>>, vector<16x1x384xf32>,
    %get3A_245 = arith.constant 0 : index
    %get3A_246 = arith.constant 9 : index
    %get3A_247 = vector.load %arg4[%get3A_245, %get3A_246] : memref<16x640xf32, #tpu.memory_space<vmem>>, vector<16x384xf32>
    %swap3A_248 = arith.constant 0 : index
    %swap3A_249 = arith.constant 22 : index
    %swap3A_250 = arith.index_cast %multiple_of3A : i32 to index
    %swap3A_251 = vector.load %arg3[%swap3A_248, %swap3A_249, %swap3A_250] : memref<16x32x4096xf32, #tpu.memory_space<vmem>>, vector<16x1x384xf32>
    %swap3A_252 = vector.shape_cast %swap3A_251 : vector<16x1x384xf32> to vector<16x384xf32>
    %swap3A_253 = vector.shape_cast %get3A_247 : vector<16x384xf32> to vector<16x1x384xf32>
    tpu.vector_store %arg3[%swap3A_248, %swap3A_249, %swap3A_250], %swap3A_253 {strides = array<i32>} : memref<16x32x4096xf32, #tpu.memory_space<vmem>>, vector<16x1x384xf32>,
    %get3A_254 = arith.constant 0 : index
    %get3A_255 = arith.constant 8 : index
    %get3A_256 = vector.load %arg4[%get3A_254, %get3A_255] : memref<16x640xf32, #tpu.memory_space<vmem>>, vector<16x384xf32>
    %swap3A_257 = arith.constant 0 : index
    %swap3A_258 = arith.constant 23 : index
    %swap3A_259 = arith.index_cast %multiple_of3A : i32 to index
    %swap3A_260 = vector.load %arg3[%swap3A_257, %swap3A_258, %swap3A_259] : memref<16x32x4096xf32, #tpu.memory_space<vmem>>, vector<16x1x384xf32>
    %swap3A_261 = vector.shape_cast %swap3A_260 : vector<16x1x384xf32> to vector<16x384xf32>
    %swap3A_262 = vector.shape_cast %get3A_256 : vector<16x384xf32> to vector<16x1x384xf32>
    tpu.vector_store %arg3[%swap3A_257, %swap3A_258, %swap3A_259], %swap3A_262 {strides = array<i32>} : memref<16x32x4096xf32, #tpu.memory_space<vmem>>, vector<16x1x384xf32>,
    %get3A_263 = arith.constant 0 : index
    %get3A_264 = arith.constant 7 : index
    %get3A_265 = vector.load %arg4[%get3A_263, %get3A_264] : memref<16x640xf32, #tpu.memory_space<vmem>>, vector<16x384xf32>
    %swap3A_266 = arith.constant 0 : index
    %swap3A_267 = arith.constant 24 : index
    %swap3A_268 = arith.index_cast %multiple_of3A : i32 to index
    %swap3A_269 = vector.load %arg3[%swap3A_266, %swap3A_267, %swap3A_268] : memref<16x32x4096xf32, #tpu.memory_space<vmem>>, vector<16x1x384xf32>
    %swap3A_270 = vector.shape_cast %swap3A_269 : vector<16x1x384xf32> to vector<16x384xf32>
    %swap3A_271 = vector.shape_cast %get3A_265 : vector<16x384xf32> to vector<16x1x384xf32>
    tpu.vector_store %arg3[%swap3A_266, %swap3A_267, %swap3A_268], %swap3A_271 {strides = array<i32>} : memref<16x32x4096xf32, #tpu.memory_space<vmem>>, vector<16x1x384xf32>,
    %get3A_272 = arith.constant 0 : index
    %get3A_273 = arith.constant 6 : index
    %get3A_274 = vector.load %arg4[%get3A_272, %get3A_273] : memref<16x640xf32, #tpu.memory_space<vmem>>, vector<16x384xf32>
    %swap3A_275 = arith.constant 0 : index
    %swap3A_276 = arith.constant 25 : index
    %swap3A_277 = arith.index_cast %multiple_of3A : i32 to index
    %swap3A_278 = vector.load %arg3[%swap3A_275, %swap3A_276, %swap3A_277] : memref<16x32x4096xf32, #tpu.memory_space<vmem>>, vector<16x1x384xf32>
    %swap3A_279 = vector.shape_cast %swap3A_278 : vector<16x1x384xf32> to vector<16x384xf32>
    %swap3A_280 = vector.shape_cast %get3A_274 : vector<16x384xf32> to vector<16x1x384xf32>
    tpu.vector_store %arg3[%swap3A_275, %swap3A_276, %swap3A_277], %swap3A_280 {strides = array<i32>} : memref<16x32x4096xf32, #tpu.memory_space<vmem>>, vector<16x1x384xf32>,
    %get3A_281 = arith.constant 0 : index
    %get3A_282 = arith.constant 5 : index
    %get3A_283 = vector.load %arg4[%get3A_281, %get3A_282] : memref<16x640xf32, #tpu.memory_space<vmem>>, vector<16x384xf32>
    %swap3A_284 = arith.constant 0 : index
    %swap3A_285 = arith.constant 26 : index
    %swap3A_286 = arith.index_cast %multiple_of3A : i32 to index
    %swap3A_287 = vector.load %arg3[%swap3A_284, %swap3A_285, %swap3A_286] : memref<16x32x4096xf32, #tpu.memory_space<vmem>>, vector<16x1x384xf32>
    %swap3A_288 = vector.shape_cast %swap3A_287 : vector<16x1x384xf32> to vector<16x384xf32>
    %swap3A_289 = vector.shape_cast %get3A_283 : vector<16x384xf32> to vector<16x1x384xf32>
    tpu.vector_store %arg3[%swap3A_284, %swap3A_285, %swap3A_286], %swap3A_289 {strides = array<i32>} : memref<16x32x4096xf32, #tpu.memory_space<vmem>>, vector<16x1x384xf32>,
    %get3A_290 = arith.constant 0 : index
    %get3A_291 = arith.constant 4 : index
    %get3A_292 = vector.load %arg4[%get3A_290, %get3A_291] : memref<16x640xf32, #tpu.memory_space<vmem>>, vector<16x384xf32>
    %swap3A_293 = arith.constant 0 : index
    %swap3A_294 = arith.constant 27 : index
    %swap3A_295 = arith.index_cast %multiple_of3A : i32 to index
    %swap3A_296 = vector.load %arg3[%swap3A_293, %swap3A_294, %swap3A_295] : memref<16x32x4096xf32, #tpu.memory_space<vmem>>, vector<16x1x384xf32>
    %swap3A_297 = vector.shape_cast %swap3A_296 : vector<16x1x384xf32> to vector<16x384xf32>
    %swap3A_298 = vector.shape_cast %get3A_292 : vector<16x384xf32> to vector<16x1x384xf32>
    tpu.vector_store %arg3[%swap3A_293, %swap3A_294, %swap3A_295], %swap3A_298 {strides = array<i32>} : memref<16x32x4096xf32, #tpu.memory_space<vmem>>, vector<16x1x384xf32>,
    %get3A_299 = arith.constant 0 : index
    %get3A_300 = arith.constant 3 : index
    %get3A_301 = vector.load %arg4[%get3A_299, %get3A_300] : memref<16x640xf32, #tpu.memory_space<vmem>>, vector<16x384xf32>
    %swap3A_302 = arith.constant 0 : index
    %swap3A_303 = arith.constant 28 : index
    %swap3A_304 = arith.index_cast %multiple_of3A : i32 to index
    %swap3A_305 = vector.load %arg3[%swap3A_302, %swap3A_303, %swap3A_304] : memref<16x32x4096xf32, #tpu.memory_space<vmem>>, vector<16x1x384xf32>
    %swap3A_306 = vector.shape_cast %swap3A_305 : vector<16x1x384xf32> to vector<16x384xf32>
    %swap3A_307 = vector.shape_cast %get3A_301 : vector<16x384xf32> to vector<16x1x384xf32>
    tpu.vector_store %arg3[%swap3A_302, %swap3A_303, %swap3A_304], %swap3A_307 {strides = array<i32>} : memref<16x32x4096xf32, #tpu.memory_space<vmem>>, vector<16x1x384xf32>,
    %get3A_308 = arith.constant 0 : index
    %get3A_309 = arith.constant 2 : index
    %get3A_310 = vector.load %arg4[%get3A_308, %get3A_309] : memref<16x640xf32, #tpu.memory_space<vmem>>, vector<16x384xf32>
    %swap3A_311 = arith.constant 0 : index
    %swap3A_312 = arith.constant 29 : index
    %swap3A_313 = arith.index_cast %multiple_of3A : i32 to index
    %swap3A_314 = vector.load %arg3[%swap3A_311, %swap3A_312, %swap3A_313] : memref<16x32x4096xf32, #tpu.memory_space<vmem>>, vector<16x1x384xf32>
    %swap3A_315 = vector.shape_cast %swap3A_314 : vector<16x1x384xf32> to vector<16x384xf32>
    %swap3A_316 = vector.shape_cast %get3A_310 : vector<16x384xf32> to vector<16x1x384xf32>
    tpu.vector_store %arg3[%swap3A_311, %swap3A_312, %swap3A_313], %swap3A_316 {strides = array<i32>} : memref<16x32x4096xf32, #tpu.memory_space<vmem>>, vector<16x1x384xf32>,
    %get3A_317 = arith.constant 0 : index
    %get3A_318 = arith.constant 1 : index
    %get3A_319 = vector.load %arg4[%get3A_317, %get3A_318] : memref<16x640xf32, #tpu.memory_space<vmem>>, vector<16x384xf32>
    %swap3A_320 = arith.constant 0 : index
    %swap3A_321 = arith.constant 30 : index
    %swap3A_322 = arith.index_cast %multiple_of3A : i32 to index
    %swap3A_323 = vector.load %arg3[%swap3A_320, %swap3A_321, %swap3A_322] : memref<16x32x4096xf32, #tpu.memory_space<vmem>>, vector<16x1x384xf32>
    %swap3A_324 = vector.shape_cast %swap3A_323 : vector<16x1x384xf32> to vector<16x384xf32>
    %swap3A_325 = vector.shape_cast %get3A_319 : vector<16x384xf32> to vector<16x1x384xf32>
    tpu.vector_store %arg3[%swap3A_320, %swap3A_321, %swap3A_322], %swap3A_325 {strides = array<i32>} : memref<16x32x4096xf32, #tpu.memory_space<vmem>>, vector<16x1x384xf32>,
    %get3A_326 = arith.constant 0 : index
    %get3A_327 = arith.constant 0 : index
    %get3A_328 = vector.load %arg4[%get3A_326, %get3A_327] : memref<16x640xf32, #tpu.memory_space<vmem>>, vector<16x384xf32>
    %swap3A_329 = arith.constant 0 : index
    %swap3A_330 = arith.constant 31 : index
    %swap3A_331 = arith.index_cast %multiple_of3A : i32 to index
    %swap3A_332 = vector.load %arg3[%swap3A_329, %swap3A_330, %swap3A_331] : memref<16x32x4096xf32, #tpu.memory_space<vmem>>, vector<16x1x384xf32>
    %swap3A_333 = vector.shape_cast %swap3A_332 : vector<16x1x384xf32> to vector<16x384xf32>
    %swap3A_334 = vector.shape_cast %get3A_328 : vector<16x384xf32> to vector<16x1x384xf32>
    tpu.vector_store %arg3[%swap3A_329, %swap3A_330, %swap3A_331], %swap3A_334 {strides = array<i32>} : memref<16x32x4096xf32, #tpu.memory_space<vmem>>, vector<16x1x384xf32>,
    return
  }
  func.func @transform_0(%arg0: i32, %arg1: memref<1xi32, #tpu.memory_space<smem>>) -> (i32, i32) {
    %c0_i32 = arith.constant 0 : i32
    %c0_i32_0 = arith.constant 0 : i32
    %c0_i32_1 = arith.constant 0 : i32
    return %c0_i32, %c0_i32_0 : i32, i32
  }
  func.func @transform_1(%arg0: i32, %arg1: memref<1xi32, #tpu.memory_space<smem>>) -> (i32, i32, i32) {
    %c0_i32 = arith.constant 0 : i32
    %c0_i32_0 = arith.constant 0 : i32
    %c0_i32_1 = arith.constant 0 : i32
    return %c0_i32, %arg0, %c0_i32_0 : i32, i32, i32
  }
}

</mosaic_0001>

<sc_bundles>
// kernel: kernel.5.cloned.1.call-start
scs
__scs_entry_jumppad:
0x0: {  	(pc) =	sbr.rel $0x88, $3  }
0x1: {  	(tag) =	ssettag $0x0;
	lr =	simm.s32 $0x1  }
0x2: {  	[smem:$0x3F9E] =	sst lr;
	_ =	strace $0xD0000000  }
0x3: {  	_ = 	snop  }
0x4: {  	_ = 	snop  }
0x5: {  	_ = 	snop  }
0x6: {  	_ = 	snop  }
0x7: {  	_ = 	snop  }
__scs_overlays_trampoline_lowered:
0x8: {  	[smem:$0x3FAD] =	sst s0  }
0x9: {  	[smem:$0x3FAE] =	sst s1  }
0xa: {  	[smem:$0x3FAF] =	sst s2  }
0xb: {  	[smem:$0x3FB0] =	sst s3  }
0xc: {  	[smem:$0x3FB1] =	sst s4  }
0xd: {  	[smem:$0x3FB2] =	sst s5  }
0xe: {  	[smem:$0x3FB3] =	sst s6  }
0xf: {  	[smem:$0x3FB4] =	sst s7  }
0x10: {  	[smem:$0x3FB5] =	sst s8  }
0x11: {  	[smem:$0x3FB6] =	sst s9;
	s0 =	simm.s32 @!p0 $0x0  }
0x12: {  	s1 =	sld [smem:$0x3F9C];
	s0 =	simm.s32 @p0 $0x1  }
0x13: {  	[smem:$0x3FB7] =	sst s0;
	s0 =	simm.s32 @!p1 $0x0  }
0x14: {  	s2 =	sld [smem:$0x3F9B];
	s0 =	simm.s32 @p1 $0x1  }
0x15: {  	[smem:$0x3FB8] =	sst s0;
	s0 =	simm.s32 @!p2 $0x0  }
0x16: {  	s3 =	sld [smem:$0x3FDB];
	s0 =	simm.s32 @p2 $0x1  }
0x17: {  	s4 =	simm.s32 $0x1BF5;
	[smem:$0x3FBA] =	sst s0  }
0x18: {  	s0 =	sld [smem:$0x3F9D];
	_ =	swait.ge [sflag:s4], $0x0  }
0x19: {  	s7 =	sld [smem:$0x3F9E]  }
0x1a: {  	s8 =	sadd.s32 $0xFFFFE003, lr  }
0x1b: {  	s9 =	sadd.s32 $0xFFFFFEF7, lr;
	s5 =	simm.s32 $0xFFFFFFFF;
	p2 =	slt.u32 s8, $0xFFFFF086  }
0x1c: {  	p1 =	slt.u32 s9, $0xF7A;
	s5 =	simm.s32 @!p2 $0x0  }
0x1d: {  	s5 =	simm.s32 @p1 $0x1;
	p0 =	seq.s32 s7, s2  }
0x1e: {  	s7 =	smul.u32 @!p0 $0xF7A, s2;
	p2 =	seq.s32 @!p0 s5, $0x0  }
0x1f: {  	s9 =	smul.u32 $0xF7A, s1;
	s8 =	simm.s32 @!p0 $0x1BF5;
	p2 =	por !p2, p0  }
0x20: {  	[sflag:s8] =	ssyncset.s32 @!p0 $0xFFFFF086;
	s6 =	sadd.s32 @!p0 s3, s7;
	s7 =	simm.s32 @!p0 $0x108  }
0x21: {  	s3 =	sadd.s32 s3, s9;
	s6 =	sadd.s32 @!p0 $0x88, s6;
	s7 =	simm.s32 @p2 $0x1082  }
0x22: {  	[simem:s7], [sflag:s8] =	dma.local @!p0 [hbm:s6], $0xF7A  }
0x23: {  	s9 =	sor.u32 $0xD0000000, s2;
	s6 =	simm.s32 $0x108;
	_ =	swait.ge @!p0 [sflag:s8], $0x0  }
0x24: {  	s3 =	sadd.s32 $0x88, s3;
	s6 =	simm.s32 @!p1 $0x1082;
	[sflag:s4] =	ssyncset.s32 $0xFFFFF086  }
0x25: {  	[simem:s6], [sflag:s4] =	dma.local [hbm:s3], $0xF7A  }
0x26: {  	[smem:$0x3F9E] =	sst s1;
	(tag) =	ssettag s2;
	_ =	strace s9  }
0x27: {  	s1 =	sld [smem:$0x3FAE]  }
0x28: {  	s2 =	sld [smem:$0x3FAF]  }
0x29: {  	s4 =	sld [smem:$0x3FB1]  }
0x2a: {  	p0 =	seq.s32 s5, $0x0;
	s5 =	sld [smem:$0x3FB2]  }
0x2b: {  	s6 =	sld [smem:$0x3FB3]  }
0x2c: {  	s7 =	sld [smem:$0x3FB4]  }
0x2d: {  	s3 =	simm.s32 $0x108;
	s8 =	sld [smem:$0x3FB5]  }
0x2e: {  	s3 =	simm.s32 @!p0 $0x1082;
	s9 =	sld [smem:$0x3FB6]  }
0x2f: {  	lr =	sadd.s32 s0, s3;
	s0 =	sld [smem:$0x3FAD]  }
0x30: {  	s3 =	sld [smem:$0x3FB0]  }
0x31: {  	[smem:$0x3FB9] =	sst s10  }
0x32: {  	s10 =	sld [smem:$0x3FB7];
	_ =	sdelay $0x3  }
0x33: {  	p0 =	seq.s32 s10, $0x1;
	s10 =	sld [smem:$0x3FB9];
	_ =	sdelay $0x3  }
0x34: {  	[smem:$0x3FB9] =	sst s10  }
0x35: {  	s10 =	sld [smem:$0x3FB8];
	_ =	sdelay $0x3  }
0x36: {  	p1 =	seq.s32 s10, $0x1;
	s10 =	sld [smem:$0x3FB9];
	_ =	sdelay $0x3  }
0x37: {  	[smem:$0x3FB9] =	sst s10  }
0x38: {  	s10 =	sld [smem:$0x3FBA]  }
0x39: {  	_ = 	snop;
	(pc) =	sbr.ind lr, $3  }
0x3a: {  	_ = 	snop  }
0x3b: {  	_ = 	snop  }
0x3c: {  	p2 =	seq.s32 s10, $0x1;
	s10 =	sld [smem:$0x3FB9]  }
0x3d: {  	_ =	shalt  }
0x3e: {  	_ =	shalt  }
0x3f: {  	_ =	shalt  }
0x40: {  	_ =	shalt  }
0x41: {  	_ =	shalt  }
0x42: {  	_ =	shalt  }
0x43: {  	_ =	shalt  }
0x44: {  	_ =	shalt  }
0x45: {  	_ =	shalt  }
0x46: {  	_ =	shalt  }
0x47: {  	_ =	shalt  }
0x48: {  	_ =	shalt  }
0x49: {  	_ =	shalt  }
0x4a: {  	_ =	shalt  }
0x4b: {  	_ =	shalt  }
0x4c: {  	_ =	shalt  }
0x4d: {  	_ =	shalt  }
0x4e: {  	_ =	shalt  }
0x4f: {  	_ =	shalt  }
0x50: {  	_ =	shalt  }
0x51: {  	_ =	shalt  }
0x52: {  	_ =	shalt  }
0x53: {  	_ =	shalt  }
0x54: {  	_ =	shalt  }
0x55: {  	_ =	shalt  }
0x56: {  	_ =	shalt  }
0x57: {  	_ =	shalt  }
0x58: {  	_ =	shalt  }
0x59: {  	_ =	shalt  }
0x5a: {  	_ =	shalt  }
0x5b: {  	_ =	shalt  }
0x5c: {  	_ =	shalt  }
0x5d: {  	_ =	shalt  }
0x5e: {  	_ =	shalt  }
0x5f: {  	_ =	shalt  }
0x60: {  	_ =	shalt  }
0x61: {  	_ =	shalt  }
0x62: {  	_ =	shalt  }
0x63: {  	_ =	shalt  }
0x64: {  	_ =	shalt  }
0x65: {  	_ =	shalt  }
0x66: {  	_ =	shalt  }
0x67: {  	_ =	shalt  }
0x68: {  	_ =	shalt  }
0x69: {  	_ =	shalt  }
0x6a: {  	_ =	shalt  }
0x6b: {  	_ =	shalt  }
0x6c: {  	_ =	shalt  }
0x6d: {  	_ =	shalt  }
0x6e: {  	_ =	shalt  }
0x6f: {  	_ =	shalt  }
0x70: {  	_ =	shalt  }
0x71: {  	_ =	shalt  }
0x72: {  	_ =	shalt  }
0x73: {  	_ =	shalt  }
0x74: {  	_ =	shalt  }
0x75: {  	_ =	shalt  }
0x76: {  	_ =	shalt  }
0x77: {  	_ =	shalt  }
0x78: {  	_ =	shalt  }
0x79: {  	_ =	shalt  }
0x7a: {  	_ =	shalt  }
0x7b: {  	_ =	shalt  }
0x7c: {  	_ =	shalt  }
0x7d: {  	_ =	shalt  }
0x7e: {  	_ =	shalt  }
0x7f: {  	_ =	shalt  }
0x80: {  	_ =	shalt  }
0x81: {  	_ =	shalt  }
0x82: {  	_ =	shalt  }
0x83: {  	_ =	shalt  }
0x84: {  	_ =	shalt  }
0x85: {  	_ =	shalt  }
0x86: {  	_ =	shalt  }
0x87: {  	_ =	shalt  }
.Lfunc_end0:
.L_simem_size_0:
called_computation_lowered:
.L_overlay_start_0:
0x88: {  	s2 =	sld [smem:$0x3FD9]  }
0x89: {  	s3 =	sld [smem:$0x3FFE];
	_ =	sdelay $0x1  }
0x8a: {  	s1 =	srdreg.scid  }
0x8b: {  	s0 =	sand.u32 $0x1, s1  }
0x8c: {  	s17 =	sshll.u32 s0, $0xA;
	s2 =	sadd.s32 s3, s2  }
0x8d: {  	s2 =	sadd.s32 s2, s17  }
0x8e: {  	[smem:$0x3FC5] =	sst s2  }
0x8f: {  	_ = 	snop  }
0x90: {  	s2 =	sld [smem:$0x3FD0];
	(tm) =	ssettm $0x1  }
0x91: {  	s18 =	sld [smem:$0x3FFB];
	_ =	sdelay $0x3  }
0x92: {  	_ =	strace s18  }
0x93: {  	s3 =	sld [smem:$0x3FFC];
	_ =	sdelay $0x3  }
0x94: {  	_ =	strace s3  }
0x95: {  	s3 =	sld [smem:$0x3FFD];
	_ =	sdelay $0x3  }
0x96: {  	_ =	strace s3  }
0x97: {  	_ =	strace $0x8FFFFFFF  }
0x98: {  	s19 =	sld [smem:$0x3FDB];
	_ =	sdelay $0x1  }
0x99: {  	s4 =	simm.s32 $_scs_section_size  }
0x9a: {  	s5 =	simm.s32 $_size__tile_overlayer_lowered;
	s6 =	simm.s32 $_tile_overlayer_lowered  }
0x9b: {  	s22 =	simm.s32 $0x1BFF;
	s21 =	sshll.u32 s6, $0x1;
	s3 =	sadd.s32 s4, s19  }
0x9c: {  	s7 =	simm.s32 $0x0;
	s20 =	sshll.u32 s5, $0x1;
	s5 =	sadd.s32 s21, s3  }
0x9d: {  	[timem:s7], [sflag:s22] =	dma.local [hbm:s5], s20  }
0x9e: {  	_ =	swait.ge [sflag:s22], s20  }
0x9f: {  	s4 =	ssub.s32 $0x0, s20;
	[sflag:s22] =	ssyncset.done $0x0  }
0xa0: {  	[sflag:s22] =	ssyncadd.s32 s4;
	_ =	sdelay $0x1  }
0xa1: {  	s23 =	simm.s32 $0x1B8B  }
0xa2: {  	_ =	swait.ge [sflag:s23], $0x1  }
0xa3: {  	[sflag:s23] =	ssyncset.done $0x0  }
0xa4: {  	s25 =	simm.s32 $0x1B8E;
	s24 =	sld [smem:$0x3FFE];
	[sflag:s23] =	ssyncadd.s32 $0xFFFFFFFF  }
0xa5: {  	s26 =	simm.s32 $execute0_lowered;
	[smem:$0x3FD2] =	sst s25  }
0xa6: {  	s5 =	sshll.u32 s26, $0x1;
	_ =	strace $0x80000046;
	[dreg:$0x1] =	wrdreg $0xFFFFFFFF  }
0xa7: {  	s28 =	simm.s32 $_size_execute0_lowered;
	s3 =	sadd.s32 s3, s5;
	[dreg:$0x0] =	wrdreg $0x0  }
0xa8: {  	s5 =	sshll.u32 s28, $0x1;
	[dreg:$0x2] =	wrdreg s3  }
0xa9: {  	[dreg:$0x3] =	wrdreg s5  }
0xaa: {  	[dreg:$0x4] =	wrdreg $0xC0  }
0xab: {  	_ =	task [dreg:s7], $0x5FFFF  }
0xac: {  	[dreg:$0x1] =	wrdreg $0xFFFFFFFF  }
0xad: {  	[dreg:$0x0] =	wrdreg $0x60  }
0xae: {  	[dreg:$0x2] =	wrdreg s24  }
0xaf: {  	[dreg:$0x3] =	wrdreg s2  }
0xb0: {  	[dreg:$0x4] =	wrdreg $0x9  }
0xb1: {  	_ =	task.clear_ibuf [dreg:s7], $0x5FFFF;
	_ =	strace $0x90000046  }
0xb2: {  	s29 =	simm.s32 $0x9;
	_ =	strace $0x80000048  }
0xb3: {  	_ =	swait.ge [sflag:s29], $0x1  }
0xb4: {  	[sflag:s29] =	ssyncadd.s32 $0xFFFFFFFF  }
0xb5: {  	_ =	strace $0x90000048  }
0xb6: {  	_ =	sfence  }
0xb7: {  	s30 =	sld [smem:$0x0];
	_ =	sdelay $0x2  }
0xb8: {  	s31 =	sshll.u32 s1, $0xD;
	s1 =	sshrl.u32 s1, $0x2  }
0xb9: {  	s3 =	sand.u32 $0x4000, s31;
	s1 =	sadd.s32 s1, s30  }
0xba: {  	s0 =	sor.u32 s3, s0;
	s1 =	sshll.u32 s1, $0x11  }
0xbb: {  	s0 =	sor.u32 s1, s0  }
0xbc: {  	s0 =	sadd.s32 $0x8F2B, s0  }
0xbd: {  	[sflag:s0] =	ssyncadd.remote.s32 $0x1  }
0xbe: {  	_ =	sfence.sel $0xFFFF  }
0xbf: {  	[dreg:$0x0] =	wrdreg $0xFFFFFFFF;
	(pc) =	sbr.abs _section_cstart, $3  }
0xc0: {  	[dreg:$0x1] =	wrdreg $0xFFFFFFFF  }
0xc1: {  	_ =	task.clear_ibuf [dreg:s7], $0x2FFFF;
	_ =	strace $0x9FFFFFFF  }
0xc2: {  	(tm) =	ssettm $0x7FFFFFFF  }
0xc3: {  	_ =	shalt  }
tec
execute0_lowered:
.L_overlay_start_1:
0x0: {  	(tag) =	ssettag $0x1  }
0x1: {  	s4 =	rddreg [dreg:$0x0]  }
0x2: {  	s5 =	rddreg [dreg:$0x1];
	s2 =	srdreg.scid  }
0x3: {  	s0 =	rddreg [dreg:$0x2];
	s1 =	stileid.u32  }
0x4: {  	s9 =	simm.s32 $0x800;
	s10 =	simm.s32 $0x10000;
	s11 =	simm.s32 $0x300  }
0x5: {  	s3 =	sand.u32 $0x1, s2;
	s2 =	simm.s32 $0x0;
	s6 =	sshll.u32 s1, $0x9  }
0x6: {  	s7 =	sshll.u32 s3, $0x8;
	[smem:$0x7FF] =	sst s2;
	s8 =	ssub.s32 $0x2, s3  }
0x7: {  	s3 =	sadd.s32 $0x800, s4;
	s6 =	sor.u32 s7, s6;
	_ =	strace $0x80000047  }
0x8: {  	s31 =	sshrl.u32 s8, $0x1;
	s7 =	sshrl.u32 s6, $0x3;
	s5 =	sadd.s32 s5, s6  }
0x9: {  	s4 =	sadd.s32 s7, s4;
	s7 =	ssub.s32 s8, s31;
	s8 =	simm.s32 $0x200  }
0xa: {  	s4 =	sadd.s32 $0xC00, s4;
	s6 =	smax.u32 s7, $0x1;
	s7 =	simm.s32 $0x1  }
.LBB2_1:
0xb: {  	[tilespmem:s2], [sflag:$0x1] =	stream.linear.gather [hbm4b:s3+s2], $0x200, $0x38;
	[tilespmem:$0x1300] =	vst v63  }
0xc: {  	_ =	swait.ge [sflag:s7], $0x200  }
0xd: {  	[sflag:s7] =	ssyncset.done $0x0  }
0xe: {  	[sflag:s7] =	ssyncadd.s32 $0xFFFFFE00  }
0xf: {  	[tilespmem:s8], [sflag:$0x1] =	stream.linear.gather [hbm4b:s4+s2], $0x100, $0x38;
	[tilespmem:$0x1300] =	vst v63  }
0x10: {  	_ =	swait.ge [sflag:s7], $0x100  }
0x11: {  	[sflag:s7] =	ssyncset.done $0x0  }
0x12: {  	[sflag:s7] =	ssyncadd.s32 $0xFFFFFF00  }
0x13: {  	v0 =	vld [tilespmem:$0x200];
	_ =	sdelay $0x4  }
0x14: {  	v0 =	vshll.u32 v0, $0x4;
	_ =	sdelay $0x4  }
0x15: {  	v1 =	vld.idx.msk [tilespmem:v0+s2+$0x0], $0xffff  }
0x16: {  	v2 =	vor.u32 $0x1, v0;
	_ =	sdelay $0x3  }
0x17: {  	[tilespmem:$0x300] =	vst v1  }
0x18: {  	v1 =	vld.idx.msk [tilespmem:v2+s2+$0x0], $0xffff  }
0x19: {  	v6 =	vor.u32 $0x2, v0;
	_ =	sdelay $0x3  }
0x1a: {  	[tilespmem:$0x380] =	vst v1  }
0x1b: {  	v1 =	vld.idx.msk [tilespmem:v6+s2+$0x0], $0xffff  }
0x1c: {  	v7 =	vor.u32 $0x3, v0;
	_ =	sdelay $0x3  }
0x1d: {  	[tilespmem:$0x400] =	vst v1  }
0x1e: {  	v1 =	vld.idx.msk [tilespmem:v7+s2+$0x0], $0xffff  }
0x1f: {  	v8 =	vor.u32 $0x4, v0;
	_ =	sdelay $0x3  }
0x20: {  	[tilespmem:$0x480] =	vst v1  }
0x21: {  	v1 =	vld.idx.msk [tilespmem:v8+s2+$0x0], $0xffff  }
0x22: {  	v9 =	vor.u32 $0x5, v0;
	_ =	sdelay $0x3  }
0x23: {  	[tilespmem:$0x500] =	vst v1  }
0x24: {  	v1 =	vld.idx.msk [tilespmem:v9+s2+$0x0], $0xffff  }
0x25: {  	v10 =	vor.u32 $0x6, v0;
	_ =	sdelay $0x3  }
0x26: {  	[tilespmem:$0x580] =	vst v1  }
0x27: {  	v1 =	vld.idx.msk [tilespmem:v10+s2+$0x0], $0xffff  }
0x28: {  	v11 =	vor.u32 $0x7, v0;
	_ =	sdelay $0x3  }
0x29: {  	[tilespmem:$0x600] =	vst v1  }
0x2a: {  	v1 =	vld.idx.msk [tilespmem:v11+s2+$0x0], $0xffff  }
0x2b: {  	v12 =	vor.u32 $0x8, v0;
	_ =	sdelay $0x3  }
0x2c: {  	[tilespmem:$0x680] =	vst v1  }
0x2d: {  	v1 =	vld.idx.msk [tilespmem:v12+s2+$0x0], $0xffff  }
0x2e: {  	v13 =	vor.u32 $0x9, v0;
	_ =	sdelay $0x3  }
0x2f: {  	[tilespmem:$0xB00] =	vst v1  }
0x30: {  	v1 =	vld.idx.msk [tilespmem:v13+s2+$0x0], $0xffff  }
0x31: {  	v14 =	vor.u32 $0xA, v0;
	_ =	sdelay $0x3  }
0x32: {  	[tilespmem:$0xB80] =	vst v1  }
0x33: {  	v1 =	vld.idx.msk [tilespmem:v14+s2+$0x0], $0xffff  }
0x34: {  	v15 =	vor.u32 $0xB, v0;
	_ =	sdelay $0x3  }
0x35: {  	[tilespmem:$0xC00] =	vst v1  }
0x36: {  	v1 =	vld.idx.msk [tilespmem:v15+s2+$0x0], $0xffff  }
0x37: {  	v16 =	vor.u32 $0xC, v0;
	_ =	sdelay $0x3  }
0x38: {  	[tilespmem:$0xC80] =	vst v1  }
0x39: {  	v1 =	vld.idx.msk [tilespmem:v16+s2+$0x0], $0xffff  }
0x3a: {  	v17 =	vor.u32 $0xD, v0;
	_ =	sdelay $0x3  }
0x3b: {  	[tilespmem:$0xD00] =	vst v1  }
0x3c: {  	v1 =	vld.idx.msk [tilespmem:v17+s2+$0x0], $0xffff  }
0x3d: {  	v18 =	vor.u32 $0xE, v0;
	_ =	sdelay $0x3  }
0x3e: {  	[tilespmem:$0xD80] =	vst v1  }
0x3f: {  	v1 =	vld.idx.msk [tilespmem:v18+s2+$0x0], $0xffff  }
0x40: {  	v0 =	vor.u32 $0xF, v0;
	_ =	sdelay $0x3  }
0x41: {  	[tilespmem:$0xE00] =	vst v1  }
0x42: {  	v0 =	vld.idx.msk [tilespmem:v0+s2+$0x0], $0xffff  }
0x43: {  	v19 =	vld [tilespmem:$0x210];
	_ =	sdelay $0x4  }
0x44: {  	v1 =	vshll.u32 v19, $0x4;
	_ =	sdelay $0x3  }
0x45: {  	[tilespmem:$0xE80] =	vst v0  }
0x46: {  	v0 =	vld.idx.msk [tilespmem:v1+s2+$0x0], $0xffff  }
0x47: {  	v20 =	vor.u32 $0x1, v1;
	_ =	sdelay $0x3  }
0x48: {  	[tilespmem:$0x310] =	vst v0  }
0x49: {  	v0 =	vld.idx.msk [tilespmem:v20+s2+$0x0], $0xffff  }
0x4a: {  	v21 =	vor.u32 $0x2, v1;
	_ =	sdelay $0x3  }
0x4b: {  	[tilespmem:$0x390] =	vst v0  }
0x4c: {  	v0 =	vld.idx.msk [tilespmem:v21+s2+$0x0], $0xffff  }
0x4d: {  	v22 =	vor.u32 $0x3, v1;
	_ =	sdelay $0x3  }
0x4e: {  	[tilespmem:$0x410] =	vst v0  }
0x4f: {  	v0 =	vld.idx.msk [tilespmem:v22+s2+$0x0], $0xffff  }
0x50: {  	v23 =	vor.u32 $0x4, v1;
	_ =	sdelay $0x3  }
0x51: {  	[tilespmem:$0x490] =	vst v0  }
0x52: {  	v0 =	vld.idx.msk [tilespmem:v23+s2+$0x0], $0xffff  }
0x53: {  	v24 =	vor.u32 $0x5, v1;
	_ =	sdelay $0x3  }
0x54: {  	[tilespmem:$0x510] =	vst v0  }
0x55: {  	v0 =	vld.idx.msk [tilespmem:v24+s2+$0x0], $0xffff  }
0x56: {  	v25 =	vor.u32 $0x6, v1;
	_ =	sdelay $0x3  }
0x57: {  	[tilespmem:$0x590] =	vst v0  }
0x58: {  	v0 =	vld.idx.msk [tilespmem:v25+s2+$0x0], $0xffff  }
0x59: {  	v26 =	vor.u32 $0x7, v1;
	_ =	sdelay $0x3  }
0x5a: {  	[tilespmem:$0x610] =	vst v0  }
0x5b: {  	v0 =	vld.idx.msk [tilespmem:v26+s2+$0x0], $0xffff  }
0x5c: {  	v27 =	vor.u32 $0x8, v1;
	_ =	sdelay $0x3  }
0x5d: {  	[tilespmem:$0x690] =	vst v0  }
0x5e: {  	v0 =	vld.idx.msk [tilespmem:v27+s2+$0x0], $0xffff  }
0x5f: {  	v28 =	vor.u32 $0x9, v1;
	_ =	sdelay $0x3  }
0x60: {  	[tilespmem:$0xB10] =	vst v0  }
0x61: {  	v0 =	vld.idx.msk [tilespmem:v28+s2+$0x0], $0xffff  }
0x62: {  	v29 =	vor.u32 $0xA, v1;
	_ =	sdelay $0x3  }
0x63: {  	[tilespmem:$0xB90] =	vst v0  }
0x64: {  	v0 =	vld.idx.msk [tilespmem:v29+s2+$0x0], $0xffff  }
0x65: {  	v30 =	vor.u32 $0xB, v1;
	_ =	sdelay $0x3  }
0x66: {  	[tilespmem:$0xC10] =	vst v0  }
0x67: {  	v0 =	vld.idx.msk [tilespmem:v30+s2+$0x0], $0xffff  }
0x68: {  	v31 =	vor.u32 $0xC, v1;
	_ =	sdelay $0x3  }
0x69: {  	[tilespmem:$0xC90] =	vst v0  }
0x6a: {  	v0 =	vld.idx.msk [tilespmem:v31+s2+$0x0], $0xffff  }
0x6b: {  	v32 =	vor.u32 $0xD, v1;
	_ =	sdelay $0x3  }
0x6c: {  	[tilespmem:$0xD10] =	vst v0  }
0x6d: {  	v0 =	vld.idx.msk [tilespmem:v32+s2+$0x0], $0xffff  }
0x6e: {  	v33 =	vor.u32 $0xE, v1;
	_ =	sdelay $0x3  }
0x6f: {  	[tilespmem:$0xD90] =	vst v0  }
0x70: {  	v0 =	vld.idx.msk [tilespmem:v33+s2+$0x0], $0xffff  }
0x71: {  	v1 =	vor.u32 $0xF, v1  }
0x72: {  	v34 =	vld [tilespmem:$0x220];
	_ =	sdelay $0x2  }
0x73: {  	[tilespmem:$0xE10] =	vst v0  }
0x74: {  	v0 =	vld.idx.msk [tilespmem:v1+s2+$0x0], $0xffff  }
0x75: {  	v35 =	vshll.u32 v34, $0x4;
	_ =	sdelay $0x3  }
0x76: {  	[tilespmem:$0xE90] =	vst v0  }
0x77: {  	v0 =	vld.idx.msk [tilespmem:v35+s2+$0x0], $0xffff  }
0x78: {  	v2 =	vor.u32 $0x1, v35;
	_ =	sdelay $0x3  }
0x79: {  	[tilespmem:$0x320] =	vst v0  }
0x7a: {  	v0 =	vld.idx.msk [tilespmem:v2+s2+$0x0], $0xffff  }
0x7b: {  	v36 =	vor.u32 $0x2, v35;
	_ =	sdelay $0x3  }
0x7c: {  	[tilespmem:$0x3A0] =	vst v0  }
0x7d: {  	v0 =	vld.idx.msk [tilespmem:v36+s2+$0x0], $0xffff  }
0x7e: {  	v37 =	vor.u32 $0x3, v35;
	_ =	sdelay $0x3  }
0x7f: {  	[tilespmem:$0x420] =	vst v0  }
0x80: {  	v0 =	vld.idx.msk [tilespmem:v37+s2+$0x0], $0xffff  }
0x81: {  	v38 =	vor.u32 $0x4, v35;
	_ =	sdelay $0x3  }
0x82: {  	[tilespmem:$0x4A0] =	vst v0  }
0x83: {  	v0 =	vld.idx.msk [tilespmem:v38+s2+$0x0], $0xffff  }
0x84: {  	v39 =	vor.u32 $0x5, v35;
	_ =	sdelay $0x3  }
0x85: {  	[tilespmem:$0x520] =	vst v0  }
0x86: {  	v0 =	vld.idx.msk [tilespmem:v39+s2+$0x0], $0xffff  }
0x87: {  	v40 =	vor.u32 $0x6, v35;
	_ =	sdelay $0x3  }
0x88: {  	[tilespmem:$0x5A0] =	vst v0  }
0x89: {  	v0 =	vld.idx.msk [tilespmem:v40+s2+$0x0], $0xffff  }
0x8a: {  	v41 =	vor.u32 $0x7, v35;
	_ =	sdelay $0x3  }
0x8b: {  	[tilespmem:$0x620] =	vst v0  }
0x8c: {  	v0 =	vld.idx.msk [tilespmem:v41+s2+$0x0], $0xffff  }
0x8d: {  	v42 =	vor.u32 $0x8, v35;
	_ =	sdelay $0x3  }
0x8e: {  	[tilespmem:$0x6A0] =	vst v0  }
0x8f: {  	v0 =	vld.idx.msk [tilespmem:v42+s2+$0x0], $0xffff  }
0x90: {  	v43 =	vor.u32 $0x9, v35;
	_ =	sdelay $0x3  }
0x91: {  	[tilespmem:$0xB20] =	vst v0  }
0x92: {  	v0 =	vld.idx.msk [tilespmem:v43+s2+$0x0], $0xffff  }
0x93: {  	v44 =	vor.u32 $0xA, v35;
	_ =	sdelay $0x3  }
0x94: {  	[tilespmem:$0xBA0] =	vst v0  }
0x95: {  	v0 =	vld.idx.msk [tilespmem:v44+s2+$0x0], $0xffff  }
0x96: {  	v45 =	vor.u32 $0xB, v35;
	_ =	sdelay $0x3  }
0x97: {  	[tilespmem:$0xC20] =	vst v0  }
0x98: {  	v0 =	vld.idx.msk [tilespmem:v45+s2+$0x0], $0xffff  }
0x99: {  	v46 =	vor.u32 $0xC, v35;
	_ =	sdelay $0x3  }
0x9a: {  	[tilespmem:$0xCA0] =	vst v0  }
0x9b: {  	v0 =	vld.idx.msk [tilespmem:v46+s2+$0x0], $0xffff  }
0x9c: {  	v47 =	vor.u32 $0xD, v35;
	_ =	sdelay $0x3  }
0x9d: {  	[tilespmem:$0xD20] =	vst v0  }
0x9e: {  	v0 =	vld.idx.msk [tilespmem:v47+s2+$0x0], $0xffff  }
0x9f: {  	v48 =	vor.u32 $0xE, v35;
	_ =	sdelay $0x3  }
0xa0: {  	[tilespmem:$0xDA0] =	vst v0  }
0xa1: {  	v0 =	vld.idx.msk [tilespmem:v48+s2+$0x0], $0xffff  }
0xa2: {  	v1 =	vor.u32 $0xF, v35  }
0xa3: {  	v49 =	vld [tilespmem:$0x230];
	_ =	sdelay $0x2  }
0xa4: {  	[tilespmem:$0xE20] =	vst v0  }
0xa5: {  	v0 =	vld.idx.msk [tilespmem:v1+s2+$0x0], $0xffff  }
0xa6: {  	v50 =	vshll.u32 v49, $0x4;
	_ =	sdelay $0x3  }
0xa7: {  	[tilespmem:$0xEA0] =	vst v0  }
0xa8: {  	v0 =	vld.idx.msk [tilespmem:v50+s2+$0x0], $0xffff  }
0xa9: {  	v2 =	vor.u32 $0x1, v50;
	_ =	sdelay $0x3  }
0xaa: {  	[tilespmem:$0x330] =	vst v0  }
0xab: {  	v0 =	vld.idx.msk [tilespmem:v2+s2+$0x0], $0xffff  }
0xac: {  	v51 =	vor.u32 $0x2, v50;
	_ =	sdelay $0x3  }
0xad: {  	[tilespmem:$0x3B0] =	vst v0  }
0xae: {  	v0 =	vld.idx.msk [tilespmem:v51+s2+$0x0], $0xffff  }
0xaf: {  	v52 =	vor.u32 $0x3, v50;
	_ =	sdelay $0x3  }
0xb0: {  	[tilespmem:$0x430] =	vst v0  }
0xb1: {  	v0 =	vld.idx.msk [tilespmem:v52+s2+$0x0], $0xffff  }
0xb2: {  	v53 =	vor.u32 $0x4, v50;
	_ =	sdelay $0x3  }
0xb3: {  	[tilespmem:$0x4B0] =	vst v0  }
0xb4: {  	v0 =	vld.idx.msk [tilespmem:v53+s2+$0x0], $0xffff  }
0xb5: {  	v54 =	vor.u32 $0x5, v50;
	_ =	sdelay $0x3  }
0xb6: {  	[tilespmem:$0x530] =	vst v0  }
0xb7: {  	v0 =	vld.idx.msk [tilespmem:v54+s2+$0x0], $0xffff  }
0xb8: {  	v55 =	vor.u32 $0x6, v50;
	_ =	sdelay $0x3  }
0xb9: {  	[tilespmem:$0x5B0] =	vst v0  }
0xba: {  	v0 =	vld.idx.msk [tilespmem:v55+s2+$0x0], $0xffff  }
0xbb: {  	v56 =	vor.u32 $0x7, v50;
	_ =	sdelay $0x3  }
0xbc: {  	[tilespmem:$0x630] =	vst v0  }
0xbd: {  	v0 =	vld.idx.msk [tilespmem:v56+s2+$0x0], $0xffff  }
0xbe: {  	v57 =	vor.u32 $0x8, v50;
	_ =	sdelay $0x3  }
0xbf: {  	[tilespmem:$0x6B0] =	vst v0  }
0xc0: {  	v0 =	vld.idx.msk [tilespmem:v57+s2+$0x0], $0xffff  }
0xc1: {  	v58 =	vor.u32 $0x9, v50;
	_ =	sdelay $0x3  }
0xc2: {  	[tilespmem:$0xB30] =	vst v0  }
0xc3: {  	v0 =	vld.idx.msk [tilespmem:v58+s2+$0x0], $0xffff  }
0xc4: {  	v59 =	vor.u32 $0xA, v50;
	_ =	sdelay $0x3  }
0xc5: {  	[tilespmem:$0xBB0] =	vst v0  }
0xc6: {  	v0 =	vld.idx.msk [tilespmem:v59+s2+$0x0], $0xffff  }
0xc7: {  	v60 =	vor.u32 $0xB, v50;
	_ =	sdelay $0x3  }
0xc8: {  	[tilespmem:$0xC30] =	vst v0  }
0xc9: {  	v0 =	vld.idx.msk [tilespmem:v60+s2+$0x0], $0xffff  }
0xca: {  	v61 =	vor.u32 $0xC, v50;
	_ =	sdelay $0x3  }
0xcb: {  	[tilespmem:$0xCB0] =	vst v0  }
0xcc: {  	v0 =	vld.idx.msk [tilespmem:v61+s2+$0x0], $0xffff  }
0xcd: {  	v62 =	vor.u32 $0xD, v50;
	_ =	sdelay $0x3  }
0xce: {  	[tilespmem:$0xD30] =	vst v0  }
0xcf: {  	v0 =	vld.idx.msk [tilespmem:v62+s2+$0x0], $0xffff  }
0xd0: {  	v63 =	vor.u32 $0xE, v50;
	_ =	sdelay $0x3  }
0xd1: {  	[tilespmem:$0xDB0] =	vst v0  }
0xd2: {  	v0 =	vld.idx.msk [tilespmem:v63+s2+$0x0], $0xffff  }
0xd3: {  	v1 =	vor.u32 $0xF, v50  }
0xd4: {  	v4 =	vld [tilespmem:$0x240];
	_ =	sdelay $0x2  }
0xd5: {  	[tilespmem:$0xE30] =	vst v0  }
0xd6: {  	v0 =	vld.idx.msk [tilespmem:v1+s2+$0x0], $0xffff  }
0xd7: {  	v5 =	vshll.u32 v4, $0x4;
	_ =	sdelay $0x3  }
0xd8: {  	[tilespmem:$0xEB0] =	vst v0  }
0xd9: {  	v0 =	vld.idx.msk [tilespmem:v5+s2+$0x0], $0xffff  }
0xda: {  	v2 =	vor.u32 $0x1, v5;
	_ =	sdelay $0x3  }
0xdb: {  	[tilespmem:$0x340] =	vst v0  }
0xdc: {  	v0 =	vld.idx.msk [tilespmem:v2+s2+$0x0], $0xffff  }
0xdd: {  	v6 =	vor.u32 $0x2, v5;
	_ =	sdelay $0x3  }
0xde: {  	[tilespmem:$0x3C0] =	vst v0  }
0xdf: {  	v0 =	vld.idx.msk [tilespmem:v6+s2+$0x0], $0xffff  }
0xe0: {  	v7 =	vor.u32 $0x3, v5;
	_ =	sdelay $0x3  }
0xe1: {  	[tilespmem:$0x440] =	vst v0  }
0xe2: {  	v0 =	vld.idx.msk [tilespmem:v7+s2+$0x0], $0xffff  }
0xe3: {  	v8 =	vor.u32 $0x4, v5;
	_ =	sdelay $0x3  }
0xe4: {  	[tilespmem:$0x4C0] =	vst v0  }
0xe5: {  	v0 =	vld.idx.msk [tilespmem:v8+s2+$0x0], $0xffff  }
0xe6: {  	v9 =	vor.u32 $0x5, v5;
	_ =	sdelay $0x3  }
0xe7: {  	[tilespmem:$0x540] =	vst v0  }
0xe8: {  	v0 =	vld.idx.msk [tilespmem:v9+s2+$0x0], $0xffff  }
0xe9: {  	v10 =	vor.u32 $0x6, v5;
	_ =	sdelay $0x3  }
0xea: {  	[tilespmem:$0x5C0] =	vst v0  }
0xeb: {  	v0 =	vld.idx.msk [tilespmem:v10+s2+$0x0], $0xffff  }
0xec: {  	v11 =	vor.u32 $0x7, v5;
	_ =	sdelay $0x3  }
0xed: {  	[tilespmem:$0x640] =	vst v0  }
0xee: {  	v0 =	vld.idx.msk [tilespmem:v11+s2+$0x0], $0xffff  }
0xef: {  	v12 =	vor.u32 $0x8, v5;
	_ =	sdelay $0x3  }
0xf0: {  	[tilespmem:$0x6C0] =	vst v0  }
0xf1: {  	v0 =	vld.idx.msk [tilespmem:v12+s2+$0x0], $0xffff  }
0xf2: {  	v13 =	vor.u32 $0x9, v5;
	_ =	sdelay $0x3  }
0xf3: {  	[tilespmem:$0xB40] =	vst v0  }
0xf4: {  	v0 =	vld.idx.msk [tilespmem:v13+s2+$0x0], $0xffff  }
0xf5: {  	v14 =	vor.u32 $0xA, v5;
	_ =	sdelay $0x3  }
0xf6: {  	[tilespmem:$0xBC0] =	vst v0  }
0xf7: {  	v0 =	vld.idx.msk [tilespmem:v14+s2+$0x0], $0xffff  }
0xf8: {  	v15 =	vor.u32 $0xB, v5;
	_ =	sdelay $0x3  }
0xf9: {  	[tilespmem:$0xC40] =	vst v0  }
0xfa: {  	v0 =	vld.idx.msk [tilespmem:v15+s2+$0x0], $0xffff  }
0xfb: {  	v16 =	vor.u32 $0xC, v5;
	_ =	sdelay $0x3  }
0xfc: {  	[tilespmem:$0xCC0] =	vst v0  }
0xfd: {  	v0 =	vld.idx.msk [tilespmem:v16+s2+$0x0], $0xffff  }
0xfe: {  	v17 =	vor.u32 $0xD, v5;
	_ =	sdelay $0x3  }
0xff: {  	[tilespmem:$0xD40] =	vst v0  }
0x100: {  	v0 =	vld.idx.msk [tilespmem:v17+s2+$0x0], $0xffff  }
0x101: {  	v18 =	vor.u32 $0xE, v5;
	_ =	sdelay $0x3  }
0x102: {  	[tilespmem:$0xDC0] =	vst v0  }
0x103: {  	v0 =	vld.idx.msk [tilespmem:v18+s2+$0x0], $0xffff  }
0x104: {  	v1 =	vor.u32 $0xF, v5  }
0x105: {  	v19 =	vld [tilespmem:$0x250];
	_ =	sdelay $0x2  }
0x106: {  	[tilespmem:$0xE40] =	vst v0  }
0x107: {  	v0 =	vld.idx.msk [tilespmem:v1+s2+$0x0], $0xffff  }
0x108: {  	v20 =	vshll.u32 v19, $0x4;
	_ =	sdelay $0x3  }
0x109: {  	[tilespmem:$0xEC0] =	vst v0  }
0x10a: {  	v0 =	vld.idx.msk [tilespmem:v20+s2+$0x0], $0xffff  }
0x10b: {  	v2 =	vor.u32 $0x1, v20;
	_ =	sdelay $0x3  }
0x10c: {  	[tilespmem:$0x350] =	vst v0  }
0x10d: {  	v0 =	vld.idx.msk [tilespmem:v2+s2+$0x0], $0xffff  }
0x10e: {  	v21 =	vor.u32 $0x2, v20;
	_ =	sdelay $0x3  }
0x10f: {  	[tilespmem:$0x3D0] =	vst v0  }
0x110: {  	v0 =	vld.idx.msk [tilespmem:v21+s2+$0x0], $0xffff  }
0x111: {  	v22 =	vor.u32 $0x3, v20;
	_ =	sdelay $0x3  }
0x112: {  	[tilespmem:$0x450] =	vst v0  }
0x113: {  	v0 =	vld.idx.msk [tilespmem:v22+s2+$0x0], $0xffff  }
0x114: {  	v23 =	vor.u32 $0x4, v20;
	_ =	sdelay $0x3  }
0x115: {  	[tilespmem:$0x4D0] =	vst v0  }
0x116: {  	v0 =	vld.idx.msk [tilespmem:v23+s2+$0x0], $0xffff  }
0x117: {  	v24 =	vor.u32 $0x5, v20;
	_ =	sdelay $0x3  }
0x118: {  	[tilespmem:$0x550] =	vst v0  }
0x119: {  	v0 =	vld.idx.msk [tilespmem:v24+s2+$0x0], $0xffff  }
0x11a: {  	v25 =	vor.u32 $0x6, v20;
	_ =	sdelay $0x3  }
0x11b: {  	[tilespmem:$0x5D0] =	vst v0  }
0x11c: {  	v0 =	vld.idx.msk [tilespmem:v25+s2+$0x0], $0xffff  }
0x11d: {  	v26 =	vor.u32 $0x7, v20;
	_ =	sdelay $0x3  }
0x11e: {  	[tilespmem:$0x650] =	vst v0  }
0x11f: {  	v0 =	vld.idx.msk [tilespmem:v26+s2+$0x0], $0xffff  }
0x120: {  	v27 =	vor.u32 $0x8, v20;
	_ =	sdelay $0x3  }
0x121: {  	[tilespmem:$0x6D0] =	vst v0  }
0x122: {  	v0 =	vld.idx.msk [tilespmem:v27+s2+$0x0], $0xffff  }
0x123: {  	v28 =	vor.u32 $0x9, v20;
	_ =	sdelay $0x3  }
0x124: {  	[tilespmem:$0xB50] =	vst v0  }
0x125: {  	v0 =	vld.idx.msk [tilespmem:v28+s2+$0x0], $0xffff  }
0x126: {  	v29 =	vor.u32 $0xA, v20;
	_ =	sdelay $0x3  }
0x127: {  	[tilespmem:$0xBD0] =	vst v0  }
0x128: {  	v0 =	vld.idx.msk [tilespmem:v29+s2+$0x0], $0xffff  }
0x129: {  	v30 =	vor.u32 $0xB, v20;
	_ =	sdelay $0x3  }
0x12a: {  	[tilespmem:$0xC50] =	vst v0  }
0x12b: {  	v0 =	vld.idx.msk [tilespmem:v30+s2+$0x0], $0xffff  }
0x12c: {  	v31 =	vor.u32 $0xC, v20;
	_ =	sdelay $0x3  }
0x12d: {  	[tilespmem:$0xCD0] =	vst v0  }
0x12e: {  	v0 =	vld.idx.msk [tilespmem:v31+s2+$0x0], $0xffff  }
0x12f: {  	v32 =	vor.u32 $0xD, v20;
	_ =	sdelay $0x3  }
0x130: {  	[tilespmem:$0xD50] =	vst v0  }
0x131: {  	v0 =	vld.idx.msk [tilespmem:v32+s2+$0x0], $0xffff  }
0x132: {  	v33 =	vor.u32 $0xE, v20;
	_ =	sdelay $0x3  }
0x133: {  	[tilespmem:$0xDD0] =	vst v0  }
0x134: {  	v0 =	vld.idx.msk [tilespmem:v33+s2+$0x0], $0xffff  }
0x135: {  	v1 =	vor.u32 $0xF, v20  }
0x136: {  	v34 =	vld [tilespmem:$0x260];
	_ =	sdelay $0x2  }
0x137: {  	[tilespmem:$0xE50] =	vst v0  }
0x138: {  	v0 =	vld.idx.msk [tilespmem:v1+s2+$0x0], $0xffff  }
0x139: {  	v35 =	vshll.u32 v34, $0x4;
	_ =	sdelay $0x3  }
0x13a: {  	[tilespmem:$0xED0] =	vst v0  }
0x13b: {  	v0 =	vld.idx.msk [tilespmem:v35+s2+$0x0], $0xffff  }
0x13c: {  	v2 =	vor.u32 $0x1, v35;
	_ =	sdelay $0x3  }
0x13d: {  	[tilespmem:$0x360] =	vst v0  }
0x13e: {  	v0 =	vld.idx.msk [tilespmem:v2+s2+$0x0], $0xffff  }
0x13f: {  	v36 =	vor.u32 $0x2, v35;
	_ =	sdelay $0x3  }
0x140: {  	[tilespmem:$0x3E0] =	vst v0  }
0x141: {  	v0 =	vld.idx.msk [tilespmem:v36+s2+$0x0], $0xffff  }
0x142: {  	v37 =	vor.u32 $0x3, v35;
	_ =	sdelay $0x3  }
0x143: {  	[tilespmem:$0x460] =	vst v0  }
0x144: {  	v0 =	vld.idx.msk [tilespmem:v37+s2+$0x0], $0xffff  }
0x145: {  	v38 =	vor.u32 $0x4, v35;
	_ =	sdelay $0x3  }
0x146: {  	[tilespmem:$0x4E0] =	vst v0  }
0x147: {  	v0 =	vld.idx.msk [tilespmem:v38+s2+$0x0], $0xffff  }
0x148: {  	v39 =	vor.u32 $0x5, v35;
	_ =	sdelay $0x3  }
0x149: {  	[tilespmem:$0x560] =	vst v0  }
0x14a: {  	v0 =	vld.idx.msk [tilespmem:v39+s2+$0x0], $0xffff  }
0x14b: {  	v40 =	vor.u32 $0x6, v35;
	_ =	sdelay $0x3  }
0x14c: {  	[tilespmem:$0x5E0] =	vst v0  }
0x14d: {  	v0 =	vld.idx.msk [tilespmem:v40+s2+$0x0], $0xffff  }
0x14e: {  	v41 =	vor.u32 $0x7, v35;
	_ =	sdelay $0x3  }
0x14f: {  	[tilespmem:$0x660] =	vst v0  }
0x150: {  	v0 =	vld.idx.msk [tilespmem:v41+s2+$0x0], $0xffff  }
0x151: {  	v42 =	vor.u32 $0x8, v35;
	_ =	sdelay $0x3  }
0x152: {  	[tilespmem:$0x6E0] =	vst v0  }
0x153: {  	v0 =	vld.idx.msk [tilespmem:v42+s2+$0x0], $0xffff  }
0x154: {  	v43 =	vor.u32 $0x9, v35;
	_ =	sdelay $0x3  }
0x155: {  	[tilespmem:$0xB60] =	vst v0  }
0x156: {  	v0 =	vld.idx.msk [tilespmem:v43+s2+$0x0], $0xffff  }
0x157: {  	v44 =	vor.u32 $0xA, v35;
	_ =	sdelay $0x3  }
0x158: {  	[tilespmem:$0xBE0] =	vst v0  }
0x159: {  	v0 =	vld.idx.msk [tilespmem:v44+s2+$0x0], $0xffff  }
0x15a: {  	v45 =	vor.u32 $0xB, v35;
	_ =	sdelay $0x3  }
0x15b: {  	[tilespmem:$0xC60] =	vst v0  }
0x15c: {  	v0 =	vld.idx.msk [tilespmem:v45+s2+$0x0], $0xffff  }
0x15d: {  	v46 =	vor.u32 $0xC, v35;
	_ =	sdelay $0x3  }
0x15e: {  	[tilespmem:$0xCE0] =	vst v0  }
0x15f: {  	v0 =	vld.idx.msk [tilespmem:v46+s2+$0x0], $0xffff  }
0x160: {  	v47 =	vor.u32 $0xD, v35;
	_ =	sdelay $0x3  }
0x161: {  	[tilespmem:$0xD60] =	vst v0  }
0x162: {  	v0 =	vld.idx.msk [tilespmem:v47+s2+$0x0], $0xffff  }
0x163: {  	v48 =	vor.u32 $0xE, v35;
	_ =	sdelay $0x3  }
0x164: {  	[tilespmem:$0xDE0] =	vst v0  }
0x165: {  	v0 =	vld.idx.msk [tilespmem:v48+s2+$0x0], $0xffff  }
0x166: {  	v1 =	vor.u32 $0xF, v35  }
0x167: {  	v49 =	vld [tilespmem:$0x270];
	_ =	sdelay $0x2  }
0x168: {  	[tilespmem:$0xE60] =	vst v0  }
0x169: {  	v0 =	vld.idx.msk [tilespmem:v1+s2+$0x0], $0xffff  }
0x16a: {  	v50 =	vshll.u32 v49, $0x4;
	_ =	sdelay $0x3  }
0x16b: {  	[tilespmem:$0xEE0] =	vst v0  }
0x16c: {  	v0 =	vld.idx.msk [tilespmem:v50+s2+$0x0], $0xffff  }
0x16d: {  	v2 =	vor.u32 $0x1, v50;
	_ =	sdelay $0x3  }
0x16e: {  	[tilespmem:$0x370] =	vst v0  }
0x16f: {  	v0 =	vld.idx.msk [tilespmem:v2+s2+$0x0], $0xffff  }
0x170: {  	v51 =	vor.u32 $0x2, v50;
	_ =	sdelay $0x3  }
0x171: {  	[tilespmem:$0x3F0] =	vst v0  }
0x172: {  	v0 =	vld.idx.msk [tilespmem:v51+s2+$0x0], $0xffff  }
0x173: {  	v52 =	vor.u32 $0x3, v50;
	_ =	sdelay $0x3  }
0x174: {  	[tilespmem:$0x470] =	vst v0  }
0x175: {  	v0 =	vld.idx.msk [tilespmem:v52+s2+$0x0], $0xffff  }
0x176: {  	v53 =	vor.u32 $0x4, v50;
	_ =	sdelay $0x3  }
0x177: {  	[tilespmem:$0x4F0] =	vst v0  }
0x178: {  	v0 =	vld.idx.msk [tilespmem:v53+s2+$0x0], $0xffff  }
0x179: {  	v54 =	vor.u32 $0x5, v50;
	_ =	sdelay $0x3  }
0x17a: {  	[tilespmem:$0x570] =	vst v0  }
0x17b: {  	v0 =	vld.idx.msk [tilespmem:v54+s2+$0x0], $0xffff  }
0x17c: {  	v55 =	vor.u32 $0x6, v50;
	_ =	sdelay $0x3  }
0x17d: {  	[tilespmem:$0x5F0] =	vst v0  }
0x17e: {  	v0 =	vld.idx.msk [tilespmem:v55+s2+$0x0], $0xffff  }
0x17f: {  	v56 =	vor.u32 $0x7, v50;
	_ =	sdelay $0x3  }
0x180: {  	[tilespmem:$0x670] =	vst v0  }
0x181: {  	v0 =	vld.idx.msk [tilespmem:v56+s2+$0x0], $0xffff  }
0x182: {  	v57 =	vor.u32 $0x8, v50;
	_ =	sdelay $0x3  }
0x183: {  	[tilespmem:$0x6F0] =	vst v0  }
0x184: {  	v0 =	vld.idx.msk [tilespmem:v57+s2+$0x0], $0xffff  }
0x185: {  	v58 =	vor.u32 $0x9, v50;
	_ =	sdelay $0x3  }
0x186: {  	[tilespmem:$0xB70] =	vst v0  }
0x187: {  	v0 =	vld.idx.msk [tilespmem:v58+s2+$0x0], $0xffff  }
0x188: {  	v59 =	vor.u32 $0xA, v50;
	_ =	sdelay $0x3  }
0x189: {  	[tilespmem:$0xBF0] =	vst v0  }
0x18a: {  	v0 =	vld.idx.msk [tilespmem:v59+s2+$0x0], $0xffff  }
0x18b: {  	v60 =	vor.u32 $0xB, v50;
	_ =	sdelay $0x3  }
0x18c: {  	[tilespmem:$0xC70] =	vst v0  }
0x18d: {  	v0 =	vld.idx.msk [tilespmem:v60+s2+$0x0], $0xffff  }
0x18e: {  	v61 =	vor.u32 $0xC, v50;
	_ =	sdelay $0x3  }
0x18f: {  	[tilespmem:$0xCF0] =	vst v0  }
0x190: {  	v0 =	vld.idx.msk [tilespmem:v61+s2+$0x0], $0xffff  }
0x191: {  	v62 =	vor.u32 $0xD, v50;
	_ =	sdelay $0x3  }
0x192: {  	[tilespmem:$0xD70] =	vst v0  }
0x193: {  	v0 =	vld.idx.msk [tilespmem:v62+s2+$0x0], $0xffff  }
0x194: {  	v63 =	vor.u32 $0xE, v50;
	_ =	sdelay $0x3  }
0x195: {  	[tilespmem:$0xDF0] =	vst v0  }
0x196: {  	v0 =	vld.idx.msk [tilespmem:v63+s2+$0x0], $0xffff  }
0x197: {  	v1 =	vor.u32 $0xF, v50  }
0x198: {  	v4 =	vld [tilespmem:$0x280];
	_ =	sdelay $0x2  }
0x199: {  	[tilespmem:$0xE70] =	vst v0  }
0x19a: {  	v0 =	vld.idx.msk [tilespmem:v1+s2+$0x0], $0xffff  }
0x19b: {  	v5 =	vshll.u32 v4, $0x4;
	_ =	sdelay $0x3  }
0x19c: {  	[tilespmem:$0xEF0] =	vst v0  }
0x19d: {  	v0 =	vld.idx.msk [tilespmem:v5+s2+$0x0], $0xffff  }
0x19e: {  	v2 =	vor.u32 $0x1, v5;
	_ =	sdelay $0x3  }
0x19f: {  	[tilespmem:$0x700] =	vst v0  }
0x1a0: {  	v0 =	vld.idx.msk [tilespmem:v2+s2+$0x0], $0xffff  }
0x1a1: {  	v6 =	vor.u32 $0x2, v5;
	_ =	sdelay $0x3  }
0x1a2: {  	[tilespmem:$0x780] =	vst v0  }
0x1a3: {  	v0 =	vld.idx.msk [tilespmem:v6+s2+$0x0], $0xffff  }
0x1a4: {  	v7 =	vor.u32 $0x3, v5;
	_ =	sdelay $0x3  }
0x1a5: {  	[tilespmem:$0x800] =	vst v0  }
0x1a6: {  	v0 =	vld.idx.msk [tilespmem:v7+s2+$0x0], $0xffff  }
0x1a7: {  	v8 =	vor.u32 $0x4, v5;
	_ =	sdelay $0x3  }
0x1a8: {  	[tilespmem:$0x880] =	vst v0  }
0x1a9: {  	v0 =	vld.idx.msk [tilespmem:v8+s2+$0x0], $0xffff  }
0x1aa: {  	v9 =	vor.u32 $0x5, v5;
	_ =	sdelay $0x3  }
0x1ab: {  	[tilespmem:$0x900] =	vst v0  }
0x1ac: {  	v0 =	vld.idx.msk [tilespmem:v9+s2+$0x0], $0xffff  }
0x1ad: {  	v10 =	vor.u32 $0x6, v5;
	_ =	sdelay $0x3  }
0x1ae: {  	[tilespmem:$0x980] =	vst v0  }
0x1af: {  	v0 =	vld.idx.msk [tilespmem:v10+s2+$0x0], $0xffff  }
0x1b0: {  	v11 =	vor.u32 $0x7, v5;
	_ =	sdelay $0x3  }
0x1b1: {  	[tilespmem:$0xA00] =	vst v0  }
0x1b2: {  	v0 =	vld.idx.msk [tilespmem:v11+s2+$0x0], $0xffff  }
0x1b3: {  	v12 =	vor.u32 $0x8, v5;
	_ =	sdelay $0x3  }
0x1b4: {  	[tilespmem:$0xA80] =	vst v0  }
0x1b5: {  	v0 =	vld.idx.msk [tilespmem:v12+s2+$0x0], $0xffff  }
0x1b6: {  	v13 =	vor.u32 $0x9, v5;
	_ =	sdelay $0x3  }
0x1b7: {  	[tilespmem:$0xF00] =	vst v0  }
0x1b8: {  	v0 =	vld.idx.msk [tilespmem:v13+s2+$0x0], $0xffff  }
0x1b9: {  	v14 =	vor.u32 $0xA, v5;
	_ =	sdelay $0x3  }
0x1ba: {  	[tilespmem:$0xF80] =	vst v0  }
0x1bb: {  	v0 =	vld.idx.msk [tilespmem:v14+s2+$0x0], $0xffff  }
0x1bc: {  	v15 =	vor.u32 $0xB, v5;
	_ =	sdelay $0x3  }
0x1bd: {  	[tilespmem:$0x1000] =	vst v0  }
0x1be: {  	v0 =	vld.idx.msk [tilespmem:v15+s2+$0x0], $0xffff  }
0x1bf: {  	v16 =	vor.u32 $0xC, v5;
	_ =	sdelay $0x3  }
0x1c0: {  	[tilespmem:$0x1080] =	vst v0  }
0x1c1: {  	v0 =	vld.idx.msk [tilespmem:v16+s2+$0x0], $0xffff  }
0x1c2: {  	v17 =	vor.u32 $0xD, v5;
	_ =	sdelay $0x3  }
0x1c3: {  	[tilespmem:$0x1100] =	vst v0  }
0x1c4: {  	v0 =	vld.idx.msk [tilespmem:v17+s2+$0x0], $0xffff  }
0x1c5: {  	v18 =	vor.u32 $0xE, v5;
	_ =	sdelay $0x3  }
0x1c6: {  	[tilespmem:$0x1180] =	vst v0  }
0x1c7: {  	v0 =	vld.idx.msk [tilespmem:v18+s2+$0x0], $0xffff  }
0x1c8: {  	v1 =	vor.u32 $0xF, v5  }
0x1c9: {  	v19 =	vld [tilespmem:$0x290];
	_ =	sdelay $0x2  }
0x1ca: {  	[tilespmem:$0x1200] =	vst v0  }
0x1cb: {  	v0 =	vld.idx.msk [tilespmem:v1+s2+$0x0], $0xffff  }
0x1cc: {  	v20 =	vshll.u32 v19, $0x4;
	_ =	sdelay $0x3  }
0x1cd: {  	[tilespmem:$0x1280] =	vst v0  }
0x1ce: {  	v0 =	vld.idx.msk [tilespmem:v20+s2+$0x0], $0xffff  }
0x1cf: {  	v2 =	vor.u32 $0x1, v20;
	_ =	sdelay $0x3  }
0x1d0: {  	[tilespmem:$0x710] =	vst v0  }
0x1d1: {  	v0 =	vld.idx.msk [tilespmem:v2+s2+$0x0], $0xffff  }
0x1d2: {  	v21 =	vor.u32 $0x2, v20;
	_ =	sdelay $0x3  }
0x1d3: {  	[tilespmem:$0x790] =	vst v0  }
0x1d4: {  	v0 =	vld.idx.msk [tilespmem:v21+s2+$0x0], $0xffff  }
0x1d5: {  	v22 =	vor.u32 $0x3, v20;
	_ =	sdelay $0x3  }
0x1d6: {  	[tilespmem:$0x810] =	vst v0  }
0x1d7: {  	v0 =	vld.idx.msk [tilespmem:v22+s2+$0x0], $0xffff  }
0x1d8: {  	v23 =	vor.u32 $0x4, v20;
	_ =	sdelay $0x3  }
0x1d9: {  	[tilespmem:$0x890] =	vst v0  }
0x1da: {  	v0 =	vld.idx.msk [tilespmem:v23+s2+$0x0], $0xffff  }
0x1db: {  	v24 =	vor.u32 $0x5, v20;
	_ =	sdelay $0x3  }
0x1dc: {  	[tilespmem:$0x910] =	vst v0  }
0x1dd: {  	v0 =	vld.idx.msk [tilespmem:v24+s2+$0x0], $0xffff  }
0x1de: {  	v25 =	vor.u32 $0x6, v20;
	_ =	sdelay $0x3  }
0x1df: {  	[tilespmem:$0x990] =	vst v0  }
0x1e0: {  	v0 =	vld.idx.msk [tilespmem:v25+s2+$0x0], $0xffff  }
0x1e1: {  	v26 =	vor.u32 $0x7, v20;
	_ =	sdelay $0x3  }
0x1e2: {  	[tilespmem:$0xA10] =	vst v0  }
0x1e3: {  	v0 =	vld.idx.msk [tilespmem:v26+s2+$0x0], $0xffff  }
0x1e4: {  	v27 =	vor.u32 $0x8, v20;
	_ =	sdelay $0x3  }
0x1e5: {  	[tilespmem:$0xA90] =	vst v0  }
0x1e6: {  	v0 =	vld.idx.msk [tilespmem:v27+s2+$0x0], $0xffff  }
0x1e7: {  	v28 =	vor.u32 $0x9, v20;
	_ =	sdelay $0x3  }
0x1e8: {  	[tilespmem:$0xF10] =	vst v0  }
0x1e9: {  	v0 =	vld.idx.msk [tilespmem:v28+s2+$0x0], $0xffff  }
0x1ea: {  	v29 =	vor.u32 $0xA, v20;
	_ =	sdelay $0x3  }
0x1eb: {  	[tilespmem:$0xF90] =	vst v0  }
0x1ec: {  	v0 =	vld.idx.msk [tilespmem:v29+s2+$0x0], $0xffff  }
0x1ed: {  	v30 =	vor.u32 $0xB, v20;
	_ =	sdelay $0x3  }
0x1ee: {  	[tilespmem:$0x1010] =	vst v0  }
0x1ef: {  	v0 =	vld.idx.msk [tilespmem:v30+s2+$0x0], $0xffff  }
0x1f0: {  	v31 =	vor.u32 $0xC, v20;
	_ =	sdelay $0x3  }
0x1f1: {  	[tilespmem:$0x1090] =	vst v0  }
0x1f2: {  	v0 =	vld.idx.msk [tilespmem:v31+s2+$0x0], $0xffff  }
0x1f3: {  	v32 =	vor.u32 $0xD, v20;
	_ =	sdelay $0x3  }
0x1f4: {  	[tilespmem:$0x1110] =	vst v0  }
0x1f5: {  	v0 =	vld.idx.msk [tilespmem:v32+s2+$0x0], $0xffff  }
0x1f6: {  	v33 =	vor.u32 $0xE, v20;
	_ =	sdelay $0x3  }
0x1f7: {  	[tilespmem:$0x1190] =	vst v0  }
0x1f8: {  	v0 =	vld.idx.msk [tilespmem:v33+s2+$0x0], $0xffff  }
0x1f9: {  	v1 =	vor.u32 $0xF, v20  }
0x1fa: {  	v34 =	vld [tilespmem:$0x2A0];
	_ =	sdelay $0x2  }
0x1fb: {  	[tilespmem:$0x1210] =	vst v0  }
0x1fc: {  	v0 =	vld.idx.msk [tilespmem:v1+s2+$0x0], $0xffff  }
0x1fd: {  	v35 =	vshll.u32 v34, $0x4;
	_ =	sdelay $0x3  }
0x1fe: {  	[tilespmem:$0x1290] =	vst v0  }
0x1ff: {  	v0 =	vld.idx.msk [tilespmem:v35+s2+$0x0], $0xffff  }
0x200: {  	v2 =	vor.u32 $0x1, v35;
	_ =	sdelay $0x3  }
0x201: {  	[tilespmem:$0x720] =	vst v0  }
0x202: {  	v0 =	vld.idx.msk [tilespmem:v2+s2+$0x0], $0xffff  }
0x203: {  	v36 =	vor.u32 $0x2, v35;
	_ =	sdelay $0x3  }
0x204: {  	[tilespmem:$0x7A0] =	vst v0  }
0x205: {  	v0 =	vld.idx.msk [tilespmem:v36+s2+$0x0], $0xffff  }
0x206: {  	v37 =	vor.u32 $0x3, v35;
	_ =	sdelay $0x3  }
0x207: {  	[tilespmem:$0x820] =	vst v0  }
0x208: {  	v0 =	vld.idx.msk [tilespmem:v37+s2+$0x0], $0xffff  }
0x209: {  	v38 =	vor.u32 $0x4, v35;
	_ =	sdelay $0x3  }
0x20a: {  	[tilespmem:$0x8A0] =	vst v0  }
0x20b: {  	v0 =	vld.idx.msk [tilespmem:v38+s2+$0x0], $0xffff  }
0x20c: {  	v39 =	vor.u32 $0x5, v35;
	_ =	sdelay $0x3  }
0x20d: {  	[tilespmem:$0x920] =	vst v0  }
0x20e: {  	v0 =	vld.idx.msk [tilespmem:v39+s2+$0x0], $0xffff  }
0x20f: {  	v40 =	vor.u32 $0x6, v35;
	_ =	sdelay $0x3  }
0x210: {  	[tilespmem:$0x9A0] =	vst v0  }
0x211: {  	v0 =	vld.idx.msk [tilespmem:v40+s2+$0x0], $0xffff  }
0x212: {  	v41 =	vor.u32 $0x7, v35;
	_ =	sdelay $0x3  }
0x213: {  	[tilespmem:$0xA20] =	vst v0  }
0x214: {  	v0 =	vld.idx.msk [tilespmem:v41+s2+$0x0], $0xffff  }
0x215: {  	v42 =	vor.u32 $0x8, v35;
	_ =	sdelay $0x3  }
0x216: {  	[tilespmem:$0xAA0] =	vst v0  }
0x217: {  	v0 =	vld.idx.msk [tilespmem:v42+s2+$0x0], $0xffff  }
0x218: {  	v43 =	vor.u32 $0x9, v35;
	_ =	sdelay $0x3  }
0x219: {  	[tilespmem:$0xF20] =	vst v0  }
0x21a: {  	v0 =	vld.idx.msk [tilespmem:v43+s2+$0x0], $0xffff  }
0x21b: {  	v44 =	vor.u32 $0xA, v35;
	_ =	sdelay $0x3  }
0x21c: {  	[tilespmem:$0xFA0] =	vst v0  }
0x21d: {  	v0 =	vld.idx.msk [tilespmem:v44+s2+$0x0], $0xffff  }
0x21e: {  	v45 =	vor.u32 $0xB, v35;
	_ =	sdelay $0x3  }
0x21f: {  	[tilespmem:$0x1020] =	vst v0  }
0x220: {  	v0 =	vld.idx.msk [tilespmem:v45+s2+$0x0], $0xffff  }
0x221: {  	v46 =	vor.u32 $0xC, v35;
	_ =	sdelay $0x3  }
0x222: {  	[tilespmem:$0x10A0] =	vst v0  }
0x223: {  	v0 =	vld.idx.msk [tilespmem:v46+s2+$0x0], $0xffff  }
0x224: {  	v47 =	vor.u32 $0xD, v35;
	_ =	sdelay $0x3  }
0x225: {  	[tilespmem:$0x1120] =	vst v0  }
0x226: {  	v0 =	vld.idx.msk [tilespmem:v47+s2+$0x0], $0xffff  }
0x227: {  	v48 =	vor.u32 $0xE, v35;
	_ =	sdelay $0x3  }
0x228: {  	[tilespmem:$0x11A0] =	vst v0  }
0x229: {  	v0 =	vld.idx.msk [tilespmem:v48+s2+$0x0], $0xffff  }
0x22a: {  	v1 =	vor.u32 $0xF, v35  }
0x22b: {  	v49 =	vld [tilespmem:$0x2B0];
	_ =	sdelay $0x2  }
0x22c: {  	[tilespmem:$0x1220] =	vst v0  }
0x22d: {  	v0 =	vld.idx.msk [tilespmem:v1+s2+$0x0], $0xffff  }
0x22e: {  	v50 =	vshll.u32 v49, $0x4;
	_ =	sdelay $0x3  }
0x22f: {  	[tilespmem:$0x12A0] =	vst v0  }
0x230: {  	v0 =	vld.idx.msk [tilespmem:v50+s2+$0x0], $0xffff  }
0x231: {  	v2 =	vor.u32 $0x1, v50;
	_ =	sdelay $0x3  }
0x232: {  	[tilespmem:$0x730] =	vst v0  }
0x233: {  	v0 =	vld.idx.msk [tilespmem:v2+s2+$0x0], $0xffff  }
0x234: {  	v51 =	vor.u32 $0x2, v50;
	_ =	sdelay $0x3  }
0x235: {  	[tilespmem:$0x7B0] =	vst v0  }
0x236: {  	v0 =	vld.idx.msk [tilespmem:v51+s2+$0x0], $0xffff  }
0x237: {  	v52 =	vor.u32 $0x3, v50;
	_ =	sdelay $0x3  }
0x238: {  	[tilespmem:$0x830] =	vst v0  }
0x239: {  	v0 =	vld.idx.msk [tilespmem:v52+s2+$0x0], $0xffff  }
0x23a: {  	v53 =	vor.u32 $0x4, v50;
	_ =	sdelay $0x3  }
0x23b: {  	[tilespmem:$0x8B0] =	vst v0  }
0x23c: {  	v0 =	vld.idx.msk [tilespmem:v53+s2+$0x0], $0xffff  }
0x23d: {  	v54 =	vor.u32 $0x5, v50;
	_ =	sdelay $0x3  }
0x23e: {  	[tilespmem:$0x930] =	vst v0  }
0x23f: {  	v0 =	vld.idx.msk [tilespmem:v54+s2+$0x0], $0xffff  }
0x240: {  	v55 =	vor.u32 $0x6, v50;
	_ =	sdelay $0x3  }
0x241: {  	[tilespmem:$0x9B0] =	vst v0  }
0x242: {  	v0 =	vld.idx.msk [tilespmem:v55+s2+$0x0], $0xffff  }
0x243: {  	v56 =	vor.u32 $0x7, v50;
	_ =	sdelay $0x3  }
0x244: {  	[tilespmem:$0xA30] =	vst v0  }
0x245: {  	v0 =	vld.idx.msk [tilespmem:v56+s2+$0x0], $0xffff  }
0x246: {  	v57 =	vor.u32 $0x8, v50;
	_ =	sdelay $0x3  }
0x247: {  	[tilespmem:$0xAB0] =	vst v0  }
0x248: {  	v0 =	vld.idx.msk [tilespmem:v57+s2+$0x0], $0xffff  }
0x249: {  	v58 =	vor.u32 $0x9, v50;
	_ =	sdelay $0x3  }
0x24a: {  	[tilespmem:$0xF30] =	vst v0  }
0x24b: {  	v0 =	vld.idx.msk [tilespmem:v58+s2+$0x0], $0xffff  }
0x24c: {  	v59 =	vor.u32 $0xA, v50;
	_ =	sdelay $0x3  }
0x24d: {  	[tilespmem:$0xFB0] =	vst v0  }
0x24e: {  	v0 =	vld.idx.msk [tilespmem:v59+s2+$0x0], $0xffff  }
0x24f: {  	v60 =	vor.u32 $0xB, v50;
	_ =	sdelay $0x3  }
0x250: {  	[tilespmem:$0x1030] =	vst v0  }
0x251: {  	v0 =	vld.idx.msk [tilespmem:v60+s2+$0x0], $0xffff  }
0x252: {  	v61 =	vor.u32 $0xC, v50;
	_ =	sdelay $0x3  }
0x253: {  	[tilespmem:$0x10B0] =	vst v0  }
0x254: {  	v0 =	vld.idx.msk [tilespmem:v61+s2+$0x0], $0xffff  }
0x255: {  	v62 =	vor.u32 $0xD, v50;
	_ =	sdelay $0x3  }
0x256: {  	[tilespmem:$0x1130] =	vst v0  }
0x257: {  	v0 =	vld.idx.msk [tilespmem:v62+s2+$0x0], $0xffff  }
0x258: {  	v63 =	vor.u32 $0xE, v50;
	_ =	sdelay $0x3  }
0x259: {  	[tilespmem:$0x11B0] =	vst v0  }
0x25a: {  	v0 =	vld.idx.msk [tilespmem:v63+s2+$0x0], $0xffff  }
0x25b: {  	v1 =	vor.u32 $0xF, v50  }
0x25c: {  	v4 =	vld [tilespmem:$0x2C0];
	_ =	sdelay $0x2  }
0x25d: {  	[tilespmem:$0x1230] =	vst v0  }
0x25e: {  	v0 =	vld.idx.msk [tilespmem:v1+s2+$0x0], $0xffff  }
0x25f: {  	v5 =	vshll.u32 v4, $0x4;
	_ =	sdelay $0x3  }
0x260: {  	[tilespmem:$0x12B0] =	vst v0  }
0x261: {  	v0 =	vld.idx.msk [tilespmem:v5+s2+$0x0], $0xffff  }
0x262: {  	v2 =	vor.u32 $0x1, v5;
	_ =	sdelay $0x3  }
0x263: {  	[tilespmem:$0x740] =	vst v0  }
0x264: {  	v0 =	vld.idx.msk [tilespmem:v2+s2+$0x0], $0xffff  }
0x265: {  	v6 =	vor.u32 $0x2, v5;
	_ =	sdelay $0x3  }
0x266: {  	[tilespmem:$0x7C0] =	vst v0  }
0x267: {  	v0 =	vld.idx.msk [tilespmem:v6+s2+$0x0], $0xffff  }
0x268: {  	v7 =	vor.u32 $0x3, v5;
	_ =	sdelay $0x3  }
0x269: {  	[tilespmem:$0x840] =	vst v0  }
0x26a: {  	v0 =	vld.idx.msk [tilespmem:v7+s2+$0x0], $0xffff  }
0x26b: {  	v8 =	vor.u32 $0x4, v5;
	_ =	sdelay $0x3  }
0x26c: {  	[tilespmem:$0x8C0] =	vst v0  }
0x26d: {  	v0 =	vld.idx.msk [tilespmem:v8+s2+$0x0], $0xffff  }
0x26e: {  	v9 =	vor.u32 $0x5, v5;
	_ =	sdelay $0x3  }
0x26f: {  	[tilespmem:$0x940] =	vst v0  }
0x270: {  	v0 =	vld.idx.msk [tilespmem:v9+s2+$0x0], $0xffff  }
0x271: {  	v10 =	vor.u32 $0x6, v5;
	_ =	sdelay $0x3  }
0x272: {  	[tilespmem:$0x9C0] =	vst v0  }
0x273: {  	v0 =	vld.idx.msk [tilespmem:v10+s2+$0x0], $0xffff  }
0x274: {  	v11 =	vor.u32 $0x7, v5;
	_ =	sdelay $0x3  }
0x275: {  	[tilespmem:$0xA40] =	vst v0  }
0x276: {  	v0 =	vld.idx.msk [tilespmem:v11+s2+$0x0], $0xffff  }
0x277: {  	v12 =	vor.u32 $0x8, v5;
	_ =	sdelay $0x3  }
0x278: {  	[tilespmem:$0xAC0] =	vst v0  }
0x279: {  	v0 =	vld.idx.msk [tilespmem:v12+s2+$0x0], $0xffff  }
0x27a: {  	v13 =	vor.u32 $0x9, v5;
	_ =	sdelay $0x3  }
0x27b: {  	[tilespmem:$0xF40] =	vst v0  }
0x27c: {  	v0 =	vld.idx.msk [tilespmem:v13+s2+$0x0], $0xffff  }
0x27d: {  	v14 =	vor.u32 $0xA, v5;
	_ =	sdelay $0x3  }
0x27e: {  	[tilespmem:$0xFC0] =	vst v0  }
0x27f: {  	v0 =	vld.idx.msk [tilespmem:v14+s2+$0x0], $0xffff  }
0x280: {  	v15 =	vor.u32 $0xB, v5;
	_ =	sdelay $0x3  }
0x281: {  	[tilespmem:$0x1040] =	vst v0  }
0x282: {  	v0 =	vld.idx.msk [tilespmem:v15+s2+$0x0], $0xffff  }
0x283: {  	v16 =	vor.u32 $0xC, v5;
	_ =	sdelay $0x3  }
0x284: {  	[tilespmem:$0x10C0] =	vst v0  }
0x285: {  	v0 =	vld.idx.msk [tilespmem:v16+s2+$0x0], $0xffff  }
0x286: {  	v17 =	vor.u32 $0xD, v5;
	_ =	sdelay $0x3  }
0x287: {  	[tilespmem:$0x1140] =	vst v0  }
0x288: {  	v0 =	vld.idx.msk [tilespmem:v17+s2+$0x0], $0xffff  }
0x289: {  	v18 =	vor.u32 $0xE, v5;
	_ =	sdelay $0x3  }
0x28a: {  	[tilespmem:$0x11C0] =	vst v0  }
0x28b: {  	v0 =	vld.idx.msk [tilespmem:v18+s2+$0x0], $0xffff  }
0x28c: {  	v1 =	vor.u32 $0xF, v5  }
0x28d: {  	v19 =	vld [tilespmem:$0x2D0];
	_ =	sdelay $0x2  }
0x28e: {  	[tilespmem:$0x1240] =	vst v0  }
0x28f: {  	v0 =	vld.idx.msk [tilespmem:v1+s2+$0x0], $0xffff  }
0x290: {  	v20 =	vshll.u32 v19, $0x4;
	_ =	sdelay $0x3  }
0x291: {  	[tilespmem:$0x12C0] =	vst v0  }
0x292: {  	v0 =	vld.idx.msk [tilespmem:v20+s2+$0x0], $0xffff  }
0x293: {  	v2 =	vor.u32 $0x1, v20;
	_ =	sdelay $0x3  }
0x294: {  	[tilespmem:$0x750] =	vst v0  }
0x295: {  	v0 =	vld.idx.msk [tilespmem:v2+s2+$0x0], $0xffff  }
0x296: {  	v21 =	vor.u32 $0x2, v20;
	_ =	sdelay $0x3  }
0x297: {  	[tilespmem:$0x7D0] =	vst v0  }
0x298: {  	v0 =	vld.idx.msk [tilespmem:v21+s2+$0x0], $0xffff  }
0x299: {  	v22 =	vor.u32 $0x3, v20;
	_ =	sdelay $0x3  }
0x29a: {  	[tilespmem:$0x850] =	vst v0  }
0x29b: {  	v0 =	vld.idx.msk [tilespmem:v22+s2+$0x0], $0xffff  }
0x29c: {  	v23 =	vor.u32 $0x4, v20;
	_ =	sdelay $0x3  }
0x29d: {  	[tilespmem:$0x8D0] =	vst v0  }
0x29e: {  	v0 =	vld.idx.msk [tilespmem:v23+s2+$0x0], $0xffff  }
0x29f: {  	v24 =	vor.u32 $0x5, v20;
	_ =	sdelay $0x3  }
0x2a0: {  	[tilespmem:$0x950] =	vst v0  }
0x2a1: {  	v0 =	vld.idx.msk [tilespmem:v24+s2+$0x0], $0xffff  }
0x2a2: {  	v25 =	vor.u32 $0x6, v20;
	_ =	sdelay $0x3  }
0x2a3: {  	[tilespmem:$0x9D0] =	vst v0  }
0x2a4: {  	v0 =	vld.idx.msk [tilespmem:v25+s2+$0x0], $0xffff  }
0x2a5: {  	v26 =	vor.u32 $0x7, v20;
	_ =	sdelay $0x3  }
0x2a6: {  	[tilespmem:$0xA50] =	vst v0  }
0x2a7: {  	v0 =	vld.idx.msk [tilespmem:v26+s2+$0x0], $0xffff  }
0x2a8: {  	v27 =	vor.u32 $0x8, v20;
	_ =	sdelay $0x3  }
0x2a9: {  	[tilespmem:$0xAD0] =	vst v0  }
0x2aa: {  	v0 =	vld.idx.msk [tilespmem:v27+s2+$0x0], $0xffff  }
0x2ab: {  	v28 =	vor.u32 $0x9, v20;
	_ =	sdelay $0x3  }
0x2ac: {  	[tilespmem:$0xF50] =	vst v0  }
0x2ad: {  	v0 =	vld.idx.msk [tilespmem:v28+s2+$0x0], $0xffff  }
0x2ae: {  	v29 =	vor.u32 $0xA, v20;
	_ =	sdelay $0x3  }
0x2af: {  	[tilespmem:$0xFD0] =	vst v0  }
0x2b0: {  	v0 =	vld.idx.msk [tilespmem:v29+s2+$0x0], $0xffff  }
0x2b1: {  	v30 =	vor.u32 $0xB, v20;
	_ =	sdelay $0x3  }
0x2b2: {  	[tilespmem:$0x1050] =	vst v0  }
0x2b3: {  	v0 =	vld.idx.msk [tilespmem:v30+s2+$0x0], $0xffff  }
0x2b4: {  	v31 =	vor.u32 $0xC, v20;
	_ =	sdelay $0x3  }
0x2b5: {  	[tilespmem:$0x10D0] =	vst v0  }
0x2b6: {  	v0 =	vld.idx.msk [tilespmem:v31+s2+$0x0], $0xffff  }
0x2b7: {  	v32 =	vor.u32 $0xD, v20;
	_ =	sdelay $0x3  }
0x2b8: {  	[tilespmem:$0x1150] =	vst v0  }
0x2b9: {  	v0 =	vld.idx.msk [tilespmem:v32+s2+$0x0], $0xffff  }
0x2ba: {  	v33 =	vor.u32 $0xE, v20;
	_ =	sdelay $0x3  }
0x2bb: {  	[tilespmem:$0x11D0] =	vst v0  }
0x2bc: {  	v0 =	vld.idx.msk [tilespmem:v33+s2+$0x0], $0xffff  }
0x2bd: {  	v1 =	vor.u32 $0xF, v20  }
0x2be: {  	v34 =	vld [tilespmem:$0x2E0];
	_ =	sdelay $0x2  }
0x2bf: {  	[tilespmem:$0x1250] =	vst v0  }
0x2c0: {  	v0 =	vld.idx.msk [tilespmem:v1+s2+$0x0], $0xffff  }
0x2c1: {  	v35 =	vshll.u32 v34, $0x4;
	_ =	sdelay $0x3  }
0x2c2: {  	[tilespmem:$0x12D0] =	vst v0  }
0x2c3: {  	v0 =	vld.idx.msk [tilespmem:v35+s2+$0x0], $0xffff  }
0x2c4: {  	v2 =	vor.u32 $0x1, v35;
	_ =	sdelay $0x3  }
0x2c5: {  	[tilespmem:$0x760] =	vst v0  }
0x2c6: {  	v0 =	vld.idx.msk [tilespmem:v2+s2+$0x0], $0xffff  }
0x2c7: {  	v36 =	vor.u32 $0x2, v35;
	_ =	sdelay $0x3  }
0x2c8: {  	[tilespmem:$0x7E0] =	vst v0  }
0x2c9: {  	v0 =	vld.idx.msk [tilespmem:v36+s2+$0x0], $0xffff  }
0x2ca: {  	v37 =	vor.u32 $0x3, v35;
	_ =	sdelay $0x3  }
0x2cb: {  	[tilespmem:$0x860] =	vst v0  }
0x2cc: {  	v0 =	vld.idx.msk [tilespmem:v37+s2+$0x0], $0xffff  }
0x2cd: {  	v38 =	vor.u32 $0x4, v35;
	_ =	sdelay $0x3  }
0x2ce: {  	[tilespmem:$0x8E0] =	vst v0  }
0x2cf: {  	v0 =	vld.idx.msk [tilespmem:v38+s2+$0x0], $0xffff  }
0x2d0: {  	v39 =	vor.u32 $0x5, v35;
	_ =	sdelay $0x3  }
0x2d1: {  	[tilespmem:$0x960] =	vst v0  }
0x2d2: {  	v0 =	vld.idx.msk [tilespmem:v39+s2+$0x0], $0xffff  }
0x2d3: {  	v40 =	vor.u32 $0x6, v35;
	_ =	sdelay $0x3  }
0x2d4: {  	[tilespmem:$0x9E0] =	vst v0  }
0x2d5: {  	v0 =	vld.idx.msk [tilespmem:v40+s2+$0x0], $0xffff  }
0x2d6: {  	v41 =	vor.u32 $0x7, v35;
	_ =	sdelay $0x3  }
0x2d7: {  	[tilespmem:$0xA60] =	vst v0  }
0x2d8: {  	v0 =	vld.idx.msk [tilespmem:v41+s2+$0x0], $0xffff  }
0x2d9: {  	v42 =	vor.u32 $0x8, v35;
	_ =	sdelay $0x3  }
0x2da: {  	[tilespmem:$0xAE0] =	vst v0  }
0x2db: {  	v0 =	vld.idx.msk [tilespmem:v42+s2+$0x0], $0xffff  }
0x2dc: {  	v43 =	vor.u32 $0x9, v35;
	_ =	sdelay $0x3  }
0x2dd: {  	[tilespmem:$0xF60] =	vst v0  }
0x2de: {  	v0 =	vld.idx.msk [tilespmem:v43+s2+$0x0], $0xffff  }
0x2df: {  	v44 =	vor.u32 $0xA, v35;
	_ =	sdelay $0x3  }
0x2e0: {  	[tilespmem:$0xFE0] =	vst v0  }
0x2e1: {  	v0 =	vld.idx.msk [tilespmem:v44+s2+$0x0], $0xffff  }
0x2e2: {  	v45 =	vor.u32 $0xB, v35;
	_ =	sdelay $0x3  }
0x2e3: {  	[tilespmem:$0x1060] =	vst v0  }
0x2e4: {  	v0 =	vld.idx.msk [tilespmem:v45+s2+$0x0], $0xffff  }
0x2e5: {  	v46 =	vor.u32 $0xC, v35;
	_ =	sdelay $0x3  }
0x2e6: {  	[tilespmem:$0x10E0] =	vst v0  }
0x2e7: {  	v0 =	vld.idx.msk [tilespmem:v46+s2+$0x0], $0xffff  }
0x2e8: {  	v47 =	vor.u32 $0xD, v35;
	_ =	sdelay $0x3  }
0x2e9: {  	[tilespmem:$0x1160] =	vst v0  }
0x2ea: {  	v0 =	vld.idx.msk [tilespmem:v47+s2+$0x0], $0xffff  }
0x2eb: {  	v48 =	vor.u32 $0xE, v35;
	_ =	sdelay $0x3  }
0x2ec: {  	[tilespmem:$0x11E0] =	vst v0  }
0x2ed: {  	v0 =	vld.idx.msk [tilespmem:v48+s2+$0x0], $0xffff  }
0x2ee: {  	v1 =	vor.u32 $0xF, v35  }
0x2ef: {  	v49 =	vld [tilespmem:$0x2F0];
	_ =	sdelay $0x2  }
0x2f0: {  	[tilespmem:$0x1260] =	vst v0  }
0x2f1: {  	v0 =	vld.idx.msk [tilespmem:v1+s2+$0x0], $0xffff  }
0x2f2: {  	v50 =	vshll.u32 v49, $0x4;
	_ =	sdelay $0x3  }
0x2f3: {  	[tilespmem:$0x12E0] =	vst v0  }
0x2f4: {  	v0 =	vld.idx.msk [tilespmem:v50+s2+$0x0], $0xffff  }
0x2f5: {  	v2 =	vor.u32 $0x1, v50;
	_ =	sdelay $0x3  }
0x2f6: {  	[tilespmem:$0x770] =	vst v0  }
0x2f7: {  	v0 =	vld.idx.msk [tilespmem:v2+s2+$0x0], $0xffff  }
0x2f8: {  	v51 =	vor.u32 $0x2, v50;
	_ =	sdelay $0x3  }
0x2f9: {  	[tilespmem:$0x7F0] =	vst v0  }
0x2fa: {  	v0 =	vld.idx.msk [tilespmem:v51+s2+$0x0], $0xffff  }
0x2fb: {  	v52 =	vor.u32 $0x3, v50;
	_ =	sdelay $0x3  }
0x2fc: {  	[tilespmem:$0x870] =	vst v0  }
0x2fd: {  	v0 =	vld.idx.msk [tilespmem:v52+s2+$0x0], $0xffff  }
0x2fe: {  	v53 =	vor.u32 $0x4, v50;
	_ =	sdelay $0x3  }
0x2ff: {  	[tilespmem:$0x8F0] =	vst v0  }
0x300: {  	v0 =	vld.idx.msk [tilespmem:v53+s2+$0x0], $0xffff  }
0x301: {  	v54 =	vor.u32 $0x5, v50;
	_ =	sdelay $0x3  }
0x302: {  	[tilespmem:$0x970] =	vst v0  }
0x303: {  	v0 =	vld.idx.msk [tilespmem:v54+s2+$0x0], $0xffff  }
0x304: {  	v55 =	vor.u32 $0x6, v50;
	_ =	sdelay $0x3  }
0x305: {  	[tilespmem:$0x9F0] =	vst v0  }
0x306: {  	v0 =	vld.idx.msk [tilespmem:v55+s2+$0x0], $0xffff  }
0x307: {  	v56 =	vor.u32 $0x7, v50;
	_ =	sdelay $0x3  }
0x308: {  	[tilespmem:$0xA70] =	vst v0  }
0x309: {  	v0 =	vld.idx.msk [tilespmem:v56+s2+$0x0], $0xffff  }
0x30a: {  	v57 =	vor.u32 $0x8, v50;
	_ =	sdelay $0x3  }
0x30b: {  	[tilespmem:$0xAF0] =	vst v0  }
0x30c: {  	v0 =	vld.idx.msk [tilespmem:v57+s2+$0x0], $0xffff  }
0x30d: {  	v58 =	vor.u32 $0x9, v50;
	_ =	sdelay $0x3  }
0x30e: {  	[tilespmem:$0xF70] =	vst v0  }
0x30f: {  	v0 =	vld.idx.msk [tilespmem:v58+s2+$0x0], $0xffff  }
0x310: {  	v59 =	vor.u32 $0xA, v50;
	_ =	sdelay $0x3  }
0x311: {  	[tilespmem:$0xFF0] =	vst v0  }
0x312: {  	v0 =	vld.idx.msk [tilespmem:v59+s2+$0x0], $0xffff  }
0x313: {  	v60 =	vor.u32 $0xB, v50;
	_ =	sdelay $0x3  }
0x314: {  	[tilespmem:$0x1070] =	vst v0  }
0x315: {  	v0 =	vld.idx.msk [tilespmem:v60+s2+$0x0], $0xffff  }
0x316: {  	v61 =	vor.u32 $0xC, v50;
	_ =	sdelay $0x3  }
0x317: {  	[tilespmem:$0x10F0] =	vst v0  }
0x318: {  	v0 =	vld.idx.msk [tilespmem:v61+s2+$0x0], $0xffff  }
0x319: {  	v62 =	vor.u32 $0xD, v50;
	_ =	sdelay $0x3  }
0x31a: {  	[tilespmem:$0x1170] =	vst v0  }
0x31b: {  	v0 =	vld.idx.msk [tilespmem:v62+s2+$0x0], $0xffff  }
0x31c: {  	v63 =	vor.u32 $0xE, v50;
	_ =	sdelay $0x3  }
0x31d: {  	[tilespmem:$0x11F0] =	vst v0  }
0x31e: {  	v0 =	vld.idx.msk [tilespmem:v63+s2+$0x0], $0xffff  }
0x31f: {  	v1 =	vor.u32 $0xF, v50;
	_ =	sdelay $0x3  }
0x320: {  	[tilespmem:$0x1270] =	vst v0  }
0x321: {  	v0 =	vld.idx.msk [tilespmem:v1+s2+$0x0], $0xffff;
	_ =	sdelay $0x3  }
0x322: {  	p0 =	sne.s32 s6, $0x1  }
.Ltmp0:
0x323: {  	[tilespmem:$0x12F0] =	vst v0;
	(pc) =	sbr.rel @p0 .LBB2_1-.Ltmp0, $4  }
0x324: {  	[hbm4b:s5+s9] =	stream.strided.scatter [tilespmem:s11], [sflag:$0x1], $0x1000, s10, s9, $0x38;
	[tilespmem:$0x1300] =	vst v63  }
0x325: {  	_ =	swait.ge [sflag:s7], $0x1000  }
0x326: {  	[sflag:s7] =	ssyncset.done $0x0  }
0x327: {  	s6 =	sadd.s32 $0xFFFFFFFF, s6;
	[sflag:s7] =	ssyncadd.s32 $0xFFFFF000  }
0x328: {  	_ =	sfence.sel $0x180000  }
0x329: {  	[bflag:$0x0] =	sbarrier.arrive $0xFFFF  }
0x32a: {  	p0 =	sne.s32 s1, $0x0;
	_ =	strace $0x90000047  }
0x32b: {  	s0 =	sadd.s32 @!p0 $0x100000, s0;
	[bflag:$0x2] =	sbarrier.arrive $0xFFFF  }
0x32c: {  	[sflag:s0] =	ssyncadd.tile.s32 @!p0 $0x1;
	_ =	shalt  }
.Lfunc_end2:
_tile_overlayer_lowered:
.L_overlay_start_2:
0x32d: {  	(tag) =	ssettag $0x2  }
0x32e: {  	s0 =	rddreg [dreg:$0x0];
	s2 =	stileid.u32  }
0x32f: {  	s1 =	rddreg [dreg:$0x1];
	p0 =	sne.s32 s2, $0x0  }
0x330: {  	s3 =	rddreg [dreg:$0x2];
	[bflag:$0x3] =	sbarrier.arrive $0xFFFF;
	s2 =	simm.s32 @!p0 $0x1C01  }
0x331: {  	[timem:s3], [sflag:s2] =	dma.local @!p0 [hbm:s0], s1  }
0x332: {  	s0 =	simm.s32 @!p0 $0x1  }
0x333: {  	_ =	swait.ge @!p0 [sflag:s0], s1  }
0x334: {  	s1 =	ssub.s32 @!p0 $0x0, s1;
	[sflag:s0] =	ssyncset.done @!p0 $0x0  }
0x335: {  	[sflag:s0] =	ssyncadd.s32 @!p0 s1  }
0x336: {  	[bflag:$0x3] =	sbarrier.arrive $0xFFFF  }
0x337: {  	_ =	shalt  }

</sc_bundles>
